<compile_context>
chip_gen: v7x
topology: tpu7x:2x2x1
jax: 0.10.2.dev20260603
libtpu: 0.0.44.dev20260713+nightly
codegen_flags: <defaults>
</compile_context>

<pallas_src>
import functools

import jax
import jax.numpy as jnp
from jax import lax
from jax.experimental import pallas as pl
from jax.experimental.pallas import tpu as pltpu
from jax.experimental.pallas import tpu_sc as plsc

B = 16384
D_EMB = 32
_N_SCHOOL = 102
_N_GOAL = 22
_N_METHOD = 12

_NC = 2
_NS = 16
_NW = _NC * _NS
_BPW = B // _NW
_L = 16

_TC_BLK = 4096


def _sc_gather_body(sidx, gidx, midx, tab, out,
                    tab_v, idx_v, rows_v, tsem, isem, wsem):
    wid = lax.axis_index("s") * _NC + lax.axis_index("c")
    base = wid * _BPW
    idxs = (sidx, gidx, midx)
    copies = [pltpu.async_copy(tab, tab_v, tsem)]
    copies += [pltpu.async_copy(idxs[t].at[pl.ds(base, _BPW)],
                                idx_v.at[t], isem) for t in range(3)]
    for c in copies:
        c.wait()
    iota16 = lax.iota(jnp.int32, _L)
    colvs = [jnp.bitwise_and(c + iota16, D_EMB - 1) for c in range(D_EMB)]

    tab_base = (0, _N_SCHOOL * D_EMB, (_N_SCHOOL + _N_GOAL) * D_EMB)

    @plsc.parallel_loop(0, _BPW // _L, unroll=2)
    def _lookup(g):
        rowv = g * _L + iota16
        for t in range(3):
            iv = idx_v[t, pl.ds(g * _L, _L)]
            off = iv * D_EMB + tab_base[t]
            for c in range(D_EMB):
                vals = plsc.load_gather(tab_v, [off + colvs[c]])
                plsc.store_scatter(rows_v, [rowv, colvs[c] + t * D_EMB],
                                   vals)
    pltpu.async_copy(rows_v, out.at[pl.ds(base, _BPW)], wsem).wait()


@jax.jit
def _sc_gather(school_idx, goal_idx, method_idx, tab_flat):
    mesh = plsc.VectorSubcoreMesh(core_axis_name="c", subcore_axis_name="s")
    n_tab = (_N_SCHOOL + _N_GOAL + _N_METHOD) * D_EMB
    return pl.kernel(
        _sc_gather_body,
        out_type=jax.ShapeDtypeStruct((B, 4 * D_EMB), jnp.float32),
        mesh=mesh,
        scratch_types=[
            pltpu.VMEM((n_tab,), jnp.float32),
            pltpu.VMEM((3, _BPW), jnp.int32),
            pltpu.VMEM((_BPW, 4 * D_EMB), jnp.float32),
            pltpu.SemaphoreType.DMA,
            pltpu.SemaphoreType.DMA,
            pltpu.SemaphoreType.DMA,
        ],
        compiler_params=pltpu.CompilerParams(use_tc_tiling_on_sc=False,
                                             needs_layout_passes=False),
    )(school_idx, goal_idx, method_idx, tab_flat)


def _tc_mlp_body(e128, sf, gf, wsub, bsub, wgrd, bgrd,
                 w1, b1, w2, b2, w3, b3, out):
    f32 = jnp.float32
    dot = functools.partial(jnp.dot, preferred_element_type=f32)
    w1_all = w1[...]
    e = e128[...]
    wrow = lax.broadcasted_iota(jnp.int32, (128, 128), 0)
    w1e = jnp.where(wrow < 3 * D_EMB, w1_all[0:128], 0.0)
    subj = dot(sf[...], wsub[...]) + bsub[...]
    grd = dot(gf[...], wgrd[...]) + bgrd[...]
    x = (dot(e, w1e)
         + dot(subj, w1_all[96:128])
         + dot(grd, w1_all[128:160])
         + b1[...])
    h = jnp.maximum(x, 0.0)
    h = jnp.maximum(dot(h, w2[...]) + b2[...], 0.0)
    out[...] = dot(h, w3[...]) + b3[...]


@jax.jit
def _tc_mlp(e128, subject_feats, grade_feats,
            W_subj, b_subj, W_grade, b_grade, W1, b1, W2, b2, W3, b3):
    nblk = B // _TC_BLK
    row = lambda i: (i, 0)
    rep = lambda i: (0, 0)

    def spec(shape, index_map):
        return pl.BlockSpec(shape, index_map)

    return pl.pallas_call(
        _tc_mlp_body,
        grid=(nblk,),
        in_specs=[
            spec((_TC_BLK, 128), row),
            spec((_TC_BLK, 10), row),
            spec((_TC_BLK, 12), row),
            spec((10, 32), rep),
            spec((1, 32), rep),
            spec((12, 32), rep),
            spec((1, 32), rep),
            spec((160, 128), rep),
            spec((1, 128), rep),
            spec((128, 64), rep),
            spec((1, 64), rep),
            spec((64, 32), rep),
            spec((1, 32), rep),
        ],
        out_specs=spec((_TC_BLK, 32), row),
        out_shape=jax.ShapeDtypeStruct((B, 32), jnp.float32),
        compiler_params=pltpu.CompilerParams(
            dimension_semantics=("arbitrary",)),
    )(e128, subject_feats, grade_feats,
      W_subj, b_subj, W_grade, b_grade, W1, b1, W2, b2, W3, b3)


def kernel(school_idx, goal_idx, method_idx, subject_feats, grade_feats,
           school_table, goal_table, method_table,
           W_subj, b_subj, W_grade, b_grade, W1, b1, W2, b2, W3, b3):
    tab_flat = jnp.concatenate([school_table.reshape(-1),
                                goal_table.reshape(-1),
                                method_table.reshape(-1)])
    e128 = _sc_gather(school_idx, goal_idx, method_idx, tab_flat)
    return _tc_mlp(e128, subject_feats, grade_feats,
                   W_subj, b_subj.reshape(1, -1), W_grade,
                   b_grade.reshape(1, -1), W1, b1.reshape(1, -1),
                   W2, b2.reshape(1, -1), W3, b3.reshape(1, -1))

# --- scband reference (transcript-rebuilt; emitter-appended) ---
"""Pipeline reference for scband-student-tower-9259949490949 (READ-ONLY COPY).

The authoritative reference and input builder live on the scoring server;
editing this copy changes nothing except your own understanding.
"""

import jax, jax.numpy as jnp
import numpy as np

B = 16384
N_SCHOOL = 100 + 2
N_GOAL = 20 + 2
N_METHOD = 10 + 2
N_SUBJECT = 10
N_GRADE = 12
D_EMB = 32


def setup_inputs(seed: int = 0) -> dict:
    key = jax.random.key(seed)
    ks = jax.random.split(key, 20)
    inp = {}
    inp['school_idx'] = jax.random.randint(ks[0], (B,), 0, N_SCHOOL, dtype=jnp.int32)
    inp['goal_idx'] = jax.random.randint(ks[1], (B,), 0, N_GOAL, dtype=jnp.int32)
    inp['method_idx'] = jax.random.randint(ks[2], (B,), 0, N_METHOD, dtype=jnp.int32)
    inp['subject_feats'] = jax.random.normal(ks[3], (B, N_SUBJECT), dtype=jnp.float32)
    inp['grade_feats'] = jax.random.normal(ks[4], (B, N_GRADE), dtype=jnp.float32)
    # learned parameters
    inp['school_table'] = 0.05 * jax.random.normal(ks[5], (N_SCHOOL, D_EMB), dtype=jnp.float32)
    inp['goal_table'] = 0.05 * jax.random.normal(ks[6], (N_GOAL, D_EMB), dtype=jnp.float32)
    inp['method_table'] = 0.05 * jax.random.normal(ks[7], (N_METHOD, D_EMB), dtype=jnp.float32)
    inp['W_subj'] = 0.05 * jax.random.normal(ks[8], (N_SUBJECT, 32), dtype=jnp.float32)
    inp['b_subj'] = jnp.zeros((32,), dtype=jnp.float32)
    inp['W_grade'] = 0.05 * jax.random.normal(ks[9], (N_GRADE, 32), dtype=jnp.float32)
    inp['b_grade'] = jnp.zeros((32,), dtype=jnp.float32)
    inp['W1'] = 0.05 * jax.random.normal(ks[10], (32 * 3 + 32 + 32, 128), dtype=jnp.float32)
    inp['b1'] = jnp.zeros((128,), dtype=jnp.float32)
    inp['W2'] = 0.05 * jax.random.normal(ks[11], (128, 64), dtype=jnp.float32)
    inp['b2'] = jnp.zeros((64,), dtype=jnp.float32)
    inp['W3'] = 0.05 * jax.random.normal(ks[12], (64, 32), dtype=jnp.float32)
    inp['b3'] = jnp.zeros((32,), dtype=jnp.float32)
    return inp


def reference(school_idx, goal_idx, method_idx, subject_feats, grade_feats,
              school_table, goal_table, method_table,
              W_subj, b_subj, W_grade, b_grade, W1, b1, W2, b2, W3, b3):
    # StringLookup + Embedding -> integer index gather from embedding table
    e_school = jnp.take(school_table, school_idx, axis=0)
    e_goal = jnp.take(goal_table, goal_idx, axis=0)
    e_method = jnp.take(method_table, method_idx, axis=0)
    # Dropout(0.3) on school embedding: inference mode -> identity
    subj = subject_feats @ W_subj + b_subj
    grd = grade_feats @ W_grade + b_grade
    x = jnp.concatenate([e_school, e_goal, e_method, subj, grd], axis=-1)
    h = jax.nn.relu(x @ W1 + b1)
    # Dropout(0.2): inference -> identity
    h = jax.nn.relu(h @ W2 + b2)
    out = h @ W3 + b3
    return out

if __name__ == "__main__":
    import jax
    _d = setup_inputs()
    print(jax.jit(kernel)(*tuple(_d.values())))

</pallas_src>

<mosaic_0001>
#map = affine_map<(d0, d1) -> (0)>
#map1 = affine_map<(d0, d1) -> (0, 0)>
module attributes {stable_mosaic.version = 14 : i64} {
  func.func @_sc_gather_body(%arg0: i32, %arg1: i32, %arg2: memref<16384xi32, #tpu.memory_space<hbm>>, %arg3: memref<16384xi32, #tpu.memory_space<hbm>>, %arg4: memref<16384xi32, #tpu.memory_space<hbm>>, %arg5: memref<4352xf32, #tpu.memory_space<hbm>>, %arg6: memref<16384x128xf32, #tpu.memory_space<hbm>>, %arg7: memref<4352xf32, #tpu.memory_space<vmem>>, %arg8: memref<3x512xi32, #tpu.memory_space<vmem>>, %arg9: memref<512x128xf32, #tpu.memory_space<vmem>>, %arg10: memref<!tpu.dma_semaphore, #tpu.memory_space<semaphore_mem>>, %arg11: memref<!tpu.dma_semaphore, #tpu.memory_space<semaphore_mem>>, %arg12: memref<!tpu.dma_semaphore, #tpu.memory_space<semaphore_mem>>) attributes {dimension_semantics = [#tpu.dimension_semantics<core_parallel>, #tpu.dimension_semantics<subcore_parallel>], iteration_bounds = array<i64: 2, 16>, scalar_prefetch = 0 : i64, scratch_operands = 6 : i64, tpu.core_type = #tpu.core_type<sc_vector_subcore>, window_params = [{transform_indices = #map}, {transform_indices = #map}, {transform_indices = #map}, {transform_indices = #map}, {transform_indices = #map1}]} {
    %mul3A = arith.constant 2 : i32
    %mul3A_0 = arith.muli %arg1, %mul3A : i32
    %add3A = arith.addi %mul3A_0, %arg0 : i32
    %mul3A_1 = arith.constant 512 : i32
    %mul3A_2 = arith.muli %add3A, %mul3A_1 : i32
    tpu.enqueue_dma source(%arg5 : memref<4352xf32, #tpu.memory_space<hbm>>) target(%arg7 : memref<4352xf32, #tpu.memory_space<vmem>>) target_semaphore(%arg10 : memref<!tpu.dma_semaphore, #tpu.memory_space<semaphore_mem>>)
    %dma_start3A = arith.constant 0 : i32
    %dma_start3A_3 = arith.constant 0 : i32
    %dma_start3A_4 = tpu.memref_slice %arg8[%dma_start3A, %dma_start3A_3] : memref<3x512xi32, #tpu.memory_space<vmem>> -> memref<1x512xi32, #tpu.memory_space<vmem>>
    %dma_start3A_5 = tpu.memref_squeeze %dma_start3A_4 : memref<1x512xi32, #tpu.memory_space<vmem>> -> memref<512xi32, #tpu.memory_space<vmem>>
    %dma_start3A_6 = tpu.memref_slice %arg2[%mul3A_2] : memref<16384xi32, #tpu.memory_space<hbm>> -> memref<512xi32, #tpu.memory_space<hbm>>
    %dma_start3A_7 = arith.constant 0 : i32
    %dma_start3A_8 = tpu.memref_slice %arg8[%dma_start3A, %dma_start3A_7] : memref<3x512xi32, #tpu.memory_space<vmem>> -> memref<1x512xi32, #tpu.memory_space<vmem>>
    %dma_start3A_9 = tpu.memref_squeeze %dma_start3A_8 : memref<1x512xi32, #tpu.memory_space<vmem>> -> memref<512xi32, #tpu.memory_space<vmem>>
    %dma_start3A_10 = tpu.memref_slice %arg2[%mul3A_2] : memref<16384xi32, #tpu.memory_space<hbm>> -> memref<512xi32, #tpu.memory_space<hbm>>
    tpu.enqueue_dma source(%dma_start3A_10 : memref<512xi32, #tpu.memory_space<hbm>>) target(%dma_start3A_9 : memref<512xi32, #tpu.memory_space<vmem>>) target_semaphore(%arg11 : memref<!tpu.dma_semaphore, #tpu.memory_space<semaphore_mem>>)
    %dma_start3A_11 = arith.constant 1 : i32
    %dma_start3A_12 = arith.constant 0 : i32
    %dma_start3A_13 = tpu.memref_slice %arg8[%dma_start3A_11, %dma_start3A_12] : memref<3x512xi32, #tpu.memory_space<vmem>> -> memref<1x512xi32, #tpu.memory_space<vmem>>
    %dma_start3A_14 = tpu.memref_squeeze %dma_start3A_13 : memref<1x512xi32, #tpu.memory_space<vmem>> -> memref<512xi32, #tpu.memory_space<vmem>>
    %dma_start3A_15 = tpu.memref_slice %arg3[%mul3A_2] : memref<16384xi32, #tpu.memory_space<hbm>> -> memref<512xi32, #tpu.memory_space<hbm>>
    %dma_start3A_16 = arith.constant 0 : i32
    %dma_start3A_17 = tpu.memref_slice %arg8[%dma_start3A_11, %dma_start3A_16] : memref<3x512xi32, #tpu.memory_space<vmem>> -> memref<1x512xi32, #tpu.memory_space<vmem>>
    %dma_start3A_18 = tpu.memref_squeeze %dma_start3A_17 : memref<1x512xi32, #tpu.memory_space<vmem>> -> memref<512xi32, #tpu.memory_space<vmem>>
    %dma_start3A_19 = tpu.memref_slice %arg3[%mul3A_2] : memref<16384xi32, #tpu.memory_space<hbm>> -> memref<512xi32, #tpu.memory_space<hbm>>
    tpu.enqueue_dma source(%dma_start3A_19 : memref<512xi32, #tpu.memory_space<hbm>>) target(%dma_start3A_18 : memref<512xi32, #tpu.memory_space<vmem>>) target_semaphore(%arg11 : memref<!tpu.dma_semaphore, #tpu.memory_space<semaphore_mem>>)
    %dma_start3A_20 = arith.constant 2 : i32
    %dma_start3A_21 = arith.constant 0 : i32
    %dma_start3A_22 = tpu.memref_slice %arg8[%dma_start3A_20, %dma_start3A_21] : memref<3x512xi32, #tpu.memory_space<vmem>> -> memref<1x512xi32, #tpu.memory_space<vmem>>
    %dma_start3A_23 = tpu.memref_squeeze %dma_start3A_22 : memref<1x512xi32, #tpu.memory_space<vmem>> -> memref<512xi32, #tpu.memory_space<vmem>>
    %dma_start3A_24 = tpu.memref_slice %arg4[%mul3A_2] : memref<16384xi32, #tpu.memory_space<hbm>> -> memref<512xi32, #tpu.memory_space<hbm>>
    %dma_start3A_25 = arith.constant 0 : i32
    %dma_start3A_26 = tpu.memref_slice %arg8[%dma_start3A_20, %dma_start3A_25] : memref<3x512xi32, #tpu.memory_space<vmem>> -> memref<1x512xi32, #tpu.memory_space<vmem>>
    %dma_start3A_27 = tpu.memref_squeeze %dma_start3A_26 : memref<1x512xi32, #tpu.memory_space<vmem>> -> memref<512xi32, #tpu.memory_space<vmem>>
    %dma_start3A_28 = tpu.memref_slice %arg4[%mul3A_2] : memref<16384xi32, #tpu.memory_space<hbm>> -> memref<512xi32, #tpu.memory_space<hbm>>
    tpu.enqueue_dma source(%dma_start3A_28 : memref<512xi32, #tpu.memory_space<hbm>>) target(%dma_start3A_27 : memref<512xi32, #tpu.memory_space<vmem>>) target_semaphore(%arg11 : memref<!tpu.dma_semaphore, #tpu.memory_space<semaphore_mem>>)
    tpu.wait_dma2 semaphore(%arg10 : memref<!tpu.dma_semaphore, #tpu.memory_space<semaphore_mem>>) src(%arg5 : memref<4352xf32, #tpu.memory_space<hbm>>) dst(%arg7 : memref<4352xf32, #tpu.memory_space<vmem>>)
    %dma_wait3A = arith.constant 0 : i32
    %dma_wait3A_29 = arith.constant 0 : i32
    %dma_wait3A_30 = tpu.memref_slice %arg8[%dma_wait3A, %dma_wait3A_29] : memref<3x512xi32, #tpu.memory_space<vmem>> -> memref<1x512xi32, #tpu.memory_space<vmem>>
    %dma_wait3A_31 = tpu.memref_squeeze %dma_wait3A_30 : memref<1x512xi32, #tpu.memory_space<vmem>> -> memref<512xi32, #tpu.memory_space<vmem>>
    %dma_wait3A_32 = tpu.memref_slice %arg2[%mul3A_2] : memref<16384xi32, #tpu.memory_space<hbm>> -> memref<512xi32, #tpu.memory_space<hbm>>
    %dma_wait3A_33 = arith.constant 0 : i32
    %dma_wait3A_34 = tpu.memref_slice %arg8[%dma_wait3A, %dma_wait3A_33] : memref<3x512xi32, #tpu.memory_space<vmem>> -> memref<1x512xi32, #tpu.memory_space<vmem>>
    %dma_wait3A_35 = tpu.memref_squeeze %dma_wait3A_34 : memref<1x512xi32, #tpu.memory_space<vmem>> -> memref<512xi32, #tpu.memory_space<vmem>>
    %dma_wait3A_36 = tpu.memref_slice %arg2[%mul3A_2] : memref<16384xi32, #tpu.memory_space<hbm>> -> memref<512xi32, #tpu.memory_space<hbm>>
    tpu.wait_dma2 semaphore(%arg11 : memref<!tpu.dma_semaphore, #tpu.memory_space<semaphore_mem>>) src(%dma_wait3A_36 : memref<512xi32, #tpu.memory_space<hbm>>) dst(%dma_wait3A_35 : memref<512xi32, #tpu.memory_space<vmem>>)
    %dma_wait3A_37 = arith.constant 1 : i32
    %dma_wait3A_38 = arith.constant 0 : i32
    %dma_wait3A_39 = tpu.memref_slice %arg8[%dma_wait3A_37, %dma_wait3A_38] : memref<3x512xi32, #tpu.memory_space<vmem>> -> memref<1x512xi32, #tpu.memory_space<vmem>>
    %dma_wait3A_40 = tpu.memref_squeeze %dma_wait3A_39 : memref<1x512xi32, #tpu.memory_space<vmem>> -> memref<512xi32, #tpu.memory_space<vmem>>
    %dma_wait3A_41 = tpu.memref_slice %arg3[%mul3A_2] : memref<16384xi32, #tpu.memory_space<hbm>> -> memref<512xi32, #tpu.memory_space<hbm>>
    %dma_wait3A_42 = arith.constant 0 : i32
    %dma_wait3A_43 = tpu.memref_slice %arg8[%dma_wait3A_37, %dma_wait3A_42] : memref<3x512xi32, #tpu.memory_space<vmem>> -> memref<1x512xi32, #tpu.memory_space<vmem>>
    %dma_wait3A_44 = tpu.memref_squeeze %dma_wait3A_43 : memref<1x512xi32, #tpu.memory_space<vmem>> -> memref<512xi32, #tpu.memory_space<vmem>>
    %dma_wait3A_45 = tpu.memref_slice %arg3[%mul3A_2] : memref<16384xi32, #tpu.memory_space<hbm>> -> memref<512xi32, #tpu.memory_space<hbm>>
    tpu.wait_dma2 semaphore(%arg11 : memref<!tpu.dma_semaphore, #tpu.memory_space<semaphore_mem>>) src(%dma_wait3A_45 : memref<512xi32, #tpu.memory_space<hbm>>) dst(%dma_wait3A_44 : memref<512xi32, #tpu.memory_space<vmem>>)
    %dma_wait3A_46 = arith.constant 2 : i32
    %dma_wait3A_47 = arith.constant 0 : i32
    %dma_wait3A_48 = tpu.memref_slice %arg8[%dma_wait3A_46, %dma_wait3A_47] : memref<3x512xi32, #tpu.memory_space<vmem>> -> memref<1x512xi32, #tpu.memory_space<vmem>>
    %dma_wait3A_49 = tpu.memref_squeeze %dma_wait3A_48 : memref<1x512xi32, #tpu.memory_space<vmem>> -> memref<512xi32, #tpu.memory_space<vmem>>
    %dma_wait3A_50 = tpu.memref_slice %arg4[%mul3A_2] : memref<16384xi32, #tpu.memory_space<hbm>> -> memref<512xi32, #tpu.memory_space<hbm>>
    %dma_wait3A_51 = arith.constant 0 : i32
    %dma_wait3A_52 = tpu.memref_slice %arg8[%dma_wait3A_46, %dma_wait3A_51] : memref<3x512xi32, #tpu.memory_space<vmem>> -> memref<1x512xi32, #tpu.memory_space<vmem>>
    %dma_wait3A_53 = tpu.memref_squeeze %dma_wait3A_52 : memref<1x512xi32, #tpu.memory_space<vmem>> -> memref<512xi32, #tpu.memory_space<vmem>>
    %dma_wait3A_54 = tpu.memref_slice %arg4[%mul3A_2] : memref<16384xi32, #tpu.memory_space<hbm>> -> memref<512xi32, #tpu.memory_space<hbm>>
    tpu.wait_dma2 semaphore(%arg11 : memref<!tpu.dma_semaphore, #tpu.memory_space<semaphore_mem>>) src(%dma_wait3A_54 : memref<512xi32, #tpu.memory_space<hbm>>) dst(%dma_wait3A_53 : memref<512xi32, #tpu.memory_space<vmem>>)
    %iota3A = tpu.iota {dimensions = array<i32: 0>} : vector<16xi32>
    %add3A_55 = arith.constant 0 : i32
    %add3A_56 = vector.broadcast %add3A_55 : i32 to vector<16xi32>
    %add3A_57 = arith.addi %add3A_56, %iota3A : vector<16xi32>
    %and3A = arith.constant 31 : i32
    %and3A_58 = vector.broadcast %and3A : i32 to vector<16xi32>
    %and3A_59 = arith.andi %add3A_57, %and3A_58 : vector<16xi32>
    %add3A_60 = arith.constant 1 : i32
    %add3A_61 = vector.broadcast %add3A_60 : i32 to vector<16xi32>
    %add3A_62 = arith.addi %add3A_61, %iota3A : vector<16xi32>
    %and3A_63 = arith.constant 31 : i32
    %and3A_64 = vector.broadcast %and3A_63 : i32 to vector<16xi32>
    %and3A_65 = arith.andi %add3A_62, %and3A_64 : vector<16xi32>
    %add3A_66 = arith.constant 2 : i32
    %add3A_67 = vector.broadcast %add3A_66 : i32 to vector<16xi32>
    %add3A_68 = arith.addi %add3A_67, %iota3A : vector<16xi32>
    %and3A_69 = arith.constant 31 : i32
    %and3A_70 = vector.broadcast %and3A_69 : i32 to vector<16xi32>
    %and3A_71 = arith.andi %add3A_68, %and3A_70 : vector<16xi32>
    %add3A_72 = arith.constant 3 : i32
    %add3A_73 = vector.broadcast %add3A_72 : i32 to vector<16xi32>
    %add3A_74 = arith.addi %add3A_73, %iota3A : vector<16xi32>
    %and3A_75 = arith.constant 31 : i32
    %and3A_76 = vector.broadcast %and3A_75 : i32 to vector<16xi32>
    %and3A_77 = arith.andi %add3A_74, %and3A_76 : vector<16xi32>
    %add3A_78 = arith.constant 4 : i32
    %add3A_79 = vector.broadcast %add3A_78 : i32 to vector<16xi32>
    %add3A_80 = arith.addi %add3A_79, %iota3A : vector<16xi32>
    %and3A_81 = arith.constant 31 : i32
    %and3A_82 = vector.broadcast %and3A_81 : i32 to vector<16xi32>
    %and3A_83 = arith.andi %add3A_80, %and3A_82 : vector<16xi32>
    %add3A_84 = arith.constant 5 : i32
    %add3A_85 = vector.broadcast %add3A_84 : i32 to vector<16xi32>
    %add3A_86 = arith.addi %add3A_85, %iota3A : vector<16xi32>
    %and3A_87 = arith.constant 31 : i32
    %and3A_88 = vector.broadcast %and3A_87 : i32 to vector<16xi32>
    %and3A_89 = arith.andi %add3A_86, %and3A_88 : vector<16xi32>
    %add3A_90 = arith.constant 6 : i32
    %add3A_91 = vector.broadcast %add3A_90 : i32 to vector<16xi32>
    %add3A_92 = arith.addi %add3A_91, %iota3A : vector<16xi32>
    %and3A_93 = arith.constant 31 : i32
    %and3A_94 = vector.broadcast %and3A_93 : i32 to vector<16xi32>
    %and3A_95 = arith.andi %add3A_92, %and3A_94 : vector<16xi32>
    %add3A_96 = arith.constant 7 : i32
    %add3A_97 = vector.broadcast %add3A_96 : i32 to vector<16xi32>
    %add3A_98 = arith.addi %add3A_97, %iota3A : vector<16xi32>
    %and3A_99 = arith.constant 31 : i32
    %and3A_100 = vector.broadcast %and3A_99 : i32 to vector<16xi32>
    %and3A_101 = arith.andi %add3A_98, %and3A_100 : vector<16xi32>
    %add3A_102 = arith.constant 8 : i32
    %add3A_103 = vector.broadcast %add3A_102 : i32 to vector<16xi32>
    %add3A_104 = arith.addi %add3A_103, %iota3A : vector<16xi32>
    %and3A_105 = arith.constant 31 : i32
    %and3A_106 = vector.broadcast %and3A_105 : i32 to vector<16xi32>
    %and3A_107 = arith.andi %add3A_104, %and3A_106 : vector<16xi32>
    %add3A_108 = arith.constant 9 : i32
    %add3A_109 = vector.broadcast %add3A_108 : i32 to vector<16xi32>
    %add3A_110 = arith.addi %add3A_109, %iota3A : vector<16xi32>
    %and3A_111 = arith.constant 31 : i32
    %and3A_112 = vector.broadcast %and3A_111 : i32 to vector<16xi32>
    %and3A_113 = arith.andi %add3A_110, %and3A_112 : vector<16xi32>
    %add3A_114 = arith.constant 10 : i32
    %add3A_115 = vector.broadcast %add3A_114 : i32 to vector<16xi32>
    %add3A_116 = arith.addi %add3A_115, %iota3A : vector<16xi32>
    %and3A_117 = arith.constant 31 : i32
    %and3A_118 = vector.broadcast %and3A_117 : i32 to vector<16xi32>
    %and3A_119 = arith.andi %add3A_116, %and3A_118 : vector<16xi32>
    %add3A_120 = arith.constant 11 : i32
    %add3A_121 = vector.broadcast %add3A_120 : i32 to vector<16xi32>
    %add3A_122 = arith.addi %add3A_121, %iota3A : vector<16xi32>
    %and3A_123 = arith.constant 31 : i32
    %and3A_124 = vector.broadcast %and3A_123 : i32 to vector<16xi32>
    %and3A_125 = arith.andi %add3A_122, %and3A_124 : vector<16xi32>
    %add3A_126 = arith.constant 12 : i32
    %add3A_127 = vector.broadcast %add3A_126 : i32 to vector<16xi32>
    %add3A_128 = arith.addi %add3A_127, %iota3A : vector<16xi32>
    %and3A_129 = arith.constant 31 : i32
    %and3A_130 = vector.broadcast %and3A_129 : i32 to vector<16xi32>
    %and3A_131 = arith.andi %add3A_128, %and3A_130 : vector<16xi32>
    %add3A_132 = arith.constant 13 : i32
    %add3A_133 = vector.broadcast %add3A_132 : i32 to vector<16xi32>
    %add3A_134 = arith.addi %add3A_133, %iota3A : vector<16xi32>
    %and3A_135 = arith.constant 31 : i32
    %and3A_136 = vector.broadcast %and3A_135 : i32 to vector<16xi32>
    %and3A_137 = arith.andi %add3A_134, %and3A_136 : vector<16xi32>
    %add3A_138 = arith.constant 14 : i32
    %add3A_139 = vector.broadcast %add3A_138 : i32 to vector<16xi32>
    %add3A_140 = arith.addi %add3A_139, %iota3A : vector<16xi32>
    %and3A_141 = arith.constant 31 : i32
    %and3A_142 = vector.broadcast %and3A_141 : i32 to vector<16xi32>
    %and3A_143 = arith.andi %add3A_140, %and3A_142 : vector<16xi32>
    %add3A_144 = arith.constant 15 : i32
    %add3A_145 = vector.broadcast %add3A_144 : i32 to vector<16xi32>
    %add3A_146 = arith.addi %add3A_145, %iota3A : vector<16xi32>
    %and3A_147 = arith.constant 31 : i32
    %and3A_148 = vector.broadcast %and3A_147 : i32 to vector<16xi32>
    %and3A_149 = arith.andi %add3A_146, %and3A_148 : vector<16xi32>
    %add3A_150 = arith.constant 16 : i32
    %add3A_151 = vector.broadcast %add3A_150 : i32 to vector<16xi32>
    %add3A_152 = arith.addi %add3A_151, %iota3A : vector<16xi32>
    %and3A_153 = arith.constant 31 : i32
    %and3A_154 = vector.broadcast %and3A_153 : i32 to vector<16xi32>
    %and3A_155 = arith.andi %add3A_152, %and3A_154 : vector<16xi32>
    %add3A_156 = arith.constant 17 : i32
    %add3A_157 = vector.broadcast %add3A_156 : i32 to vector<16xi32>
    %add3A_158 = arith.addi %add3A_157, %iota3A : vector<16xi32>
    %and3A_159 = arith.constant 31 : i32
    %and3A_160 = vector.broadcast %and3A_159 : i32 to vector<16xi32>
    %and3A_161 = arith.andi %add3A_158, %and3A_160 : vector<16xi32>
    %add3A_162 = arith.constant 18 : i32
    %add3A_163 = vector.broadcast %add3A_162 : i32 to vector<16xi32>
    %add3A_164 = arith.addi %add3A_163, %iota3A : vector<16xi32>
    %and3A_165 = arith.constant 31 : i32
    %and3A_166 = vector.broadcast %and3A_165 : i32 to vector<16xi32>
    %and3A_167 = arith.andi %add3A_164, %and3A_166 : vector<16xi32>
    %add3A_168 = arith.constant 19 : i32
    %add3A_169 = vector.broadcast %add3A_168 : i32 to vector<16xi32>
    %add3A_170 = arith.addi %add3A_169, %iota3A : vector<16xi32>
    %and3A_171 = arith.constant 31 : i32
    %and3A_172 = vector.broadcast %and3A_171 : i32 to vector<16xi32>
    %and3A_173 = arith.andi %add3A_170, %and3A_172 : vector<16xi32>
    %add3A_174 = arith.constant 20 : i32
    %add3A_175 = vector.broadcast %add3A_174 : i32 to vector<16xi32>
    %add3A_176 = arith.addi %add3A_175, %iota3A : vector<16xi32>
    %and3A_177 = arith.constant 31 : i32
    %and3A_178 = vector.broadcast %and3A_177 : i32 to vector<16xi32>
    %and3A_179 = arith.andi %add3A_176, %and3A_178 : vector<16xi32>
    %add3A_180 = arith.constant 21 : i32
    %add3A_181 = vector.broadcast %add3A_180 : i32 to vector<16xi32>
    %add3A_182 = arith.addi %add3A_181, %iota3A : vector<16xi32>
    %and3A_183 = arith.constant 31 : i32
    %and3A_184 = vector.broadcast %and3A_183 : i32 to vector<16xi32>
    %and3A_185 = arith.andi %add3A_182, %and3A_184 : vector<16xi32>
    %add3A_186 = arith.constant 22 : i32
    %add3A_187 = vector.broadcast %add3A_186 : i32 to vector<16xi32>
    %add3A_188 = arith.addi %add3A_187, %iota3A : vector<16xi32>
    %and3A_189 = arith.constant 31 : i32
    %and3A_190 = vector.broadcast %and3A_189 : i32 to vector<16xi32>
    %and3A_191 = arith.andi %add3A_188, %and3A_190 : vector<16xi32>
    %add3A_192 = arith.constant 23 : i32
    %add3A_193 = vector.broadcast %add3A_192 : i32 to vector<16xi32>
    %add3A_194 = arith.addi %add3A_193, %iota3A : vector<16xi32>
    %and3A_195 = arith.constant 31 : i32
    %and3A_196 = vector.broadcast %and3A_195 : i32 to vector<16xi32>
    %and3A_197 = arith.andi %add3A_194, %and3A_196 : vector<16xi32>
    %add3A_198 = arith.constant 24 : i32
    %add3A_199 = vector.broadcast %add3A_198 : i32 to vector<16xi32>
    %add3A_200 = arith.addi %add3A_199, %iota3A : vector<16xi32>
    %and3A_201 = arith.constant 31 : i32
    %and3A_202 = vector.broadcast %and3A_201 : i32 to vector<16xi32>
    %and3A_203 = arith.andi %add3A_200, %and3A_202 : vector<16xi32>
    %add3A_204 = arith.constant 25 : i32
    %add3A_205 = vector.broadcast %add3A_204 : i32 to vector<16xi32>
    %add3A_206 = arith.addi %add3A_205, %iota3A : vector<16xi32>
    %and3A_207 = arith.constant 31 : i32
    %and3A_208 = vector.broadcast %and3A_207 : i32 to vector<16xi32>
    %and3A_209 = arith.andi %add3A_206, %and3A_208 : vector<16xi32>
    %add3A_210 = arith.constant 26 : i32
    %add3A_211 = vector.broadcast %add3A_210 : i32 to vector<16xi32>
    %add3A_212 = arith.addi %add3A_211, %iota3A : vector<16xi32>
    %and3A_213 = arith.constant 31 : i32
    %and3A_214 = vector.broadcast %and3A_213 : i32 to vector<16xi32>
    %and3A_215 = arith.andi %add3A_212, %and3A_214 : vector<16xi32>
    %add3A_216 = arith.constant 27 : i32
    %add3A_217 = vector.broadcast %add3A_216 : i32 to vector<16xi32>
    %add3A_218 = arith.addi %add3A_217, %iota3A : vector<16xi32>
    %and3A_219 = arith.constant 31 : i32
    %and3A_220 = vector.broadcast %and3A_219 : i32 to vector<16xi32>
    %and3A_221 = arith.andi %add3A_218, %and3A_220 : vector<16xi32>
    %add3A_222 = arith.constant 28 : i32
    %add3A_223 = vector.broadcast %add3A_222 : i32 to vector<16xi32>
    %add3A_224 = arith.addi %add3A_223, %iota3A : vector<16xi32>
    %and3A_225 = arith.constant 31 : i32
    %and3A_226 = vector.broadcast %and3A_225 : i32 to vector<16xi32>
    %and3A_227 = arith.andi %add3A_224, %and3A_226 : vector<16xi32>
    %add3A_228 = arith.constant 29 : i32
    %add3A_229 = vector.broadcast %add3A_228 : i32 to vector<16xi32>
    %add3A_230 = arith.addi %add3A_229, %iota3A : vector<16xi32>
    %and3A_231 = arith.constant 31 : i32
    %and3A_232 = vector.broadcast %and3A_231 : i32 to vector<16xi32>
    %and3A_233 = arith.andi %add3A_230, %and3A_232 : vector<16xi32>
    %add3A_234 = arith.constant 30 : i32
    %add3A_235 = vector.broadcast %add3A_234 : i32 to vector<16xi32>
    %add3A_236 = arith.addi %add3A_235, %iota3A : vector<16xi32>
    %and3A_237 = arith.constant 31 : i32
    %and3A_238 = vector.broadcast %and3A_237 : i32 to vector<16xi32>
    %and3A_239 = arith.andi %add3A_236, %and3A_238 : vector<16xi32>
    %add3A_240 = arith.constant 31 : i32
    %add3A_241 = vector.broadcast %add3A_240 : i32 to vector<16xi32>
    %add3A_242 = arith.addi %add3A_241, %iota3A : vector<16xi32>
    %and3A_243 = arith.constant 31 : i32
    %and3A_244 = vector.broadcast %and3A_243 : i32 to vector<16xi32>
    %and3A_245 = arith.andi %add3A_242, %and3A_244 : vector<16xi32>
    %parallel_loop3A = arith.constant 0 : i32
    %parallel_loop3A_246 = arith.constant 32 : i32
    %parallel_loop3A_247 = arith.constant 1 : i32
    scf.for %parallel_loop3A_256 = %parallel_loop3A to %parallel_loop3A_246 step %parallel_loop3A_247  : i32 {
      %parallel_loop3A_257 = arith.constant 16 : i32
      %parallel_loop3A_258 = arith.muli %parallel_loop3A_256, %parallel_loop3A_257 : i32
      %parallel_loop3A_259 = vector.broadcast %parallel_loop3A_258 : i32 to vector<16xi32>
      %parallel_loop3A_260 = arith.addi %parallel_loop3A_259, %iota3A : vector<16xi32>
      %parallel_loop3A_261 = arith.constant 16 : i32
      %parallel_loop3A_262 = arith.muli %parallel_loop3A_256, %parallel_loop3A_261 : i32
      %parallel_loop3A_263 = arith.constant 0 : i32
      %parallel_loop3A_264 = arith.index_cast %parallel_loop3A_263 : i32 to index
      %parallel_loop3A_265 = arith.index_cast %parallel_loop3A_262 : i32 to index
      %parallel_loop3A_266 = tpu.vector_load %arg8[%parallel_loop3A_264, %parallel_loop3A_265] {strides = array<i32>} : memref<3x512xi32, #tpu.memory_space<vmem>>, vector<16xi32>,
      %parallel_loop3A_267 = arith.constant 32 : i32
      %parallel_loop3A_268 = vector.broadcast %parallel_loop3A_267 : i32 to vector<16xi32>
      %parallel_loop3A_269 = arith.muli %parallel_loop3A_266, %parallel_loop3A_268 : vector<16xi32>
      %parallel_loop3A_270 = arith.constant 0 : i32
      %parallel_loop3A_271 = vector.broadcast %parallel_loop3A_270 : i32 to vector<16xi32>
      %parallel_loop3A_272 = arith.addi %parallel_loop3A_269, %parallel_loop3A_271 : vector<16xi32>
      %parallel_loop3A_273 = arith.addi %parallel_loop3A_272, %and3A_59 : vector<16xi32>
      %parallel_loop3A_274 = tpu.vector_load_idx %arg7[%parallel_loop3A_273] : memref<4352xf32, #tpu.memory_space<vmem>>[vector<16xi32>], vector<16xf32>,
      %parallel_loop3A_275 = arith.constant 0 : i32
      %parallel_loop3A_276 = vector.broadcast %parallel_loop3A_275 : i32 to vector<16xi32>
      %parallel_loop3A_277 = arith.addi %and3A_59, %parallel_loop3A_276 : vector<16xi32>
      tpu.vector_store_idx %arg9[%parallel_loop3A_260, %parallel_loop3A_277], %parallel_loop3A_274 : memref<512x128xf32, #tpu.memory_space<vmem>>[vector<16xi32>, vector<16xi32>], vector<16xf32>,
      %parallel_loop3A_278 = arith.addi %parallel_loop3A_272, %and3A_65 : vector<16xi32>
      %parallel_loop3A_279 = tpu.vector_load_idx %arg7[%parallel_loop3A_278] : memref<4352xf32, #tpu.memory_space<vmem>>[vector<16xi32>], vector<16xf32>,
      %parallel_loop3A_280 = arith.constant 0 : i32
      %parallel_loop3A_281 = vector.broadcast %parallel_loop3A_280 : i32 to vector<16xi32>
      %parallel_loop3A_282 = arith.addi %and3A_65, %parallel_loop3A_281 : vector<16xi32>
      tpu.vector_store_idx %arg9[%parallel_loop3A_260, %parallel_loop3A_282], %parallel_loop3A_279 : memref<512x128xf32, #tpu.memory_space<vmem>>[vector<16xi32>, vector<16xi32>], vector<16xf32>,
      %parallel_loop3A_283 = arith.addi %parallel_loop3A_272, %and3A_71 : vector<16xi32>
      %parallel_loop3A_284 = tpu.vector_load_idx %arg7[%parallel_loop3A_283] : memref<4352xf32, #tpu.memory_space<vmem>>[vector<16xi32>], vector<16xf32>,
      %parallel_loop3A_285 = arith.constant 0 : i32
      %parallel_loop3A_286 = vector.broadcast %parallel_loop3A_285 : i32 to vector<16xi32>
      %parallel_loop3A_287 = arith.addi %and3A_71, %parallel_loop3A_286 : vector<16xi32>
      tpu.vector_store_idx %arg9[%parallel_loop3A_260, %parallel_loop3A_287], %parallel_loop3A_284 : memref<512x128xf32, #tpu.memory_space<vmem>>[vector<16xi32>, vector<16xi32>], vector<16xf32>,
      %parallel_loop3A_288 = arith.addi %parallel_loop3A_272, %and3A_77 : vector<16xi32>
      %parallel_loop3A_289 = tpu.vector_load_idx %arg7[%parallel_loop3A_288] : memref<4352xf32, #tpu.memory_space<vmem>>[vector<16xi32>], vector<16xf32>,
      %parallel_loop3A_290 = arith.constant 0 : i32
      %parallel_loop3A_291 = vector.broadcast %parallel_loop3A_290 : i32 to vector<16xi32>
      %parallel_loop3A_292 = arith.addi %and3A_77, %parallel_loop3A_291 : vector<16xi32>
      tpu.vector_store_idx %arg9[%parallel_loop3A_260, %parallel_loop3A_292], %parallel_loop3A_289 : memref<512x128xf32, #tpu.memory_space<vmem>>[vector<16xi32>, vector<16xi32>], vector<16xf32>,
      %parallel_loop3A_293 = arith.addi %parallel_loop3A_272, %and3A_83 : vector<16xi32>
      %parallel_loop3A_294 = tpu.vector_load_idx %arg7[%parallel_loop3A_293] : memref<4352xf32, #tpu.memory_space<vmem>>[vector<16xi32>], vector<16xf32>,
      %parallel_loop3A_295 = arith.constant 0 : i32
      %parallel_loop3A_296 = vector.broadcast %parallel_loop3A_295 : i32 to vector<16xi32>
      %parallel_loop3A_297 = arith.addi %and3A_83, %parallel_loop3A_296 : vector<16xi32>
      tpu.vector_store_idx %arg9[%parallel_loop3A_260, %parallel_loop3A_297], %parallel_loop3A_294 : memref<512x128xf32, #tpu.memory_space<vmem>>[vector<16xi32>, vector<16xi32>], vector<16xf32>,
      %parallel_loop3A_298 = arith.addi %parallel_loop3A_272, %and3A_89 : vector<16xi32>
      %parallel_loop3A_299 = tpu.vector_load_idx %arg7[%parallel_loop3A_298] : memref<4352xf32, #tpu.memory_space<vmem>>[vector<16xi32>], vector<16xf32>,
      %parallel_loop3A_300 = arith.constant 0 : i32
      %parallel_loop3A_301 = vector.broadcast %parallel_loop3A_300 : i32 to vector<16xi32>
      %parallel_loop3A_302 = arith.addi %and3A_89, %parallel_loop3A_301 : vector<16xi32>
      tpu.vector_store_idx %arg9[%parallel_loop3A_260, %parallel_loop3A_302], %parallel_loop3A_299 : memref<512x128xf32, #tpu.memory_space<vmem>>[vector<16xi32>, vector<16xi32>], vector<16xf32>,
      %parallel_loop3A_303 = arith.addi %parallel_loop3A_272, %and3A_95 : vector<16xi32>
      %parallel_loop3A_304 = tpu.vector_load_idx %arg7[%parallel_loop3A_303] : memref<4352xf32, #tpu.memory_space<vmem>>[vector<16xi32>], vector<16xf32>,
      %parallel_loop3A_305 = arith.constant 0 : i32
      %parallel_loop3A_306 = vector.broadcast %parallel_loop3A_305 : i32 to vector<16xi32>
      %parallel_loop3A_307 = arith.addi %and3A_95, %parallel_loop3A_306 : vector<16xi32>
      tpu.vector_store_idx %arg9[%parallel_loop3A_260, %parallel_loop3A_307], %parallel_loop3A_304 : memref<512x128xf32, #tpu.memory_space<vmem>>[vector<16xi32>, vector<16xi32>], vector<16xf32>,
      %parallel_loop3A_308 = arith.addi %parallel_loop3A_272, %and3A_101 : vector<16xi32>
      %parallel_loop3A_309 = tpu.vector_load_idx %arg7[%parallel_loop3A_308] : memref<4352xf32, #tpu.memory_space<vmem>>[vector<16xi32>], vector<16xf32>,
      %parallel_loop3A_310 = arith.constant 0 : i32
      %parallel_loop3A_311 = vector.broadcast %parallel_loop3A_310 : i32 to vector<16xi32>
      %parallel_loop3A_312 = arith.addi %and3A_101, %parallel_loop3A_311 : vector<16xi32>
      tpu.vector_store_idx %arg9[%parallel_loop3A_260, %parallel_loop3A_312], %parallel_loop3A_309 : memref<512x128xf32, #tpu.memory_space<vmem>>[vector<16xi32>, vector<16xi32>], vector<16xf32>,
      %parallel_loop3A_313 = arith.addi %parallel_loop3A_272, %and3A_107 : vector<16xi32>
      %parallel_loop3A_314 = tpu.vector_load_idx %arg7[%parallel_loop3A_313] : memref<4352xf32, #tpu.memory_space<vmem>>[vector<16xi32>], vector<16xf32>,
      %parallel_loop3A_315 = arith.constant 0 : i32
      %parallel_loop3A_316 = vector.broadcast %parallel_loop3A_315 : i32 to vector<16xi32>
      %parallel_loop3A_317 = arith.addi %and3A_107, %parallel_loop3A_316 : vector<16xi32>
      tpu.vector_store_idx %arg9[%parallel_loop3A_260, %parallel_loop3A_317], %parallel_loop3A_314 : memref<512x128xf32, #tpu.memory_space<vmem>>[vector<16xi32>, vector<16xi32>], vector<16xf32>,
      %parallel_loop3A_318 = arith.addi %parallel_loop3A_272, %and3A_113 : vector<16xi32>
      %parallel_loop3A_319 = tpu.vector_load_idx %arg7[%parallel_loop3A_318] : memref<4352xf32, #tpu.memory_space<vmem>>[vector<16xi32>], vector<16xf32>,
      %parallel_loop3A_320 = arith.constant 0 : i32
      %parallel_loop3A_321 = vector.broadcast %parallel_loop3A_320 : i32 to vector<16xi32>
      %parallel_loop3A_322 = arith.addi %and3A_113, %parallel_loop3A_321 : vector<16xi32>
      tpu.vector_store_idx %arg9[%parallel_loop3A_260, %parallel_loop3A_322], %parallel_loop3A_319 : memref<512x128xf32, #tpu.memory_space<vmem>>[vector<16xi32>, vector<16xi32>], vector<16xf32>,
      %parallel_loop3A_323 = arith.addi %parallel_loop3A_272, %and3A_119 : vector<16xi32>
      %parallel_loop3A_324 = tpu.vector_load_idx %arg7[%parallel_loop3A_323] : memref<4352xf32, #tpu.memory_space<vmem>>[vector<16xi32>], vector<16xf32>,
      %parallel_loop3A_325 = arith.constant 0 : i32
      %parallel_loop3A_326 = vector.broadcast %parallel_loop3A_325 : i32 to vector<16xi32>
      %parallel_loop3A_327 = arith.addi %and3A_119, %parallel_loop3A_326 : vector<16xi32>
      tpu.vector_store_idx %arg9[%parallel_loop3A_260, %parallel_loop3A_327], %parallel_loop3A_324 : memref<512x128xf32, #tpu.memory_space<vmem>>[vector<16xi32>, vector<16xi32>], vector<16xf32>,
      %parallel_loop3A_328 = arith.addi %parallel_loop3A_272, %and3A_125 : vector<16xi32>
      %parallel_loop3A_329 = tpu.vector_load_idx %arg7[%parallel_loop3A_328] : memref<4352xf32, #tpu.memory_space<vmem>>[vector<16xi32>], vector<16xf32>,
      %parallel_loop3A_330 = arith.constant 0 : i32
      %parallel_loop3A_331 = vector.broadcast %parallel_loop3A_330 : i32 to vector<16xi32>
      %parallel_loop3A_332 = arith.addi %and3A_125, %parallel_loop3A_331 : vector<16xi32>
      tpu.vector_store_idx %arg9[%parallel_loop3A_260, %parallel_loop3A_332], %parallel_loop3A_329 : memref<512x128xf32, #tpu.memory_space<vmem>>[vector<16xi32>, vector<16xi32>], vector<16xf32>,
      %parallel_loop3A_333 = arith.addi %parallel_loop3A_272, %and3A_131 : vector<16xi32>
      %parallel_loop3A_334 = tpu.vector_load_idx %arg7[%parallel_loop3A_333] : memref<4352xf32, #tpu.memory_space<vmem>>[vector<16xi32>], vector<16xf32>,
      %parallel_loop3A_335 = arith.constant 0 : i32
      %parallel_loop3A_336 = vector.broadcast %parallel_loop3A_335 : i32 to vector<16xi32>
      %parallel_loop3A_337 = arith.addi %and3A_131, %parallel_loop3A_336 : vector<16xi32>
      tpu.vector_store_idx %arg9[%parallel_loop3A_260, %parallel_loop3A_337], %parallel_loop3A_334 : memref<512x128xf32, #tpu.memory_space<vmem>>[vector<16xi32>, vector<16xi32>], vector<16xf32>,
      %parallel_loop3A_338 = arith.addi %parallel_loop3A_272, %and3A_137 : vector<16xi32>
      %parallel_loop3A_339 = tpu.vector_load_idx %arg7[%parallel_loop3A_338] : memref<4352xf32, #tpu.memory_space<vmem>>[vector<16xi32>], vector<16xf32>,
      %parallel_loop3A_340 = arith.constant 0 : i32
      %parallel_loop3A_341 = vector.broadcast %parallel_loop3A_340 : i32 to vector<16xi32>
      %parallel_loop3A_342 = arith.addi %and3A_137, %parallel_loop3A_341 : vector<16xi32>
      tpu.vector_store_idx %arg9[%parallel_loop3A_260, %parallel_loop3A_342], %parallel_loop3A_339 : memref<512x128xf32, #tpu.memory_space<vmem>>[vector<16xi32>, vector<16xi32>], vector<16xf32>,
      %parallel_loop3A_343 = arith.addi %parallel_loop3A_272, %and3A_143 : vector<16xi32>
      %parallel_loop3A_344 = tpu.vector_load_idx %arg7[%parallel_loop3A_343] : memref<4352xf32, #tpu.memory_space<vmem>>[vector<16xi32>], vector<16xf32>,
      %parallel_loop3A_345 = arith.constant 0 : i32
      %parallel_loop3A_346 = vector.broadcast %parallel_loop3A_345 : i32 to vector<16xi32>
      %parallel_loop3A_347 = arith.addi %and3A_143, %parallel_loop3A_346 : vector<16xi32>
      tpu.vector_store_idx %arg9[%parallel_loop3A_260, %parallel_loop3A_347], %parallel_loop3A_344 : memref<512x128xf32, #tpu.memory_space<vmem>>[vector<16xi32>, vector<16xi32>], vector<16xf32>,
      %parallel_loop3A_348 = arith.addi %parallel_loop3A_272, %and3A_149 : vector<16xi32>
      %parallel_loop3A_349 = tpu.vector_load_idx %arg7[%parallel_loop3A_348] : memref<4352xf32, #tpu.memory_space<vmem>>[vector<16xi32>], vector<16xf32>,
      %parallel_loop3A_350 = arith.constant 0 : i32
      %parallel_loop3A_351 = vector.broadcast %parallel_loop3A_350 : i32 to vector<16xi32>
      %parallel_loop3A_352 = arith.addi %and3A_149, %parallel_loop3A_351 : vector<16xi32>
      tpu.vector_store_idx %arg9[%parallel_loop3A_260, %parallel_loop3A_352], %parallel_loop3A_349 : memref<512x128xf32, #tpu.memory_space<vmem>>[vector<16xi32>, vector<16xi32>], vector<16xf32>,
      %parallel_loop3A_353 = arith.addi %parallel_loop3A_272, %and3A_155 : vector<16xi32>
      %parallel_loop3A_354 = tpu.vector_load_idx %arg7[%parallel_loop3A_353] : memref<4352xf32, #tpu.memory_space<vmem>>[vector<16xi32>], vector<16xf32>,
      %parallel_loop3A_355 = arith.constant 0 : i32
      %parallel_loop3A_356 = vector.broadcast %parallel_loop3A_355 : i32 to vector<16xi32>
      %parallel_loop3A_357 = arith.addi %and3A_155, %parallel_loop3A_356 : vector<16xi32>
      tpu.vector_store_idx %arg9[%parallel_loop3A_260, %parallel_loop3A_357], %parallel_loop3A_354 : memref<512x128xf32, #tpu.memory_space<vmem>>[vector<16xi32>, vector<16xi32>], vector<16xf32>,
      %parallel_loop3A_358 = arith.addi %parallel_loop3A_272, %and3A_161 : vector<16xi32>
      %parallel_loop3A_359 = tpu.vector_load_idx %arg7[%parallel_loop3A_358] : memref<4352xf32, #tpu.memory_space<vmem>>[vector<16xi32>], vector<16xf32>,
      %parallel_loop3A_360 = arith.constant 0 : i32
      %parallel_loop3A_361 = vector.broadcast %parallel_loop3A_360 : i32 to vector<16xi32>
      %parallel_loop3A_362 = arith.addi %and3A_161, %parallel_loop3A_361 : vector<16xi32>
      tpu.vector_store_idx %arg9[%parallel_loop3A_260, %parallel_loop3A_362], %parallel_loop3A_359 : memref<512x128xf32, #tpu.memory_space<vmem>>[vector<16xi32>, vector<16xi32>], vector<16xf32>,
      %parallel_loop3A_363 = arith.addi %parallel_loop3A_272, %and3A_167 : vector<16xi32>
      %parallel_loop3A_364 = tpu.vector_load_idx %arg7[%parallel_loop3A_363] : memref<4352xf32, #tpu.memory_space<vmem>>[vector<16xi32>], vector<16xf32>,
      %parallel_loop3A_365 = arith.constant 0 : i32
      %parallel_loop3A_366 = vector.broadcast %parallel_loop3A_365 : i32 to vector<16xi32>
      %parallel_loop3A_367 = arith.addi %and3A_167, %parallel_loop3A_366 : vector<16xi32>
      tpu.vector_store_idx %arg9[%parallel_loop3A_260, %parallel_loop3A_367], %parallel_loop3A_364 : memref<512x128xf32, #tpu.memory_space<vmem>>[vector<16xi32>, vector<16xi32>], vector<16xf32>,
      %parallel_loop3A_368 = arith.addi %parallel_loop3A_272, %and3A_173 : vector<16xi32>
      %parallel_loop3A_369 = tpu.vector_load_idx %arg7[%parallel_loop3A_368] : memref<4352xf32, #tpu.memory_space<vmem>>[vector<16xi32>], vector<16xf32>,
      %parallel_loop3A_370 = arith.constant 0 : i32
      %parallel_loop3A_371 = vector.broadcast %parallel_loop3A_370 : i32 to vector<16xi32>
      %parallel_loop3A_372 = arith.addi %and3A_173, %parallel_loop3A_371 : vector<16xi32>
      tpu.vector_store_idx %arg9[%parallel_loop3A_260, %parallel_loop3A_372], %parallel_loop3A_369 : memref<512x128xf32, #tpu.memory_space<vmem>>[vector<16xi32>, vector<16xi32>], vector<16xf32>,
      %parallel_loop3A_373 = arith.addi %parallel_loop3A_272, %and3A_179 : vector<16xi32>
      %parallel_loop3A_374 = tpu.vector_load_idx %arg7[%parallel_loop3A_373] : memref<4352xf32, #tpu.memory_space<vmem>>[vector<16xi32>], vector<16xf32>,
      %parallel_loop3A_375 = arith.constant 0 : i32
      %parallel_loop3A_376 = vector.broadcast %parallel_loop3A_375 : i32 to vector<16xi32>
      %parallel_loop3A_377 = arith.addi %and3A_179, %parallel_loop3A_376 : vector<16xi32>
      tpu.vector_store_idx %arg9[%parallel_loop3A_260, %parallel_loop3A_377], %parallel_loop3A_374 : memref<512x128xf32, #tpu.memory_space<vmem>>[vector<16xi32>, vector<16xi32>], vector<16xf32>,
      %parallel_loop3A_378 = arith.addi %parallel_loop3A_272, %and3A_185 : vector<16xi32>
      %parallel_loop3A_379 = tpu.vector_load_idx %arg7[%parallel_loop3A_378] : memref<4352xf32, #tpu.memory_space<vmem>>[vector<16xi32>], vector<16xf32>,
      %parallel_loop3A_380 = arith.constant 0 : i32
      %parallel_loop3A_381 = vector.broadcast %parallel_loop3A_380 : i32 to vector<16xi32>
      %parallel_loop3A_382 = arith.addi %and3A_185, %parallel_loop3A_381 : vector<16xi32>
      tpu.vector_store_idx %arg9[%parallel_loop3A_260, %parallel_loop3A_382], %parallel_loop3A_379 : memref<512x128xf32, #tpu.memory_space<vmem>>[vector<16xi32>, vector<16xi32>], vector<16xf32>,
      %parallel_loop3A_383 = arith.addi %parallel_loop3A_272, %and3A_191 : vector<16xi32>
      %parallel_loop3A_384 = tpu.vector_load_idx %arg7[%parallel_loop3A_383] : memref<4352xf32, #tpu.memory_space<vmem>>[vector<16xi32>], vector<16xf32>,
      %parallel_loop3A_385 = arith.constant 0 : i32
      %parallel_loop3A_386 = vector.broadcast %parallel_loop3A_385 : i32 to vector<16xi32>
      %parallel_loop3A_387 = arith.addi %and3A_191, %parallel_loop3A_386 : vector<16xi32>
      tpu.vector_store_idx %arg9[%parallel_loop3A_260, %parallel_loop3A_387], %parallel_loop3A_384 : memref<512x128xf32, #tpu.memory_space<vmem>>[vector<16xi32>, vector<16xi32>], vector<16xf32>,
      %parallel_loop3A_388 = arith.addi %parallel_loop3A_272, %and3A_197 : vector<16xi32>
      %parallel_loop3A_389 = tpu.vector_load_idx %arg7[%parallel_loop3A_388] : memref<4352xf32, #tpu.memory_space<vmem>>[vector<16xi32>], vector<16xf32>,
      %parallel_loop3A_390 = arith.constant 0 : i32
      %parallel_loop3A_391 = vector.broadcast %parallel_loop3A_390 : i32 to vector<16xi32>
      %parallel_loop3A_392 = arith.addi %and3A_197, %parallel_loop3A_391 : vector<16xi32>
      tpu.vector_store_idx %arg9[%parallel_loop3A_260, %parallel_loop3A_392], %parallel_loop3A_389 : memref<512x128xf32, #tpu.memory_space<vmem>>[vector<16xi32>, vector<16xi32>], vector<16xf32>,
      %parallel_loop3A_393 = arith.addi %parallel_loop3A_272, %and3A_203 : vector<16xi32>
      %parallel_loop3A_394 = tpu.vector_load_idx %arg7[%parallel_loop3A_393] : memref<4352xf32, #tpu.memory_space<vmem>>[vector<16xi32>], vector<16xf32>,
      %parallel_loop3A_395 = arith.constant 0 : i32
      %parallel_loop3A_396 = vector.broadcast %parallel_loop3A_395 : i32 to vector<16xi32>
      %parallel_loop3A_397 = arith.addi %and3A_203, %parallel_loop3A_396 : vector<16xi32>
      tpu.vector_store_idx %arg9[%parallel_loop3A_260, %parallel_loop3A_397], %parallel_loop3A_394 : memref<512x128xf32, #tpu.memory_space<vmem>>[vector<16xi32>, vector<16xi32>], vector<16xf32>,
      %parallel_loop3A_398 = arith.addi %parallel_loop3A_272, %and3A_209 : vector<16xi32>
      %parallel_loop3A_399 = tpu.vector_load_idx %arg7[%parallel_loop3A_398] : memref<4352xf32, #tpu.memory_space<vmem>>[vector<16xi32>], vector<16xf32>,
      %parallel_loop3A_400 = arith.constant 0 : i32
      %parallel_loop3A_401 = vector.broadcast %parallel_loop3A_400 : i32 to vector<16xi32>
      %parallel_loop3A_402 = arith.addi %and3A_209, %parallel_loop3A_401 : vector<16xi32>
      tpu.vector_store_idx %arg9[%parallel_loop3A_260, %parallel_loop3A_402], %parallel_loop3A_399 : memref<512x128xf32, #tpu.memory_space<vmem>>[vector<16xi32>, vector<16xi32>], vector<16xf32>,
      %parallel_loop3A_403 = arith.addi %parallel_loop3A_272, %and3A_215 : vector<16xi32>
      %parallel_loop3A_404 = tpu.vector_load_idx %arg7[%parallel_loop3A_403] : memref<4352xf32, #tpu.memory_space<vmem>>[vector<16xi32>], vector<16xf32>,
      %parallel_loop3A_405 = arith.constant 0 : i32
      %parallel_loop3A_406 = vector.broadcast %parallel_loop3A_405 : i32 to vector<16xi32>
      %parallel_loop3A_407 = arith.addi %and3A_215, %parallel_loop3A_406 : vector<16xi32>
      tpu.vector_store_idx %arg9[%parallel_loop3A_260, %parallel_loop3A_407], %parallel_loop3A_404 : memref<512x128xf32, #tpu.memory_space<vmem>>[vector<16xi32>, vector<16xi32>], vector<16xf32>,
      %parallel_loop3A_408 = arith.addi %parallel_loop3A_272, %and3A_221 : vector<16xi32>
      %parallel_loop3A_409 = tpu.vector_load_idx %arg7[%parallel_loop3A_408] : memref<4352xf32, #tpu.memory_space<vmem>>[vector<16xi32>], vector<16xf32>,
      %parallel_loop3A_410 = arith.constant 0 : i32
      %parallel_loop3A_411 = vector.broadcast %parallel_loop3A_410 : i32 to vector<16xi32>
      %parallel_loop3A_412 = arith.addi %and3A_221, %parallel_loop3A_411 : vector<16xi32>
      tpu.vector_store_idx %arg9[%parallel_loop3A_260, %parallel_loop3A_412], %parallel_loop3A_409 : memref<512x128xf32, #tpu.memory_space<vmem>>[vector<16xi32>, vector<16xi32>], vector<16xf32>,
      %parallel_loop3A_413 = arith.addi %parallel_loop3A_272, %and3A_227 : vector<16xi32>
      %parallel_loop3A_414 = tpu.vector_load_idx %arg7[%parallel_loop3A_413] : memref<4352xf32, #tpu.memory_space<vmem>>[vector<16xi32>], vector<16xf32>,
      %parallel_loop3A_415 = arith.constant 0 : i32
      %parallel_loop3A_416 = vector.broadcast %parallel_loop3A_415 : i32 to vector<16xi32>
      %parallel_loop3A_417 = arith.addi %and3A_227, %parallel_loop3A_416 : vector<16xi32>
      tpu.vector_store_idx %arg9[%parallel_loop3A_260, %parallel_loop3A_417], %parallel_loop3A_414 : memref<512x128xf32, #tpu.memory_space<vmem>>[vector<16xi32>, vector<16xi32>], vector<16xf32>,
      %parallel_loop3A_418 = arith.addi %parallel_loop3A_272, %and3A_233 : vector<16xi32>
      %parallel_loop3A_419 = tpu.vector_load_idx %arg7[%parallel_loop3A_418] : memref<4352xf32, #tpu.memory_space<vmem>>[vector<16xi32>], vector<16xf32>,
      %parallel_loop3A_420 = arith.constant 0 : i32
      %parallel_loop3A_421 = vector.broadcast %parallel_loop3A_420 : i32 to vector<16xi32>
      %parallel_loop3A_422 = arith.addi %and3A_233, %parallel_loop3A_421 : vector<16xi32>
      tpu.vector_store_idx %arg9[%parallel_loop3A_260, %parallel_loop3A_422], %parallel_loop3A_419 : memref<512x128xf32, #tpu.memory_space<vmem>>[vector<16xi32>, vector<16xi32>], vector<16xf32>,
      %parallel_loop3A_423 = arith.addi %parallel_loop3A_272, %and3A_239 : vector<16xi32>
      %parallel_loop3A_424 = tpu.vector_load_idx %arg7[%parallel_loop3A_423] : memref<4352xf32, #tpu.memory_space<vmem>>[vector<16xi32>], vector<16xf32>,
      %parallel_loop3A_425 = arith.constant 0 : i32
      %parallel_loop3A_426 = vector.broadcast %parallel_loop3A_425 : i32 to vector<16xi32>
      %parallel_loop3A_427 = arith.addi %and3A_239, %parallel_loop3A_426 : vector<16xi32>
      tpu.vector_store_idx %arg9[%parallel_loop3A_260, %parallel_loop3A_427], %parallel_loop3A_424 : memref<512x128xf32, #tpu.memory_space<vmem>>[vector<16xi32>, vector<16xi32>], vector<16xf32>,
      %parallel_loop3A_428 = arith.addi %parallel_loop3A_272, %and3A_245 : vector<16xi32>
      %parallel_loop3A_429 = tpu.vector_load_idx %arg7[%parallel_loop3A_428] : memref<4352xf32, #tpu.memory_space<vmem>>[vector<16xi32>], vector<16xf32>,
      %parallel_loop3A_430 = arith.constant 0 : i32
      %parallel_loop3A_431 = vector.broadcast %parallel_loop3A_430 : i32 to vector<16xi32>
      %parallel_loop3A_432 = arith.addi %and3A_245, %parallel_loop3A_431 : vector<16xi32>
      tpu.vector_store_idx %arg9[%parallel_loop3A_260, %parallel_loop3A_432], %parallel_loop3A_429 : memref<512x128xf32, #tpu.memory_space<vmem>>[vector<16xi32>, vector<16xi32>], vector<16xf32>,
      %parallel_loop3A_433 = arith.constant 16 : i32
      %parallel_loop3A_434 = arith.muli %parallel_loop3A_256, %parallel_loop3A_433 : i32
      %parallel_loop3A_435 = arith.constant 1 : i32
      %parallel_loop3A_436 = arith.index_cast %parallel_loop3A_435 : i32 to index
      %parallel_loop3A_437 = arith.index_cast %parallel_loop3A_434 : i32 to index
      %parallel_loop3A_438 = tpu.vector_load %arg8[%parallel_loop3A_436, %parallel_loop3A_437] {strides = array<i32>} : memref<3x512xi32, #tpu.memory_space<vmem>>, vector<16xi32>,
      %parallel_loop3A_439 = arith.constant 32 : i32
      %parallel_loop3A_440 = vector.broadcast %parallel_loop3A_439 : i32 to vector<16xi32>
      %parallel_loop3A_441 = arith.muli %parallel_loop3A_438, %parallel_loop3A_440 : vector<16xi32>
      %parallel_loop3A_442 = arith.constant 3264 : i32
      %parallel_loop3A_443 = vector.broadcast %parallel_loop3A_442 : i32 to vector<16xi32>
      %parallel_loop3A_444 = arith.addi %parallel_loop3A_441, %parallel_loop3A_443 : vector<16xi32>
      %parallel_loop3A_445 = arith.addi %parallel_loop3A_444, %and3A_59 : vector<16xi32>
      %parallel_loop3A_446 = tpu.vector_load_idx %arg7[%parallel_loop3A_445] : memref<4352xf32, #tpu.memory_space<vmem>>[vector<16xi32>], vector<16xf32>,
      %parallel_loop3A_447 = arith.constant 32 : i32
      %parallel_loop3A_448 = vector.broadcast %parallel_loop3A_447 : i32 to vector<16xi32>
      %parallel_loop3A_449 = arith.addi %and3A_59, %parallel_loop3A_448 : vector<16xi32>
      tpu.vector_store_idx %arg9[%parallel_loop3A_260, %parallel_loop3A_449], %parallel_loop3A_446 : memref<512x128xf32, #tpu.memory_space<vmem>>[vector<16xi32>, vector<16xi32>], vector<16xf32>,
      %parallel_loop3A_450 = arith.addi %parallel_loop3A_444, %and3A_65 : vector<16xi32>
      %parallel_loop3A_451 = tpu.vector_load_idx %arg7[%parallel_loop3A_450] : memref<4352xf32, #tpu.memory_space<vmem>>[vector<16xi32>], vector<16xf32>,
      %parallel_loop3A_452 = arith.constant 32 : i32
      %parallel_loop3A_453 = vector.broadcast %parallel_loop3A_452 : i32 to vector<16xi32>
      %parallel_loop3A_454 = arith.addi %and3A_65, %parallel_loop3A_453 : vector<16xi32>
      tpu.vector_store_idx %arg9[%parallel_loop3A_260, %parallel_loop3A_454], %parallel_loop3A_451 : memref<512x128xf32, #tpu.memory_space<vmem>>[vector<16xi32>, vector<16xi32>], vector<16xf32>,
      %parallel_loop3A_455 = arith.addi %parallel_loop3A_444, %and3A_71 : vector<16xi32>
      %parallel_loop3A_456 = tpu.vector_load_idx %arg7[%parallel_loop3A_455] : memref<4352xf32, #tpu.memory_space<vmem>>[vector<16xi32>], vector<16xf32>,
      %parallel_loop3A_457 = arith.constant 32 : i32
      %parallel_loop3A_458 = vector.broadcast %parallel_loop3A_457 : i32 to vector<16xi32>
      %parallel_loop3A_459 = arith.addi %and3A_71, %parallel_loop3A_458 : vector<16xi32>
      tpu.vector_store_idx %arg9[%parallel_loop3A_260, %parallel_loop3A_459], %parallel_loop3A_456 : memref<512x128xf32, #tpu.memory_space<vmem>>[vector<16xi32>, vector<16xi32>], vector<16xf32>,
      %parallel_loop3A_460 = arith.addi %parallel_loop3A_444, %and3A_77 : vector<16xi32>
      %parallel_loop3A_461 = tpu.vector_load_idx %arg7[%parallel_loop3A_460] : memref<4352xf32, #tpu.memory_space<vmem>>[vector<16xi32>], vector<16xf32>,
      %parallel_loop3A_462 = arith.constant 32 : i32
      %parallel_loop3A_463 = vector.broadcast %parallel_loop3A_462 : i32 to vector<16xi32>
      %parallel_loop3A_464 = arith.addi %and3A_77, %parallel_loop3A_463 : vector<16xi32>
      tpu.vector_store_idx %arg9[%parallel_loop3A_260, %parallel_loop3A_464], %parallel_loop3A_461 : memref<512x128xf32, #tpu.memory_space<vmem>>[vector<16xi32>, vector<16xi32>], vector<16xf32>,
      %parallel_loop3A_465 = arith.addi %parallel_loop3A_444, %and3A_83 : vector<16xi32>
      %parallel_loop3A_466 = tpu.vector_load_idx %arg7[%parallel_loop3A_465] : memref<4352xf32, #tpu.memory_space<vmem>>[vector<16xi32>], vector<16xf32>,
      %parallel_loop3A_467 = arith.constant 32 : i32
      %parallel_loop3A_468 = vector.broadcast %parallel_loop3A_467 : i32 to vector<16xi32>
      %parallel_loop3A_469 = arith.addi %and3A_83, %parallel_loop3A_468 : vector<16xi32>
      tpu.vector_store_idx %arg9[%parallel_loop3A_260, %parallel_loop3A_469], %parallel_loop3A_466 : memref<512x128xf32, #tpu.memory_space<vmem>>[vector<16xi32>, vector<16xi32>], vector<16xf32>,
      %parallel_loop3A_470 = arith.addi %parallel_loop3A_444, %and3A_89 : vector<16xi32>
      %parallel_loop3A_471 = tpu.vector_load_idx %arg7[%parallel_loop3A_470] : memref<4352xf32, #tpu.memory_space<vmem>>[vector<16xi32>], vector<16xf32>,
      %parallel_loop3A_472 = arith.constant 32 : i32
      %parallel_loop3A_473 = vector.broadcast %parallel_loop3A_472 : i32 to vector<16xi32>
      %parallel_loop3A_474 = arith.addi %and3A_89, %parallel_loop3A_473 : vector<16xi32>
      tpu.vector_store_idx %arg9[%parallel_loop3A_260, %parallel_loop3A_474], %parallel_loop3A_471 : memref<512x128xf32, #tpu.memory_space<vmem>>[vector<16xi32>, vector<16xi32>], vector<16xf32>,
      %parallel_loop3A_475 = arith.addi %parallel_loop3A_444, %and3A_95 : vector<16xi32>
      %parallel_loop3A_476 = tpu.vector_load_idx %arg7[%parallel_loop3A_475] : memref<4352xf32, #tpu.memory_space<vmem>>[vector<16xi32>], vector<16xf32>,
      %parallel_loop3A_477 = arith.constant 32 : i32
      %parallel_loop3A_478 = vector.broadcast %parallel_loop3A_477 : i32 to vector<16xi32>
      %parallel_loop3A_479 = arith.addi %and3A_95, %parallel_loop3A_478 : vector<16xi32>
      tpu.vector_store_idx %arg9[%parallel_loop3A_260, %parallel_loop3A_479], %parallel_loop3A_476 : memref<512x128xf32, #tpu.memory_space<vmem>>[vector<16xi32>, vector<16xi32>], vector<16xf32>,
      %parallel_loop3A_480 = arith.addi %parallel_loop3A_444, %and3A_101 : vector<16xi32>
      %parallel_loop3A_481 = tpu.vector_load_idx %arg7[%parallel_loop3A_480] : memref<4352xf32, #tpu.memory_space<vmem>>[vector<16xi32>], vector<16xf32>,
      %parallel_loop3A_482 = arith.constant 32 : i32
      %parallel_loop3A_483 = vector.broadcast %parallel_loop3A_482 : i32 to vector<16xi32>
      %parallel_loop3A_484 = arith.addi %and3A_101, %parallel_loop3A_483 : vector<16xi32>
      tpu.vector_store_idx %arg9[%parallel_loop3A_260, %parallel_loop3A_484], %parallel_loop3A_481 : memref<512x128xf32, #tpu.memory_space<vmem>>[vector<16xi32>, vector<16xi32>], vector<16xf32>,
      %parallel_loop3A_485 = arith.addi %parallel_loop3A_444, %and3A_107 : vector<16xi32>
      %parallel_loop3A_486 = tpu.vector_load_idx %arg7[%parallel_loop3A_485] : memref<4352xf32, #tpu.memory_space<vmem>>[vector<16xi32>], vector<16xf32>,
      %parallel_loop3A_487 = arith.constant 32 : i32
      %parallel_loop3A_488 = vector.broadcast %parallel_loop3A_487 : i32 to vector<16xi32>
      %parallel_loop3A_489 = arith.addi %and3A_107, %parallel_loop3A_488 : vector<16xi32>
      tpu.vector_store_idx %arg9[%parallel_loop3A_260, %parallel_loop3A_489], %parallel_loop3A_486 : memref<512x128xf32, #tpu.memory_space<vmem>>[vector<16xi32>, vector<16xi32>], vector<16xf32>,
      %parallel_loop3A_490 = arith.addi %parallel_loop3A_444, %and3A_113 : vector<16xi32>
      %parallel_loop3A_491 = tpu.vector_load_idx %arg7[%parallel_loop3A_490] : memref<4352xf32, #tpu.memory_space<vmem>>[vector<16xi32>], vector<16xf32>,
      %parallel_loop3A_492 = arith.constant 32 : i32
      %parallel_loop3A_493 = vector.broadcast %parallel_loop3A_492 : i32 to vector<16xi32>
      %parallel_loop3A_494 = arith.addi %and3A_113, %parallel_loop3A_493 : vector<16xi32>
      tpu.vector_store_idx %arg9[%parallel_loop3A_260, %parallel_loop3A_494], %parallel_loop3A_491 : memref<512x128xf32, #tpu.memory_space<vmem>>[vector<16xi32>, vector<16xi32>], vector<16xf32>,
      %parallel_loop3A_495 = arith.addi %parallel_loop3A_444, %and3A_119 : vector<16xi32>
      %parallel_loop3A_496 = tpu.vector_load_idx %arg7[%parallel_loop3A_495] : memref<4352xf32, #tpu.memory_space<vmem>>[vector<16xi32>], vector<16xf32>,
      %parallel_loop3A_497 = arith.constant 32 : i32
      %parallel_loop3A_498 = vector.broadcast %parallel_loop3A_497 : i32 to vector<16xi32>
      %parallel_loop3A_499 = arith.addi %and3A_119, %parallel_loop3A_498 : vector<16xi32>
      tpu.vector_store_idx %arg9[%parallel_loop3A_260, %parallel_loop3A_499], %parallel_loop3A_496 : memref<512x128xf32, #tpu.memory_space<vmem>>[vector<16xi32>, vector<16xi32>], vector<16xf32>,
      %parallel_loop3A_500 = arith.addi %parallel_loop3A_444, %and3A_125 : vector<16xi32>
      %parallel_loop3A_501 = tpu.vector_load_idx %arg7[%parallel_loop3A_500] : memref<4352xf32, #tpu.memory_space<vmem>>[vector<16xi32>], vector<16xf32>,
      %parallel_loop3A_502 = arith.constant 32 : i32
      %parallel_loop3A_503 = vector.broadcast %parallel_loop3A_502 : i32 to vector<16xi32>
      %parallel_loop3A_504 = arith.addi %and3A_125, %parallel_loop3A_503 : vector<16xi32>
      tpu.vector_store_idx %arg9[%parallel_loop3A_260, %parallel_loop3A_504], %parallel_loop3A_501 : memref<512x128xf32, #tpu.memory_space<vmem>>[vector<16xi32>, vector<16xi32>], vector<16xf32>,
      %parallel_loop3A_505 = arith.addi %parallel_loop3A_444, %and3A_131 : vector<16xi32>
      %parallel_loop3A_506 = tpu.vector_load_idx %arg7[%parallel_loop3A_505] : memref<4352xf32, #tpu.memory_space<vmem>>[vector<16xi32>], vector<16xf32>,
      %parallel_loop3A_507 = arith.constant 32 : i32
      %parallel_loop3A_508 = vector.broadcast %parallel_loop3A_507 : i32 to vector<16xi32>
      %parallel_loop3A_509 = arith.addi %and3A_131, %parallel_loop3A_508 : vector<16xi32>
      tpu.vector_store_idx %arg9[%parallel_loop3A_260, %parallel_loop3A_509], %parallel_loop3A_506 : memref<512x128xf32, #tpu.memory_space<vmem>>[vector<16xi32>, vector<16xi32>], vector<16xf32>,
      %parallel_loop3A_510 = arith.addi %parallel_loop3A_444, %and3A_137 : vector<16xi32>
      %parallel_loop3A_511 = tpu.vector_load_idx %arg7[%parallel_loop3A_510] : memref<4352xf32, #tpu.memory_space<vmem>>[vector<16xi32>], vector<16xf32>,
      %parallel_loop3A_512 = arith.constant 32 : i32
      %parallel_loop3A_513 = vector.broadcast %parallel_loop3A_512 : i32 to vector<16xi32>
      %parallel_loop3A_514 = arith.addi %and3A_137, %parallel_loop3A_513 : vector<16xi32>
      tpu.vector_store_idx %arg9[%parallel_loop3A_260, %parallel_loop3A_514], %parallel_loop3A_511 : memref<512x128xf32, #tpu.memory_space<vmem>>[vector<16xi32>, vector<16xi32>], vector<16xf32>,
      %parallel_loop3A_515 = arith.addi %parallel_loop3A_444, %and3A_143 : vector<16xi32>
      %parallel_loop3A_516 = tpu.vector_load_idx %arg7[%parallel_loop3A_515] : memref<4352xf32, #tpu.memory_space<vmem>>[vector<16xi32>], vector<16xf32>,
      %parallel_loop3A_517 = arith.constant 32 : i32
      %parallel_loop3A_518 = vector.broadcast %parallel_loop3A_517 : i32 to vector<16xi32>
      %parallel_loop3A_519 = arith.addi %and3A_143, %parallel_loop3A_518 : vector<16xi32>
      tpu.vector_store_idx %arg9[%parallel_loop3A_260, %parallel_loop3A_519], %parallel_loop3A_516 : memref<512x128xf32, #tpu.memory_space<vmem>>[vector<16xi32>, vector<16xi32>], vector<16xf32>,
      %parallel_loop3A_520 = arith.addi %parallel_loop3A_444, %and3A_149 : vector<16xi32>
      %parallel_loop3A_521 = tpu.vector_load_idx %arg7[%parallel_loop3A_520] : memref<4352xf32, #tpu.memory_space<vmem>>[vector<16xi32>], vector<16xf32>,
      %parallel_loop3A_522 = arith.constant 32 : i32
      %parallel_loop3A_523 = vector.broadcast %parallel_loop3A_522 : i32 to vector<16xi32>
      %parallel_loop3A_524 = arith.addi %and3A_149, %parallel_loop3A_523 : vector<16xi32>
      tpu.vector_store_idx %arg9[%parallel_loop3A_260, %parallel_loop3A_524], %parallel_loop3A_521 : memref<512x128xf32, #tpu.memory_space<vmem>>[vector<16xi32>, vector<16xi32>], vector<16xf32>,
      %parallel_loop3A_525 = arith.addi %parallel_loop3A_444, %and3A_155 : vector<16xi32>
      %parallel_loop3A_526 = tpu.vector_load_idx %arg7[%parallel_loop3A_525] : memref<4352xf32, #tpu.memory_space<vmem>>[vector<16xi32>], vector<16xf32>,
      %parallel_loop3A_527 = arith.constant 32 : i32
      %parallel_loop3A_528 = vector.broadcast %parallel_loop3A_527 : i32 to vector<16xi32>
      %parallel_loop3A_529 = arith.addi %and3A_155, %parallel_loop3A_528 : vector<16xi32>
      tpu.vector_store_idx %arg9[%parallel_loop3A_260, %parallel_loop3A_529], %parallel_loop3A_526 : memref<512x128xf32, #tpu.memory_space<vmem>>[vector<16xi32>, vector<16xi32>], vector<16xf32>,
      %parallel_loop3A_530 = arith.addi %parallel_loop3A_444, %and3A_161 : vector<16xi32>
      %parallel_loop3A_531 = tpu.vector_load_idx %arg7[%parallel_loop3A_530] : memref<4352xf32, #tpu.memory_space<vmem>>[vector<16xi32>], vector<16xf32>,
      %parallel_loop3A_532 = arith.constant 32 : i32
      %parallel_loop3A_533 = vector.broadcast %parallel_loop3A_532 : i32 to vector<16xi32>
      %parallel_loop3A_534 = arith.addi %and3A_161, %parallel_loop3A_533 : vector<16xi32>
      tpu.vector_store_idx %arg9[%parallel_loop3A_260, %parallel_loop3A_534], %parallel_loop3A_531 : memref<512x128xf32, #tpu.memory_space<vmem>>[vector<16xi32>, vector<16xi32>], vector<16xf32>,
      %parallel_loop3A_535 = arith.addi %parallel_loop3A_444, %and3A_167 : vector<16xi32>
      %parallel_loop3A_536 = tpu.vector_load_idx %arg7[%parallel_loop3A_535] : memref<4352xf32, #tpu.memory_space<vmem>>[vector<16xi32>], vector<16xf32>,
      %parallel_loop3A_537 = arith.constant 32 : i32
      %parallel_loop3A_538 = vector.broadcast %parallel_loop3A_537 : i32 to vector<16xi32>
      %parallel_loop3A_539 = arith.addi %and3A_167, %parallel_loop3A_538 : vector<16xi32>
      tpu.vector_store_idx %arg9[%parallel_loop3A_260, %parallel_loop3A_539], %parallel_loop3A_536 : memref<512x128xf32, #tpu.memory_space<vmem>>[vector<16xi32>, vector<16xi32>], vector<16xf32>,
      %parallel_loop3A_540 = arith.addi %parallel_loop3A_444, %and3A_173 : vector<16xi32>
      %parallel_loop3A_541 = tpu.vector_load_idx %arg7[%parallel_loop3A_540] : memref<4352xf32, #tpu.memory_space<vmem>>[vector<16xi32>], vector<16xf32>,
      %parallel_loop3A_542 = arith.constant 32 : i32
      %parallel_loop3A_543 = vector.broadcast %parallel_loop3A_542 : i32 to vector<16xi32>
      %parallel_loop3A_544 = arith.addi %and3A_173, %parallel_loop3A_543 : vector<16xi32>
      tpu.vector_store_idx %arg9[%parallel_loop3A_260, %parallel_loop3A_544], %parallel_loop3A_541 : memref<512x128xf32, #tpu.memory_space<vmem>>[vector<16xi32>, vector<16xi32>], vector<16xf32>,
      %parallel_loop3A_545 = arith.addi %parallel_loop3A_444, %and3A_179 : vector<16xi32>
      %parallel_loop3A_546 = tpu.vector_load_idx %arg7[%parallel_loop3A_545] : memref<4352xf32, #tpu.memory_space<vmem>>[vector<16xi32>], vector<16xf32>,
      %parallel_loop3A_547 = arith.constant 32 : i32
      %parallel_loop3A_548 = vector.broadcast %parallel_loop3A_547 : i32 to vector<16xi32>
      %parallel_loop3A_549 = arith.addi %and3A_179, %parallel_loop3A_548 : vector<16xi32>
      tpu.vector_store_idx %arg9[%parallel_loop3A_260, %parallel_loop3A_549], %parallel_loop3A_546 : memref<512x128xf32, #tpu.memory_space<vmem>>[vector<16xi32>, vector<16xi32>], vector<16xf32>,
      %parallel_loop3A_550 = arith.addi %parallel_loop3A_444, %and3A_185 : vector<16xi32>
      %parallel_loop3A_551 = tpu.vector_load_idx %arg7[%parallel_loop3A_550] : memref<4352xf32, #tpu.memory_space<vmem>>[vector<16xi32>], vector<16xf32>,
      %parallel_loop3A_552 = arith.constant 32 : i32
      %parallel_loop3A_553 = vector.broadcast %parallel_loop3A_552 : i32 to vector<16xi32>
      %parallel_loop3A_554 = arith.addi %and3A_185, %parallel_loop3A_553 : vector<16xi32>
      tpu.vector_store_idx %arg9[%parallel_loop3A_260, %parallel_loop3A_554], %parallel_loop3A_551 : memref<512x128xf32, #tpu.memory_space<vmem>>[vector<16xi32>, vector<16xi32>], vector<16xf32>,
      %parallel_loop3A_555 = arith.addi %parallel_loop3A_444, %and3A_191 : vector<16xi32>
      %parallel_loop3A_556 = tpu.vector_load_idx %arg7[%parallel_loop3A_555] : memref<4352xf32, #tpu.memory_space<vmem>>[vector<16xi32>], vector<16xf32>,
      %parallel_loop3A_557 = arith.constant 32 : i32
      %parallel_loop3A_558 = vector.broadcast %parallel_loop3A_557 : i32 to vector<16xi32>
      %parallel_loop3A_559 = arith.addi %and3A_191, %parallel_loop3A_558 : vector<16xi32>
      tpu.vector_store_idx %arg9[%parallel_loop3A_260, %parallel_loop3A_559], %parallel_loop3A_556 : memref<512x128xf32, #tpu.memory_space<vmem>>[vector<16xi32>, vector<16xi32>], vector<16xf32>,
      %parallel_loop3A_560 = arith.addi %parallel_loop3A_444, %and3A_197 : vector<16xi32>
      %parallel_loop3A_561 = tpu.vector_load_idx %arg7[%parallel_loop3A_560] : memref<4352xf32, #tpu.memory_space<vmem>>[vector<16xi32>], vector<16xf32>,
      %parallel_loop3A_562 = arith.constant 32 : i32
      %parallel_loop3A_563 = vector.broadcast %parallel_loop3A_562 : i32 to vector<16xi32>
      %parallel_loop3A_564 = arith.addi %and3A_197, %parallel_loop3A_563 : vector<16xi32>
      tpu.vector_store_idx %arg9[%parallel_loop3A_260, %parallel_loop3A_564], %parallel_loop3A_561 : memref<512x128xf32, #tpu.memory_space<vmem>>[vector<16xi32>, vector<16xi32>], vector<16xf32>,
      %parallel_loop3A_565 = arith.addi %parallel_loop3A_444, %and3A_203 : vector<16xi32>
      %parallel_loop3A_566 = tpu.vector_load_idx %arg7[%parallel_loop3A_565] : memref<4352xf32, #tpu.memory_space<vmem>>[vector<16xi32>], vector<16xf32>,
      %parallel_loop3A_567 = arith.constant 32 : i32
      %parallel_loop3A_568 = vector.broadcast %parallel_loop3A_567 : i32 to vector<16xi32>
      %parallel_loop3A_569 = arith.addi %and3A_203, %parallel_loop3A_568 : vector<16xi32>
      tpu.vector_store_idx %arg9[%parallel_loop3A_260, %parallel_loop3A_569], %parallel_loop3A_566 : memref<512x128xf32, #tpu.memory_space<vmem>>[vector<16xi32>, vector<16xi32>], vector<16xf32>,
      %parallel_loop3A_570 = arith.addi %parallel_loop3A_444, %and3A_209 : vector<16xi32>
      %parallel_loop3A_571 = tpu.vector_load_idx %arg7[%parallel_loop3A_570] : memref<4352xf32, #tpu.memory_space<vmem>>[vector<16xi32>], vector<16xf32>,
      %parallel_loop3A_572 = arith.constant 32 : i32
      %parallel_loop3A_573 = vector.broadcast %parallel_loop3A_572 : i32 to vector<16xi32>
      %parallel_loop3A_574 = arith.addi %and3A_209, %parallel_loop3A_573 : vector<16xi32>
      tpu.vector_store_idx %arg9[%parallel_loop3A_260, %parallel_loop3A_574], %parallel_loop3A_571 : memref<512x128xf32, #tpu.memory_space<vmem>>[vector<16xi32>, vector<16xi32>], vector<16xf32>,
      %parallel_loop3A_575 = arith.addi %parallel_loop3A_444, %and3A_215 : vector<16xi32>
      %parallel_loop3A_576 = tpu.vector_load_idx %arg7[%parallel_loop3A_575] : memref<4352xf32, #tpu.memory_space<vmem>>[vector<16xi32>], vector<16xf32>,
      %parallel_loop3A_577 = arith.constant 32 : i32
      %parallel_loop3A_578 = vector.broadcast %parallel_loop3A_577 : i32 to vector<16xi32>
      %parallel_loop3A_579 = arith.addi %and3A_215, %parallel_loop3A_578 : vector<16xi32>
      tpu.vector_store_idx %arg9[%parallel_loop3A_260, %parallel_loop3A_579], %parallel_loop3A_576 : memref<512x128xf32, #tpu.memory_space<vmem>>[vector<16xi32>, vector<16xi32>], vector<16xf32>,
      %parallel_loop3A_580 = arith.addi %parallel_loop3A_444, %and3A_221 : vector<16xi32>
      %parallel_loop3A_581 = tpu.vector_load_idx %arg7[%parallel_loop3A_580] : memref<4352xf32, #tpu.memory_space<vmem>>[vector<16xi32>], vector<16xf32>,
      %parallel_loop3A_582 = arith.constant 32 : i32
      %parallel_loop3A_583 = vector.broadcast %parallel_loop3A_582 : i32 to vector<16xi32>
      %parallel_loop3A_584 = arith.addi %and3A_221, %parallel_loop3A_583 : vector<16xi32>
      tpu.vector_store_idx %arg9[%parallel_loop3A_260, %parallel_loop3A_584], %parallel_loop3A_581 : memref<512x128xf32, #tpu.memory_space<vmem>>[vector<16xi32>, vector<16xi32>], vector<16xf32>,
      %parallel_loop3A_585 = arith.addi %parallel_loop3A_444, %and3A_227 : vector<16xi32>
      %parallel_loop3A_586 = tpu.vector_load_idx %arg7[%parallel_loop3A_585] : memref<4352xf32, #tpu.memory_space<vmem>>[vector<16xi32>], vector<16xf32>,
      %parallel_loop3A_587 = arith.constant 32 : i32
      %parallel_loop3A_588 = vector.broadcast %parallel_loop3A_587 : i32 to vector<16xi32>
      %parallel_loop3A_589 = arith.addi %and3A_227, %parallel_loop3A_588 : vector<16xi32>
      tpu.vector_store_idx %arg9[%parallel_loop3A_260, %parallel_loop3A_589], %parallel_loop3A_586 : memref<512x128xf32, #tpu.memory_space<vmem>>[vector<16xi32>, vector<16xi32>], vector<16xf32>,
      %parallel_loop3A_590 = arith.addi %parallel_loop3A_444, %and3A_233 : vector<16xi32>
      %parallel_loop3A_591 = tpu.vector_load_idx %arg7[%parallel_loop3A_590] : memref<4352xf32, #tpu.memory_space<vmem>>[vector<16xi32>], vector<16xf32>,
      %parallel_loop3A_592 = arith.constant 32 : i32
      %parallel_loop3A_593 = vector.broadcast %parallel_loop3A_592 : i32 to vector<16xi32>
      %parallel_loop3A_594 = arith.addi %and3A_233, %parallel_loop3A_593 : vector<16xi32>
      tpu.vector_store_idx %arg9[%parallel_loop3A_260, %parallel_loop3A_594], %parallel_loop3A_591 : memref<512x128xf32, #tpu.memory_space<vmem>>[vector<16xi32>, vector<16xi32>], vector<16xf32>,
      %parallel_loop3A_595 = arith.addi %parallel_loop3A_444, %and3A_239 : vector<16xi32>
      %parallel_loop3A_596 = tpu.vector_load_idx %arg7[%parallel_loop3A_595] : memref<4352xf32, #tpu.memory_space<vmem>>[vector<16xi32>], vector<16xf32>,
      %parallel_loop3A_597 = arith.constant 32 : i32
      %parallel_loop3A_598 = vector.broadcast %parallel_loop3A_597 : i32 to vector<16xi32>
      %parallel_loop3A_599 = arith.addi %and3A_239, %parallel_loop3A_598 : vector<16xi32>
      tpu.vector_store_idx %arg9[%parallel_loop3A_260, %parallel_loop3A_599], %parallel_loop3A_596 : memref<512x128xf32, #tpu.memory_space<vmem>>[vector<16xi32>, vector<16xi32>], vector<16xf32>,
      %parallel_loop3A_600 = arith.addi %parallel_loop3A_444, %and3A_245 : vector<16xi32>
      %parallel_loop3A_601 = tpu.vector_load_idx %arg7[%parallel_loop3A_600] : memref<4352xf32, #tpu.memory_space<vmem>>[vector<16xi32>], vector<16xf32>,
      %parallel_loop3A_602 = arith.constant 32 : i32
      %parallel_loop3A_603 = vector.broadcast %parallel_loop3A_602 : i32 to vector<16xi32>
      %parallel_loop3A_604 = arith.addi %and3A_245, %parallel_loop3A_603 : vector<16xi32>
      tpu.vector_store_idx %arg9[%parallel_loop3A_260, %parallel_loop3A_604], %parallel_loop3A_601 : memref<512x128xf32, #tpu.memory_space<vmem>>[vector<16xi32>, vector<16xi32>], vector<16xf32>,
      %parallel_loop3A_605 = arith.constant 16 : i32
      %parallel_loop3A_606 = arith.muli %parallel_loop3A_256, %parallel_loop3A_605 : i32
      %parallel_loop3A_607 = arith.constant 2 : i32
      %parallel_loop3A_608 = arith.index_cast %parallel_loop3A_607 : i32 to index
      %parallel_loop3A_609 = arith.index_cast %parallel_loop3A_606 : i32 to index
      %parallel_loop3A_610 = tpu.vector_load %arg8[%parallel_loop3A_608, %parallel_loop3A_609] {strides = array<i32>} : memref<3x512xi32, #tpu.memory_space<vmem>>, vector<16xi32>,
      %parallel_loop3A_611 = arith.constant 32 : i32
      %parallel_loop3A_612 = vector.broadcast %parallel_loop3A_611 : i32 to vector<16xi32>
      %parallel_loop3A_613 = arith.muli %parallel_loop3A_610, %parallel_loop3A_612 : vector<16xi32>
      %parallel_loop3A_614 = arith.constant 3968 : i32
      %parallel_loop3A_615 = vector.broadcast %parallel_loop3A_614 : i32 to vector<16xi32>
      %parallel_loop3A_616 = arith.addi %parallel_loop3A_613, %parallel_loop3A_615 : vector<16xi32>
      %parallel_loop3A_617 = arith.addi %parallel_loop3A_616, %and3A_59 : vector<16xi32>
      %parallel_loop3A_618 = tpu.vector_load_idx %arg7[%parallel_loop3A_617] : memref<4352xf32, #tpu.memory_space<vmem>>[vector<16xi32>], vector<16xf32>,
      %parallel_loop3A_619 = arith.constant 64 : i32
      %parallel_loop3A_620 = vector.broadcast %parallel_loop3A_619 : i32 to vector<16xi32>
      %parallel_loop3A_621 = arith.addi %and3A_59, %parallel_loop3A_620 : vector<16xi32>
      tpu.vector_store_idx %arg9[%parallel_loop3A_260, %parallel_loop3A_621], %parallel_loop3A_618 : memref<512x128xf32, #tpu.memory_space<vmem>>[vector<16xi32>, vector<16xi32>], vector<16xf32>,
      %parallel_loop3A_622 = arith.addi %parallel_loop3A_616, %and3A_65 : vector<16xi32>
      %parallel_loop3A_623 = tpu.vector_load_idx %arg7[%parallel_loop3A_622] : memref<4352xf32, #tpu.memory_space<vmem>>[vector<16xi32>], vector<16xf32>,
      %parallel_loop3A_624 = arith.constant 64 : i32
      %parallel_loop3A_625 = vector.broadcast %parallel_loop3A_624 : i32 to vector<16xi32>
      %parallel_loop3A_626 = arith.addi %and3A_65, %parallel_loop3A_625 : vector<16xi32>
      tpu.vector_store_idx %arg9[%parallel_loop3A_260, %parallel_loop3A_626], %parallel_loop3A_623 : memref<512x128xf32, #tpu.memory_space<vmem>>[vector<16xi32>, vector<16xi32>], vector<16xf32>,
      %parallel_loop3A_627 = arith.addi %parallel_loop3A_616, %and3A_71 : vector<16xi32>
      %parallel_loop3A_628 = tpu.vector_load_idx %arg7[%parallel_loop3A_627] : memref<4352xf32, #tpu.memory_space<vmem>>[vector<16xi32>], vector<16xf32>,
      %parallel_loop3A_629 = arith.constant 64 : i32
      %parallel_loop3A_630 = vector.broadcast %parallel_loop3A_629 : i32 to vector<16xi32>
      %parallel_loop3A_631 = arith.addi %and3A_71, %parallel_loop3A_630 : vector<16xi32>
      tpu.vector_store_idx %arg9[%parallel_loop3A_260, %parallel_loop3A_631], %parallel_loop3A_628 : memref<512x128xf32, #tpu.memory_space<vmem>>[vector<16xi32>, vector<16xi32>], vector<16xf32>,
      %parallel_loop3A_632 = arith.addi %parallel_loop3A_616, %and3A_77 : vector<16xi32>
      %parallel_loop3A_633 = tpu.vector_load_idx %arg7[%parallel_loop3A_632] : memref<4352xf32, #tpu.memory_space<vmem>>[vector<16xi32>], vector<16xf32>,
      %parallel_loop3A_634 = arith.constant 64 : i32
      %parallel_loop3A_635 = vector.broadcast %parallel_loop3A_634 : i32 to vector<16xi32>
      %parallel_loop3A_636 = arith.addi %and3A_77, %parallel_loop3A_635 : vector<16xi32>
      tpu.vector_store_idx %arg9[%parallel_loop3A_260, %parallel_loop3A_636], %parallel_loop3A_633 : memref<512x128xf32, #tpu.memory_space<vmem>>[vector<16xi32>, vector<16xi32>], vector<16xf32>,
      %parallel_loop3A_637 = arith.addi %parallel_loop3A_616, %and3A_83 : vector<16xi32>
      %parallel_loop3A_638 = tpu.vector_load_idx %arg7[%parallel_loop3A_637] : memref<4352xf32, #tpu.memory_space<vmem>>[vector<16xi32>], vector<16xf32>,
      %parallel_loop3A_639 = arith.constant 64 : i32
      %parallel_loop3A_640 = vector.broadcast %parallel_loop3A_639 : i32 to vector<16xi32>
      %parallel_loop3A_641 = arith.addi %and3A_83, %parallel_loop3A_640 : vector<16xi32>
      tpu.vector_store_idx %arg9[%parallel_loop3A_260, %parallel_loop3A_641], %parallel_loop3A_638 : memref<512x128xf32, #tpu.memory_space<vmem>>[vector<16xi32>, vector<16xi32>], vector<16xf32>,
      %parallel_loop3A_642 = arith.addi %parallel_loop3A_616, %and3A_89 : vector<16xi32>
      %parallel_loop3A_643 = tpu.vector_load_idx %arg7[%parallel_loop3A_642] : memref<4352xf32, #tpu.memory_space<vmem>>[vector<16xi32>], vector<16xf32>,
      %parallel_loop3A_644 = arith.constant 64 : i32
      %parallel_loop3A_645 = vector.broadcast %parallel_loop3A_644 : i32 to vector<16xi32>
      %parallel_loop3A_646 = arith.addi %and3A_89, %parallel_loop3A_645 : vector<16xi32>
      tpu.vector_store_idx %arg9[%parallel_loop3A_260, %parallel_loop3A_646], %parallel_loop3A_643 : memref<512x128xf32, #tpu.memory_space<vmem>>[vector<16xi32>, vector<16xi32>], vector<16xf32>,
      %parallel_loop3A_647 = arith.addi %parallel_loop3A_616, %and3A_95 : vector<16xi32>
      %parallel_loop3A_648 = tpu.vector_load_idx %arg7[%parallel_loop3A_647] : memref<4352xf32, #tpu.memory_space<vmem>>[vector<16xi32>], vector<16xf32>,
      %parallel_loop3A_649 = arith.constant 64 : i32
      %parallel_loop3A_650 = vector.broadcast %parallel_loop3A_649 : i32 to vector<16xi32>
      %parallel_loop3A_651 = arith.addi %and3A_95, %parallel_loop3A_650 : vector<16xi32>
      tpu.vector_store_idx %arg9[%parallel_loop3A_260, %parallel_loop3A_651], %parallel_loop3A_648 : memref<512x128xf32, #tpu.memory_space<vmem>>[vector<16xi32>, vector<16xi32>], vector<16xf32>,
      %parallel_loop3A_652 = arith.addi %parallel_loop3A_616, %and3A_101 : vector<16xi32>
      %parallel_loop3A_653 = tpu.vector_load_idx %arg7[%parallel_loop3A_652] : memref<4352xf32, #tpu.memory_space<vmem>>[vector<16xi32>], vector<16xf32>,
      %parallel_loop3A_654 = arith.constant 64 : i32
      %parallel_loop3A_655 = vector.broadcast %parallel_loop3A_654 : i32 to vector<16xi32>
      %parallel_loop3A_656 = arith.addi %and3A_101, %parallel_loop3A_655 : vector<16xi32>
      tpu.vector_store_idx %arg9[%parallel_loop3A_260, %parallel_loop3A_656], %parallel_loop3A_653 : memref<512x128xf32, #tpu.memory_space<vmem>>[vector<16xi32>, vector<16xi32>], vector<16xf32>,
      %parallel_loop3A_657 = arith.addi %parallel_loop3A_616, %and3A_107 : vector<16xi32>
      %parallel_loop3A_658 = tpu.vector_load_idx %arg7[%parallel_loop3A_657] : memref<4352xf32, #tpu.memory_space<vmem>>[vector<16xi32>], vector<16xf32>,
      %parallel_loop3A_659 = arith.constant 64 : i32
      %parallel_loop3A_660 = vector.broadcast %parallel_loop3A_659 : i32 to vector<16xi32>
      %parallel_loop3A_661 = arith.addi %and3A_107, %parallel_loop3A_660 : vector<16xi32>
      tpu.vector_store_idx %arg9[%parallel_loop3A_260, %parallel_loop3A_661], %parallel_loop3A_658 : memref<512x128xf32, #tpu.memory_space<vmem>>[vector<16xi32>, vector<16xi32>], vector<16xf32>,
      %parallel_loop3A_662 = arith.addi %parallel_loop3A_616, %and3A_113 : vector<16xi32>
      %parallel_loop3A_663 = tpu.vector_load_idx %arg7[%parallel_loop3A_662] : memref<4352xf32, #tpu.memory_space<vmem>>[vector<16xi32>], vector<16xf32>,
      %parallel_loop3A_664 = arith.constant 64 : i32
      %parallel_loop3A_665 = vector.broadcast %parallel_loop3A_664 : i32 to vector<16xi32>
      %parallel_loop3A_666 = arith.addi %and3A_113, %parallel_loop3A_665 : vector<16xi32>
      tpu.vector_store_idx %arg9[%parallel_loop3A_260, %parallel_loop3A_666], %parallel_loop3A_663 : memref<512x128xf32, #tpu.memory_space<vmem>>[vector<16xi32>, vector<16xi32>], vector<16xf32>,
      %parallel_loop3A_667 = arith.addi %parallel_loop3A_616, %and3A_119 : vector<16xi32>
      %parallel_loop3A_668 = tpu.vector_load_idx %arg7[%parallel_loop3A_667] : memref<4352xf32, #tpu.memory_space<vmem>>[vector<16xi32>], vector<16xf32>,
      %parallel_loop3A_669 = arith.constant 64 : i32
      %parallel_loop3A_670 = vector.broadcast %parallel_loop3A_669 : i32 to vector<16xi32>
      %parallel_loop3A_671 = arith.addi %and3A_119, %parallel_loop3A_670 : vector<16xi32>
      tpu.vector_store_idx %arg9[%parallel_loop3A_260, %parallel_loop3A_671], %parallel_loop3A_668 : memref<512x128xf32, #tpu.memory_space<vmem>>[vector<16xi32>, vector<16xi32>], vector<16xf32>,
      %parallel_loop3A_672 = arith.addi %parallel_loop3A_616, %and3A_125 : vector<16xi32>
      %parallel_loop3A_673 = tpu.vector_load_idx %arg7[%parallel_loop3A_672] : memref<4352xf32, #tpu.memory_space<vmem>>[vector<16xi32>], vector<16xf32>,
      %parallel_loop3A_674 = arith.constant 64 : i32
      %parallel_loop3A_675 = vector.broadcast %parallel_loop3A_674 : i32 to vector<16xi32>
      %parallel_loop3A_676 = arith.addi %and3A_125, %parallel_loop3A_675 : vector<16xi32>
      tpu.vector_store_idx %arg9[%parallel_loop3A_260, %parallel_loop3A_676], %parallel_loop3A_673 : memref<512x128xf32, #tpu.memory_space<vmem>>[vector<16xi32>, vector<16xi32>], vector<16xf32>,
      %parallel_loop3A_677 = arith.addi %parallel_loop3A_616, %and3A_131 : vector<16xi32>
      %parallel_loop3A_678 = tpu.vector_load_idx %arg7[%parallel_loop3A_677] : memref<4352xf32, #tpu.memory_space<vmem>>[vector<16xi32>], vector<16xf32>,
      %parallel_loop3A_679 = arith.constant 64 : i32
      %parallel_loop3A_680 = vector.broadcast %parallel_loop3A_679 : i32 to vector<16xi32>
      %parallel_loop3A_681 = arith.addi %and3A_131, %parallel_loop3A_680 : vector<16xi32>
      tpu.vector_store_idx %arg9[%parallel_loop3A_260, %parallel_loop3A_681], %parallel_loop3A_678 : memref<512x128xf32, #tpu.memory_space<vmem>>[vector<16xi32>, vector<16xi32>], vector<16xf32>,
      %parallel_loop3A_682 = arith.addi %parallel_loop3A_616, %and3A_137 : vector<16xi32>
      %parallel_loop3A_683 = tpu.vector_load_idx %arg7[%parallel_loop3A_682] : memref<4352xf32, #tpu.memory_space<vmem>>[vector<16xi32>], vector<16xf32>,
      %parallel_loop3A_684 = arith.constant 64 : i32
      %parallel_loop3A_685 = vector.broadcast %parallel_loop3A_684 : i32 to vector<16xi32>
      %parallel_loop3A_686 = arith.addi %and3A_137, %parallel_loop3A_685 : vector<16xi32>
      tpu.vector_store_idx %arg9[%parallel_loop3A_260, %parallel_loop3A_686], %parallel_loop3A_683 : memref<512x128xf32, #tpu.memory_space<vmem>>[vector<16xi32>, vector<16xi32>], vector<16xf32>,
      %parallel_loop3A_687 = arith.addi %parallel_loop3A_616, %and3A_143 : vector<16xi32>
      %parallel_loop3A_688 = tpu.vector_load_idx %arg7[%parallel_loop3A_687] : memref<4352xf32, #tpu.memory_space<vmem>>[vector<16xi32>], vector<16xf32>,
      %parallel_loop3A_689 = arith.constant 64 : i32
      %parallel_loop3A_690 = vector.broadcast %parallel_loop3A_689 : i32 to vector<16xi32>
      %parallel_loop3A_691 = arith.addi %and3A_143, %parallel_loop3A_690 : vector<16xi32>
      tpu.vector_store_idx %arg9[%parallel_loop3A_260, %parallel_loop3A_691], %parallel_loop3A_688 : memref<512x128xf32, #tpu.memory_space<vmem>>[vector<16xi32>, vector<16xi32>], vector<16xf32>,
      %parallel_loop3A_692 = arith.addi %parallel_loop3A_616, %and3A_149 : vector<16xi32>
      %parallel_loop3A_693 = tpu.vector_load_idx %arg7[%parallel_loop3A_692] : memref<4352xf32, #tpu.memory_space<vmem>>[vector<16xi32>], vector<16xf32>,
      %parallel_loop3A_694 = arith.constant 64 : i32
      %parallel_loop3A_695 = vector.broadcast %parallel_loop3A_694 : i32 to vector<16xi32>
      %parallel_loop3A_696 = arith.addi %and3A_149, %parallel_loop3A_695 : vector<16xi32>
      tpu.vector_store_idx %arg9[%parallel_loop3A_260, %parallel_loop3A_696], %parallel_loop3A_693 : memref<512x128xf32, #tpu.memory_space<vmem>>[vector<16xi32>, vector<16xi32>], vector<16xf32>,
      %parallel_loop3A_697 = arith.addi %parallel_loop3A_616, %and3A_155 : vector<16xi32>
      %parallel_loop3A_698 = tpu.vector_load_idx %arg7[%parallel_loop3A_697] : memref<4352xf32, #tpu.memory_space<vmem>>[vector<16xi32>], vector<16xf32>,
      %parallel_loop3A_699 = arith.constant 64 : i32
      %parallel_loop3A_700 = vector.broadcast %parallel_loop3A_699 : i32 to vector<16xi32>
      %parallel_loop3A_701 = arith.addi %and3A_155, %parallel_loop3A_700 : vector<16xi32>
      tpu.vector_store_idx %arg9[%parallel_loop3A_260, %parallel_loop3A_701], %parallel_loop3A_698 : memref<512x128xf32, #tpu.memory_space<vmem>>[vector<16xi32>, vector<16xi32>], vector<16xf32>,
      %parallel_loop3A_702 = arith.addi %parallel_loop3A_616, %and3A_161 : vector<16xi32>
      %parallel_loop3A_703 = tpu.vector_load_idx %arg7[%parallel_loop3A_702] : memref<4352xf32, #tpu.memory_space<vmem>>[vector<16xi32>], vector<16xf32>,
      %parallel_loop3A_704 = arith.constant 64 : i32
      %parallel_loop3A_705 = vector.broadcast %parallel_loop3A_704 : i32 to vector<16xi32>
      %parallel_loop3A_706 = arith.addi %and3A_161, %parallel_loop3A_705 : vector<16xi32>
      tpu.vector_store_idx %arg9[%parallel_loop3A_260, %parallel_loop3A_706], %parallel_loop3A_703 : memref<512x128xf32, #tpu.memory_space<vmem>>[vector<16xi32>, vector<16xi32>], vector<16xf32>,
      %parallel_loop3A_707 = arith.addi %parallel_loop3A_616, %and3A_167 : vector<16xi32>
      %parallel_loop3A_708 = tpu.vector_load_idx %arg7[%parallel_loop3A_707] : memref<4352xf32, #tpu.memory_space<vmem>>[vector<16xi32>], vector<16xf32>,
      %parallel_loop3A_709 = arith.constant 64 : i32
      %parallel_loop3A_710 = vector.broadcast %parallel_loop3A_709 : i32 to vector<16xi32>
      %parallel_loop3A_711 = arith.addi %and3A_167, %parallel_loop3A_710 : vector<16xi32>
      tpu.vector_store_idx %arg9[%parallel_loop3A_260, %parallel_loop3A_711], %parallel_loop3A_708 : memref<512x128xf32, #tpu.memory_space<vmem>>[vector<16xi32>, vector<16xi32>], vector<16xf32>,
      %parallel_loop3A_712 = arith.addi %parallel_loop3A_616, %and3A_173 : vector<16xi32>
      %parallel_loop3A_713 = tpu.vector_load_idx %arg7[%parallel_loop3A_712] : memref<4352xf32, #tpu.memory_space<vmem>>[vector<16xi32>], vector<16xf32>,
      %parallel_loop3A_714 = arith.constant 64 : i32
      %parallel_loop3A_715 = vector.broadcast %parallel_loop3A_714 : i32 to vector<16xi32>
      %parallel_loop3A_716 = arith.addi %and3A_173, %parallel_loop3A_715 : vector<16xi32>
      tpu.vector_store_idx %arg9[%parallel_loop3A_260, %parallel_loop3A_716], %parallel_loop3A_713 : memref<512x128xf32, #tpu.memory_space<vmem>>[vector<16xi32>, vector<16xi32>], vector<16xf32>,
      %parallel_loop3A_717 = arith.addi %parallel_loop3A_616, %and3A_179 : vector<16xi32>
      %parallel_loop3A_718 = tpu.vector_load_idx %arg7[%parallel_loop3A_717] : memref<4352xf32, #tpu.memory_space<vmem>>[vector<16xi32>], vector<16xf32>,
      %parallel_loop3A_719 = arith.constant 64 : i32
      %parallel_loop3A_720 = vector.broadcast %parallel_loop3A_719 : i32 to vector<16xi32>
      %parallel_loop3A_721 = arith.addi %and3A_179, %parallel_loop3A_720 : vector<16xi32>
      tpu.vector_store_idx %arg9[%parallel_loop3A_260, %parallel_loop3A_721], %parallel_loop3A_718 : memref<512x128xf32, #tpu.memory_space<vmem>>[vector<16xi32>, vector<16xi32>], vector<16xf32>,
      %parallel_loop3A_722 = arith.addi %parallel_loop3A_616, %and3A_185 : vector<16xi32>
      %parallel_loop3A_723 = tpu.vector_load_idx %arg7[%parallel_loop3A_722] : memref<4352xf32, #tpu.memory_space<vmem>>[vector<16xi32>], vector<16xf32>,
      %parallel_loop3A_724 = arith.constant 64 : i32
      %parallel_loop3A_725 = vector.broadcast %parallel_loop3A_724 : i32 to vector<16xi32>
      %parallel_loop3A_726 = arith.addi %and3A_185, %parallel_loop3A_725 : vector<16xi32>
      tpu.vector_store_idx %arg9[%parallel_loop3A_260, %parallel_loop3A_726], %parallel_loop3A_723 : memref<512x128xf32, #tpu.memory_space<vmem>>[vector<16xi32>, vector<16xi32>], vector<16xf32>,
      %parallel_loop3A_727 = arith.addi %parallel_loop3A_616, %and3A_191 : vector<16xi32>
      %parallel_loop3A_728 = tpu.vector_load_idx %arg7[%parallel_loop3A_727] : memref<4352xf32, #tpu.memory_space<vmem>>[vector<16xi32>], vector<16xf32>,
      %parallel_loop3A_729 = arith.constant 64 : i32
      %parallel_loop3A_730 = vector.broadcast %parallel_loop3A_729 : i32 to vector<16xi32>
      %parallel_loop3A_731 = arith.addi %and3A_191, %parallel_loop3A_730 : vector<16xi32>
      tpu.vector_store_idx %arg9[%parallel_loop3A_260, %parallel_loop3A_731], %parallel_loop3A_728 : memref<512x128xf32, #tpu.memory_space<vmem>>[vector<16xi32>, vector<16xi32>], vector<16xf32>,
      %parallel_loop3A_732 = arith.addi %parallel_loop3A_616, %and3A_197 : vector<16xi32>
      %parallel_loop3A_733 = tpu.vector_load_idx %arg7[%parallel_loop3A_732] : memref<4352xf32, #tpu.memory_space<vmem>>[vector<16xi32>], vector<16xf32>,
      %parallel_loop3A_734 = arith.constant 64 : i32
      %parallel_loop3A_735 = vector.broadcast %parallel_loop3A_734 : i32 to vector<16xi32>
      %parallel_loop3A_736 = arith.addi %and3A_197, %parallel_loop3A_735 : vector<16xi32>
      tpu.vector_store_idx %arg9[%parallel_loop3A_260, %parallel_loop3A_736], %parallel_loop3A_733 : memref<512x128xf32, #tpu.memory_space<vmem>>[vector<16xi32>, vector<16xi32>], vector<16xf32>,
      %parallel_loop3A_737 = arith.addi %parallel_loop3A_616, %and3A_203 : vector<16xi32>
      %parallel_loop3A_738 = tpu.vector_load_idx %arg7[%parallel_loop3A_737] : memref<4352xf32, #tpu.memory_space<vmem>>[vector<16xi32>], vector<16xf32>,
      %parallel_loop3A_739 = arith.constant 64 : i32
      %parallel_loop3A_740 = vector.broadcast %parallel_loop3A_739 : i32 to vector<16xi32>
      %parallel_loop3A_741 = arith.addi %and3A_203, %parallel_loop3A_740 : vector<16xi32>
      tpu.vector_store_idx %arg9[%parallel_loop3A_260, %parallel_loop3A_741], %parallel_loop3A_738 : memref<512x128xf32, #tpu.memory_space<vmem>>[vector<16xi32>, vector<16xi32>], vector<16xf32>,
      %parallel_loop3A_742 = arith.addi %parallel_loop3A_616, %and3A_209 : vector<16xi32>
      %parallel_loop3A_743 = tpu.vector_load_idx %arg7[%parallel_loop3A_742] : memref<4352xf32, #tpu.memory_space<vmem>>[vector<16xi32>], vector<16xf32>,
      %parallel_loop3A_744 = arith.constant 64 : i32
      %parallel_loop3A_745 = vector.broadcast %parallel_loop3A_744 : i32 to vector<16xi32>
      %parallel_loop3A_746 = arith.addi %and3A_209, %parallel_loop3A_745 : vector<16xi32>
      tpu.vector_store_idx %arg9[%parallel_loop3A_260, %parallel_loop3A_746], %parallel_loop3A_743 : memref<512x128xf32, #tpu.memory_space<vmem>>[vector<16xi32>, vector<16xi32>], vector<16xf32>,
      %parallel_loop3A_747 = arith.addi %parallel_loop3A_616, %and3A_215 : vector<16xi32>
      %parallel_loop3A_748 = tpu.vector_load_idx %arg7[%parallel_loop3A_747] : memref<4352xf32, #tpu.memory_space<vmem>>[vector<16xi32>], vector<16xf32>,
      %parallel_loop3A_749 = arith.constant 64 : i32
      %parallel_loop3A_750 = vector.broadcast %parallel_loop3A_749 : i32 to vector<16xi32>
      %parallel_loop3A_751 = arith.addi %and3A_215, %parallel_loop3A_750 : vector<16xi32>
      tpu.vector_store_idx %arg9[%parallel_loop3A_260, %parallel_loop3A_751], %parallel_loop3A_748 : memref<512x128xf32, #tpu.memory_space<vmem>>[vector<16xi32>, vector<16xi32>], vector<16xf32>,
      %parallel_loop3A_752 = arith.addi %parallel_loop3A_616, %and3A_221 : vector<16xi32>
      %parallel_loop3A_753 = tpu.vector_load_idx %arg7[%parallel_loop3A_752] : memref<4352xf32, #tpu.memory_space<vmem>>[vector<16xi32>], vector<16xf32>,
      %parallel_loop3A_754 = arith.constant 64 : i32
      %parallel_loop3A_755 = vector.broadcast %parallel_loop3A_754 : i32 to vector<16xi32>
      %parallel_loop3A_756 = arith.addi %and3A_221, %parallel_loop3A_755 : vector<16xi32>
      tpu.vector_store_idx %arg9[%parallel_loop3A_260, %parallel_loop3A_756], %parallel_loop3A_753 : memref<512x128xf32, #tpu.memory_space<vmem>>[vector<16xi32>, vector<16xi32>], vector<16xf32>,
      %parallel_loop3A_757 = arith.addi %parallel_loop3A_616, %and3A_227 : vector<16xi32>
      %parallel_loop3A_758 = tpu.vector_load_idx %arg7[%parallel_loop3A_757] : memref<4352xf32, #tpu.memory_space<vmem>>[vector<16xi32>], vector<16xf32>,
      %parallel_loop3A_759 = arith.constant 64 : i32
      %parallel_loop3A_760 = vector.broadcast %parallel_loop3A_759 : i32 to vector<16xi32>
      %parallel_loop3A_761 = arith.addi %and3A_227, %parallel_loop3A_760 : vector<16xi32>
      tpu.vector_store_idx %arg9[%parallel_loop3A_260, %parallel_loop3A_761], %parallel_loop3A_758 : memref<512x128xf32, #tpu.memory_space<vmem>>[vector<16xi32>, vector<16xi32>], vector<16xf32>,
      %parallel_loop3A_762 = arith.addi %parallel_loop3A_616, %and3A_233 : vector<16xi32>
      %parallel_loop3A_763 = tpu.vector_load_idx %arg7[%parallel_loop3A_762] : memref<4352xf32, #tpu.memory_space<vmem>>[vector<16xi32>], vector<16xf32>,
      %parallel_loop3A_764 = arith.constant 64 : i32
      %parallel_loop3A_765 = vector.broadcast %parallel_loop3A_764 : i32 to vector<16xi32>
      %parallel_loop3A_766 = arith.addi %and3A_233, %parallel_loop3A_765 : vector<16xi32>
      tpu.vector_store_idx %arg9[%parallel_loop3A_260, %parallel_loop3A_766], %parallel_loop3A_763 : memref<512x128xf32, #tpu.memory_space<vmem>>[vector<16xi32>, vector<16xi32>], vector<16xf32>,
      %parallel_loop3A_767 = arith.addi %parallel_loop3A_616, %and3A_239 : vector<16xi32>
      %parallel_loop3A_768 = tpu.vector_load_idx %arg7[%parallel_loop3A_767] : memref<4352xf32, #tpu.memory_space<vmem>>[vector<16xi32>], vector<16xf32>,
      %parallel_loop3A_769 = arith.constant 64 : i32
      %parallel_loop3A_770 = vector.broadcast %parallel_loop3A_769 : i32 to vector<16xi32>
      %parallel_loop3A_771 = arith.addi %and3A_239, %parallel_loop3A_770 : vector<16xi32>
      tpu.vector_store_idx %arg9[%parallel_loop3A_260, %parallel_loop3A_771], %parallel_loop3A_768 : memref<512x128xf32, #tpu.memory_space<vmem>>[vector<16xi32>, vector<16xi32>], vector<16xf32>,
      %parallel_loop3A_772 = arith.addi %parallel_loop3A_616, %and3A_245 : vector<16xi32>
      %parallel_loop3A_773 = tpu.vector_load_idx %arg7[%parallel_loop3A_772] : memref<4352xf32, #tpu.memory_space<vmem>>[vector<16xi32>], vector<16xf32>,
      %parallel_loop3A_774 = arith.constant 64 : i32
      %parallel_loop3A_775 = vector.broadcast %parallel_loop3A_774 : i32 to vector<16xi32>
      %parallel_loop3A_776 = arith.addi %and3A_245, %parallel_loop3A_775 : vector<16xi32>
      tpu.vector_store_idx %arg9[%parallel_loop3A_260, %parallel_loop3A_776], %parallel_loop3A_773 : memref<512x128xf32, #tpu.memory_space<vmem>>[vector<16xi32>, vector<16xi32>], vector<16xf32>,
    } {sc.loop_unroll_factor = 2 : i64, sc.parallel_access}
    %dma_start3A_248 = arith.constant 0 : i32
    %dma_start3A_249 = tpu.memref_slice %arg6[%mul3A_2, %dma_start3A_248] : memref<16384x128xf32, #tpu.memory_space<hbm>> -> memref<512x128xf32, #tpu.memory_space<hbm>>
    %dma_start3A_250 = arith.constant 0 : i32
    %dma_start3A_251 = tpu.memref_slice %arg6[%mul3A_2, %dma_start3A_250] : memref<16384x128xf32, #tpu.memory_space<hbm>> -> memref<512x128xf32, #tpu.memory_space<hbm>>
    tpu.enqueue_dma source(%arg9 : memref<512x128xf32, #tpu.memory_space<vmem>>) target(%dma_start3A_251 : memref<512x128xf32, #tpu.memory_space<hbm>>) target_semaphore(%arg12 : memref<!tpu.dma_semaphore, #tpu.memory_space<semaphore_mem>>)
    %dma_wait3A_252 = arith.constant 0 : i32
    %dma_wait3A_253 = tpu.memref_slice %arg6[%mul3A_2, %dma_wait3A_252] : memref<16384x128xf32, #tpu.memory_space<hbm>> -> memref<512x128xf32, #tpu.memory_space<hbm>>
    %dma_wait3A_254 = arith.constant 0 : i32
    %dma_wait3A_255 = tpu.memref_slice %arg6[%mul3A_2, %dma_wait3A_254] : memref<16384x128xf32, #tpu.memory_space<hbm>> -> memref<512x128xf32, #tpu.memory_space<hbm>>
    tpu.wait_dma2 semaphore(%arg12 : memref<!tpu.dma_semaphore, #tpu.memory_space<semaphore_mem>>) src(%arg9 : memref<512x128xf32, #tpu.memory_space<vmem>>) dst(%dma_wait3A_255 : memref<512x128xf32, #tpu.memory_space<hbm>>)
    return
  }
}

</mosaic_0001>

<sc_bundles>
// kernel: _sc_gather.3.cloned.1.call-start
scs
__scs_entry_jumppad:
0x0: {  	(pc) =	sbr.rel $0x88, $3  }
0x1: {  	(tag) =	ssettag $0x0;
	lr =	simm.s32 $0x1  }
0x2: {  	[smem:$0x3F9D] =	sst lr;
	_ =	strace $0xD0000000  }
0x3: {  	_ = 	snop  }
0x4: {  	_ = 	snop  }
0x5: {  	_ = 	snop  }
0x6: {  	_ = 	snop  }
0x7: {  	_ = 	snop  }
__scs_overlays_trampoline_lowered:
0x8: {  	[smem:$0x3FAC] =	sst s0  }
0x9: {  	[smem:$0x3FAD] =	sst s1  }
0xa: {  	[smem:$0x3FAE] =	sst s2  }
0xb: {  	[smem:$0x3FAF] =	sst s3  }
0xc: {  	[smem:$0x3FB0] =	sst s4  }
0xd: {  	[smem:$0x3FB1] =	sst s5  }
0xe: {  	[smem:$0x3FB2] =	sst s6  }
0xf: {  	[smem:$0x3FB3] =	sst s7  }
0x10: {  	[smem:$0x3FB4] =	sst s8  }
0x11: {  	[smem:$0x3FB5] =	sst s9;
	s0 =	simm.s32 @!p0 $0x0  }
0x12: {  	s1 =	sld [smem:$0x3F9B];
	s0 =	simm.s32 @p0 $0x1  }
0x13: {  	[smem:$0x3FB6] =	sst s0;
	s0 =	simm.s32 @!p1 $0x0  }
0x14: {  	s2 =	sld [smem:$0x3F9A];
	s0 =	simm.s32 @p1 $0x1  }
0x15: {  	[smem:$0x3FB7] =	sst s0;
	s0 =	simm.s32 @!p2 $0x0  }
0x16: {  	s3 =	sld [smem:$0x3FDB];
	s0 =	simm.s32 @p2 $0x1  }
0x17: {  	s4 =	simm.s32 $0x1BF5;
	[smem:$0x3FB9] =	sst s0  }
0x18: {  	s0 =	sld [smem:$0x3F9C];
	_ =	swait.ge [sflag:s4], $0x0  }
0x19: {  	s7 =	sld [smem:$0x3F9D]  }
0x1a: {  	s8 =	sadd.s32 $0xFFFFE003, lr  }
0x1b: {  	s9 =	sadd.s32 $0xFFFFFEF7, lr;
	s5 =	simm.s32 $0xFFFFFFFF;
	p2 =	slt.u32 s8, $0xFFFFF086  }
0x1c: {  	p1 =	slt.u32 s9, $0xF7A;
	s5 =	simm.s32 @!p2 $0x0  }
0x1d: {  	s5 =	simm.s32 @p1 $0x1;
	p0 =	seq.s32 s7, s2  }
0x1e: {  	s7 =	smul.u32 @!p0 $0xF7A, s2;
	p2 =	seq.s32 @!p0 s5, $0x0  }
0x1f: {  	s9 =	smul.u32 $0xF7A, s1;
	s8 =	simm.s32 @!p0 $0x1BF5;
	p2 =	por !p2, p0  }
0x20: {  	[sflag:s8] =	ssyncset.s32 @!p0 $0xFFFFF086;
	s6 =	sadd.s32 @!p0 s3, s7;
	s7 =	simm.s32 @!p0 $0x108  }
0x21: {  	s3 =	sadd.s32 s3, s9;
	s6 =	sadd.s32 @!p0 $0x88, s6;
	s7 =	simm.s32 @p2 $0x1082  }
0x22: {  	[simem:s7], [sflag:s8] =	dma.local @!p0 [hbm:s6], $0xF7A  }
0x23: {  	s9 =	sor.u32 $0xD0000000, s2;
	s6 =	simm.s32 $0x108;
	_ =	swait.ge @!p0 [sflag:s8], $0x0  }
0x24: {  	s3 =	sadd.s32 $0x88, s3;
	s6 =	simm.s32 @!p1 $0x1082;
	[sflag:s4] =	ssyncset.s32 $0xFFFFF086  }
0x25: {  	[simem:s6], [sflag:s4] =	dma.local [hbm:s3], $0xF7A  }
0x26: {  	[smem:$0x3F9D] =	sst s1;
	(tag) =	ssettag s2;
	_ =	strace s9  }
0x27: {  	s1 =	sld [smem:$0x3FAD]  }
0x28: {  	s2 =	sld [smem:$0x3FAE]  }
0x29: {  	s4 =	sld [smem:$0x3FB0]  }
0x2a: {  	p0 =	seq.s32 s5, $0x0;
	s5 =	sld [smem:$0x3FB1]  }
0x2b: {  	s6 =	sld [smem:$0x3FB2]  }
0x2c: {  	s7 =	sld [smem:$0x3FB3]  }
0x2d: {  	s3 =	simm.s32 $0x108;
	s8 =	sld [smem:$0x3FB4]  }
0x2e: {  	s3 =	simm.s32 @!p0 $0x1082;
	s9 =	sld [smem:$0x3FB5]  }
0x2f: {  	lr =	sadd.s32 s0, s3;
	s0 =	sld [smem:$0x3FAC]  }
0x30: {  	s3 =	sld [smem:$0x3FAF]  }
0x31: {  	[smem:$0x3FB8] =	sst s10  }
0x32: {  	s10 =	sld [smem:$0x3FB6];
	_ =	sdelay $0x3  }
0x33: {  	p0 =	seq.s32 s10, $0x1;
	s10 =	sld [smem:$0x3FB8];
	_ =	sdelay $0x3  }
0x34: {  	[smem:$0x3FB8] =	sst s10  }
0x35: {  	s10 =	sld [smem:$0x3FB7];
	_ =	sdelay $0x3  }
0x36: {  	p1 =	seq.s32 s10, $0x1;
	s10 =	sld [smem:$0x3FB8];
	_ =	sdelay $0x3  }
0x37: {  	[smem:$0x3FB8] =	sst s10  }
0x38: {  	s10 =	sld [smem:$0x3FB9]  }
0x39: {  	_ = 	snop;
	(pc) =	sbr.ind lr, $3  }
0x3a: {  	_ = 	snop  }
0x3b: {  	_ = 	snop  }
0x3c: {  	p2 =	seq.s32 s10, $0x1;
	s10 =	sld [smem:$0x3FB8]  }
0x3d: {  	_ =	shalt  }
0x3e: {  	_ =	shalt  }
0x3f: {  	_ =	shalt  }
0x40: {  	_ =	shalt  }
0x41: {  	_ =	shalt  }
0x42: {  	_ =	shalt  }
0x43: {  	_ =	shalt  }
0x44: {  	_ =	shalt  }
0x45: {  	_ =	shalt  }
0x46: {  	_ =	shalt  }
0x47: {  	_ =	shalt  }
0x48: {  	_ =	shalt  }
0x49: {  	_ =	shalt  }
0x4a: {  	_ =	shalt  }
0x4b: {  	_ =	shalt  }
0x4c: {  	_ =	shalt  }
0x4d: {  	_ =	shalt  }
0x4e: {  	_ =	shalt  }
0x4f: {  	_ =	shalt  }
0x50: {  	_ =	shalt  }
0x51: {  	_ =	shalt  }
0x52: {  	_ =	shalt  }
0x53: {  	_ =	shalt  }
0x54: {  	_ =	shalt  }
0x55: {  	_ =	shalt  }
0x56: {  	_ =	shalt  }
0x57: {  	_ =	shalt  }
0x58: {  	_ =	shalt  }
0x59: {  	_ =	shalt  }
0x5a: {  	_ =	shalt  }
0x5b: {  	_ =	shalt  }
0x5c: {  	_ =	shalt  }
0x5d: {  	_ =	shalt  }
0x5e: {  	_ =	shalt  }
0x5f: {  	_ =	shalt  }
0x60: {  	_ =	shalt  }
0x61: {  	_ =	shalt  }
0x62: {  	_ =	shalt  }
0x63: {  	_ =	shalt  }
0x64: {  	_ =	shalt  }
0x65: {  	_ =	shalt  }
0x66: {  	_ =	shalt  }
0x67: {  	_ =	shalt  }
0x68: {  	_ =	shalt  }
0x69: {  	_ =	shalt  }
0x6a: {  	_ =	shalt  }
0x6b: {  	_ =	shalt  }
0x6c: {  	_ =	shalt  }
0x6d: {  	_ =	shalt  }
0x6e: {  	_ =	shalt  }
0x6f: {  	_ =	shalt  }
0x70: {  	_ =	shalt  }
0x71: {  	_ =	shalt  }
0x72: {  	_ =	shalt  }
0x73: {  	_ =	shalt  }
0x74: {  	_ =	shalt  }
0x75: {  	_ =	shalt  }
0x76: {  	_ =	shalt  }
0x77: {  	_ =	shalt  }
0x78: {  	_ =	shalt  }
0x79: {  	_ =	shalt  }
0x7a: {  	_ =	shalt  }
0x7b: {  	_ =	shalt  }
0x7c: {  	_ =	shalt  }
0x7d: {  	_ =	shalt  }
0x7e: {  	_ =	shalt  }
0x7f: {  	_ =	shalt  }
0x80: {  	_ =	shalt  }
0x81: {  	_ =	shalt  }
0x82: {  	_ =	shalt  }
0x83: {  	_ =	shalt  }
0x84: {  	_ =	shalt  }
0x85: {  	_ =	shalt  }
0x86: {  	_ =	shalt  }
0x87: {  	_ =	shalt  }
.Lfunc_end0:
.L_simem_size_0:
called_computation_lowered:
.L_overlay_start_0:
0x88: {  	s2 =	sld [smem:$0x3FD9]  }
0x89: {  	s3 =	sld [smem:$0x3FFE];
	_ =	sdelay $0x1  }
0x8a: {  	s1 =	srdreg.scid  }
0x8b: {  	s0 =	sand.u32 $0x1, s1  }
0x8c: {  	s18 =	sshll.u32 s0, $0xA;
	s2 =	sadd.s32 s3, s2  }
0x8d: {  	s2 =	sadd.s32 s2, s18  }
0x8e: {  	[smem:$0x3FC4] =	sst s2  }
0x8f: {  	_ = 	snop  }
0x90: {  	s2 =	sld [smem:$0x3FC9]  }
0x91: {  	s19 =	sld [smem:$0x3FC8]  }
0x92: {  	s4 =	sld [smem:$0x3FC7]  }
0x93: {  	s5 =	sld [smem:$0x3FC6]  }
0x94: {  	s6 =	sld [smem:$0x3FD0];
	(tm) =	ssettm $0x1  }
0x95: {  	s7 =	sld [smem:$0x3FFB];
	_ =	sdelay $0x3  }
0x96: {  	_ =	strace s7  }
0x97: {  	s7 =	sld [smem:$0x3FFC];
	_ =	sdelay $0x3  }
0x98: {  	_ =	strace s7  }
0x99: {  	s7 =	sld [smem:$0x3FFD];
	_ =	sdelay $0x3  }
0x9a: {  	_ =	strace s7  }
0x9b: {  	_ =	strace $0x8FFFFFFF  }
0x9c: {  	s20 =	sld [smem:$0x3FDB];
	_ =	sdelay $0x1  }
0x9d: {  	s8 =	simm.s32 $_scs_section_size  }
0x9e: {  	s9 =	simm.s32 $_size__tile_overlayer_lowered;
	s10 =	simm.s32 $_tile_overlayer_lowered  }
0x9f: {  	s23 =	simm.s32 $0x1BFF;
	s22 =	sshll.u32 s10, $0x1;
	s7 =	sadd.s32 s8, s20  }
0xa0: {  	s11 =	simm.s32 $0x0;
	s21 =	sshll.u32 s9, $0x1;
	s9 =	sadd.s32 s22, s7  }
0xa1: {  	[timem:s11], [sflag:s23] =	dma.local [hbm:s9], s21  }
0xa2: {  	_ =	swait.ge [sflag:s23], s21  }
0xa3: {  	s8 =	ssub.s32 $0x0, s21;
	[sflag:s23] =	ssyncset.done $0x0  }
0xa4: {  	[sflag:s23] =	ssyncadd.s32 s8;
	_ =	sdelay $0x1  }
0xa5: {  	s24 =	simm.s32 $0x1B8B  }
0xa6: {  	_ =	swait.ge [sflag:s24], $0x1  }
0xa7: {  	[sflag:s24] =	ssyncset.done $0x0  }
0xa8: {  	s25 =	simm.s32 $0x1B8E;
	[sflag:s24] =	ssyncadd.s32 $0xFFFFFFFF  }
0xa9: {  	s26 =	simm.s32 $execute0_lowered;
	[smem:$0x3FD2] =	sst s25  }
0xaa: {  	s8 =	sshll.u32 s26, $0x1;
	_ =	strace $0x80000046;
	[dreg:$0x1] =	wrdreg $0xFFFFFFFF  }
0xab: {  	s28 =	simm.s32 $_size_execute0_lowered;
	s7 =	sadd.s32 s7, s8;
	[dreg:$0x0] =	wrdreg $0x0  }
0xac: {  	s8 =	sshll.u32 s28, $0x1;
	[dreg:$0x2] =	wrdreg s7  }
0xad: {  	[dreg:$0x3] =	wrdreg s8  }
0xae: {  	[dreg:$0x4] =	wrdreg $0xC0  }
0xaf: {  	_ =	task [dreg:s11], $0x5FFFF  }
0xb0: {  	[dreg:$0x1] =	wrdreg $0xFFFFFFFF  }
0xb1: {  	[dreg:$0x0] =	wrdreg $0x60  }
0xb2: {  	[dreg:$0x2] =	wrdreg s2  }
0xb3: {  	[dreg:$0x3] =	wrdreg s19  }
0xb4: {  	[dreg:$0x4] =	wrdreg s4  }
0xb5: {  	[dreg:$0x5] =	wrdreg s5  }
0xb6: {  	[dreg:$0x6] =	wrdreg s6  }
0xb7: {  	[dreg:$0x7] =	wrdreg $0x9  }
0xb8: {  	_ =	task.clear_ibuf [dreg:s11], $0x8FFFF;
	_ =	strace $0x90000046  }
0xb9: {  	s29 =	simm.s32 $0x9;
	_ =	strace $0x80000048  }
0xba: {  	_ =	swait.ge [sflag:s29], $0x1  }
0xbb: {  	[sflag:s29] =	ssyncadd.s32 $0xFFFFFFFF  }
0xbc: {  	_ =	strace $0x90000048  }
0xbd: {  	_ =	sfence  }
0xbe: {  	s30 =	sld [smem:$0x0];
	_ =	sdelay $0x2  }
0xbf: {  	s31 =	sshll.u32 s1, $0xD;
	s1 =	sshrl.u32 s1, $0x2  }
0xc0: {  	s3 =	sand.u32 $0x4000, s31;
	s1 =	sadd.s32 s1, s30  }
0xc1: {  	s0 =	sor.u32 s3, s0;
	s1 =	sshll.u32 s1, $0x11  }
0xc2: {  	s0 =	sor.u32 s1, s0  }
0xc3: {  	s0 =	sadd.s32 $0x8F2B, s0  }
0xc4: {  	[sflag:s0] =	ssyncadd.remote.s32 $0x1  }
0xc5: {  	_ =	sfence.sel $0xFFFF  }
0xc6: {  	[dreg:$0x0] =	wrdreg $0xFFFFFFFF;
	(pc) =	sbr.abs _section_cstart, $3  }
0xc7: {  	[dreg:$0x1] =	wrdreg $0xFFFFFFFF  }
0xc8: {  	_ =	task.clear_ibuf [dreg:s11], $0x2FFFF;
	_ =	strace $0x9FFFFFFF  }
0xc9: {  	(tm) =	ssettm $0x7FFFFFFF  }
tec
execute0_lowered:
.L_overlay_start_1:
0x0: {  	(tag) =	ssettag $0x1  }
0x1: {  	v0 =	vimm.s32 $0x14131211;
	v1 =	vimm.s32 $0x18171615;
	vm0 =	vcmask $0x1F10  }
0x2: {  	v2 =	vimm.s32 $0x1F1E1D;
	v3 =	vimm.s32 $0x15141312;
	v6 =	vimm.s32 $0x1001F1E  }
0x3: {  	v11 =	vimm.s32 $0x201001F;
	v16 =	vimm.s32 $0x1F1E1D1C;
	v17 =	vimm.s32 $0x17161514  }
0x4: {  	v18 =	vimm.s32 $0x1B1A1918;
	v19 =	vimm.s32 $0x4030201;
	v20 =	vimm.s32 $0x5040302  }
0x5: {  	v21 =	vimm.s32 $0x6050403;
	vm1 =	vcmask $0x2F10;
	vm2 =	vcmask $0x3F30  }
0x6: {  	vm15 =	vcmask $0x300;
	vm14 =	vcmask $0x704;
	vm13 =	vcmask $0xB08  }
0x7: {  	vm12 =	vcmask $0xF0C;
	v22 =	vimm.s32 $0x65432107;
	vm11 =	vcmask $0x1310  }
0x8: {  	vm9 =	vcmask $0x1714;
	vm10 =	vcmask $0x1B18;
	vm7 =	vcmask $0x1F1C  }
0x9: {  	vm8 =	vcmask $0x2320;
	vm6 =	vcmask $0x2724;
	vm5 =	vcmask $0x2B28  }
0xa: {  	vm3 =	vcmask $0x2F2C;
	vm4 =	vcmask $0x3330;
	v24 =	vimm.s32 $0x34333231  }
0xb: {  	v25 =	vimm.s32 $0x38373635;
	v0 =	vunpack.c.0.s8.s32 v0;
	v4 =	vunpack.c.0.s8.s32 v1  }
0xc: {  	v1 =	vimm.s32 $0x1C1B1A19;
	v13 =	vunpack.c.0.s8.s32 v2;
	v2 =	vimm.s32 $0x19181716  }
0xd: {  	v14 =	vunpack.c.0.s8.s32 v6;
	v6 =	vimm.s32 $0x1E1D1C1B;
	v15 =	vunpack.c.0.s8.s32 v11  }
0xe: {  	v16 =	vunpack.c.0.s8.s32 v16;
	v17 =	vunpack.c.0.s8.s32 v17;
	v18 =	vunpack.c.0.s8.s32 v18  }
0xf: {  	v19 =	vunpack.c.0.s8.s32 v19;
	v20 =	vunpack.c.0.s8.s32 v20;
	v5 =	vunpack.c.0.s8.s32 v1  }
0x10: {  	v1 =	vunpack.c.0.s8.s32 v3;
	v3 =	vimm.s32 $0x1D1C1B1A;
	v7 =	vunpack.c.0.s8.s32 v2  }
0x11: {  	v2 =	vimm.s32 $0x16151413;
	v6 =	vunpack.c.0.s8.s32 v6;
	v8 =	vunpack.c.0.s8.s32 v3  }
0x12: {  	v0 =	vsel vm0, v4, v0;
	v2 =	vunpack.c.0.s8.s32 v2;
	v3 =	vimm.s32 $0x1A191817  }
0x13: {  	v17 =	vsel vm0, v18, v17;
	v9 =	vsel vm0, v13, v5;
	v1 =	vsel vm0, v7, v1  }
0x14: {  	v12 =	vunpack.c.0.s8.s32 v3;
	v11 =	vsel vm0, v15, v6;
	v3 =	vimm.s32 $0x3020100  }
0x15: {  	v4 =	vsel vm0, v5, v4;
	v5 =	vsel vm0, v20, v14;
	v20 =	vimm.s32 $0x32107654  }
0x16: {  	v10 =	vsel vm0, v14, v8;
	v0 =	vcombine.low v0, v9;
	v3 =	vunpack.c.0.s8.s32 v3  }
0x17: {  	v7 =	vsel vm0, v8, v7;
	v8 =	vsel vm0, v16, v18;
	v18 =	vimm.s32 $0x98765432  }
0x18: {  	v20 =	vunpack.c.l.s4.s8 v20;
	v1 =	vcombine.low v1, v10;
	v2 =	vsel vm0, v12, v2  }
0x19: {  	v5 =	vcombine.low v7, v5;
	v6 =	vsel vm0, v6, v12;
	v12 =	vimm.s32 $0x76543210  }
0x1a: {  	v18 =	vunpack.c.l.s4.s8 v18;
	v2 =	vcombine.low v2, v11;
	v3 =	vsel vm0, v3, v16  }
0x1b: {  	v12 =	vunpack.c.l.s4.s8 v12;
	v3 =	vcombine.low v17, v3;
	v17 =	vsel vm0, v19, v13  }
0x1c: {  	v19 =	vunpack.c.0.s8.s32 v21;
	v4 =	vcombine.low v4, v17;
	v17 =	vimm.s32 $0x87654321  }
0x1d: {  	v45 =	vunpack.c.0.s8.s32 v20;
	v18 =	vunpack.c.0.s8.s32 v18;
	v17 =	vunpack.c.l.s4.s8 v17  }
0x1e: {  	v12 =	vunpack.c.0.s8.s32 v12;
	v7 =	vsel vm0, v19, v15;
	v19 =	vimm.s32 $0xA9876543  }
0x1f: {  	v18 =	vand.u32 $0xF, v18;
	v19 =	vunpack.c.l.s4.s8 v19;
	v17 =	vunpack.c.0.s8.s32 v17  }
0x20: {  	v6 =	vcombine.low v6, v7;
	v10 =	vcombine.low v10, v18;
	v18 =	vimm.s32 $0x43218765  }
0x21: {  	v7 =	vcombine.low v8, v12;
	v18 =	vunpack.c.l.s4.s8 v18;
	v17 =	vand.u32 $0xF, v17  }
0x22: {  	v12 =	vunpack.c.0.s8.s32 v19;
	v9 =	vcombine.low v9, v17;
	v17 =	vand.u32 $0xF, v45  }
0x23: {  	v19 =	vimm.s32 $0x54329876;
	v16 =	vsel vm1, v17, v16;
	v17 =	vimm.s32 $0xB0A0908  }
0x24: {  	v19 =	vunpack.c.l.s4.s8 v19;
	v12 =	vand.u32 $0xF, v12;
	v17 =	vunpack.c.0.s8.s32 v17  }
0x25: {  	v20 =	vimm.s32 $0x6543A987;
	v18 =	vunpack.c.0.s8.s32 v18;
	v11 =	vcombine.low v11, v12  }
0x26: {  	v19 =	vunpack.c.0.s8.s32 v19;
	v12 =	vsel vm2, v17, v16;
	v16 =	vunpack.c.l.s4.s8 v20  }
0x27: {  	v17 =	vand.u32 $0xF, v18;
	v18 =	vimm.s32 $0xC0B0A09;
	v20 =	vimm.s32 $0xD0C0B0A  }
0x28: {  	v18 =	vunpack.c.0.s8.s32 v18;
	v13 =	vsel vm1, v17, v13;
	v17 =	vand.u32 $0xF, v19  }
0x29: {  	v19 =	vunpack.c.0.s8.s32 v20;
	v20 =	vimm.s32 $0x43210765;
	v16 =	vunpack.c.0.s8.s32 v16  }
0x2a: {  	v14 =	vsel vm1, v17, v14;
	v17 =	vimm.s32 $0x7654321;
	v13 =	vsel vm2, v18, v13  }
0x2b: {  	v14 =	vsel vm2, v19, v14;
	v18 =	vimm.s32 $0x10765432;
	v16 =	vand.u32 $0xF, v16  }
0x2c: {  	v17 =	vunpack.c.l.s4.s8 v17;
	v15 =	vsel vm1, v16, v15;
	v16 =	vimm.s32 $0xE0D0C0B  }
0x2d: {  	v19 =	vimm.s32 $0x21076543;
	v18 =	vunpack.c.l.s4.s8 v18;
	v16 =	vunpack.c.0.s8.s32 v16  }
0x2e: {  	v21 =	vimm.s32 $0xCC0;
	v20 =	vunpack.c.l.s4.s8 v20;
	v19 =	vunpack.c.l.s4.s8 v19  }
0x2f: {  	v15 =	vsel vm2, v16, v15;
	v16 =	vunpack.c.0.s8.s32 v17;
	v17 =	vunpack.c.0.s8.s32 v18  }
0x30: {  	v18 =	vunpack.c.0.s8.s32 v19;
	v19 =	vunpack.c.0.s8.s32 v20;
	v20 =	vsel vm15, $0xCD1, v21  }
0x31: {  	v26 =	vimm.s32 $0x39383736;
	v30 =	vimm.s32 $0xF87;
	v20 =	vsel vm14, $0xCD2, v20  }
0x32: {  	v31 =	vimm.s32 $0xF88;
	v21 =	vimm.s32 $0x54321076;
	v20 =	vsel vm13, $0xCD3, v20  }
0x33: {  	v32 =	vimm.s32 $0xF89;
	v21 =	vunpack.c.l.s4.s8 v21;
	v20 =	vsel vm12, $0xCD4, v20  }
0x34: {  	v33 =	vimm.s32 $0xF8A;
	v22 =	vunpack.c.l.s4.s8 v22;
	v23 =	vsel vm11, $0xCD5, v20  }
0x35: {  	v34 =	vimm.s32 $0xF8B;
	v20 =	vunpack.c.0.s8.s32 v21;
	v23 =	vsel vm9, $0xCD6, v23  }
0x36: {  	v21 =	vunpack.c.0.s8.s32 v22;
	v22 =	vsel vm10, $0xCD7, v23;
	v23 =	vimm.s32 $0xCC1  }
0x37: {  	v24 =	vunpack.c.0.s8.s32 v24;
	v51 =	vunpack.c.0.s8.s32 v25;
	v23 =	vsel vm15, $0xCD2, v23  }
0x38: {  	v25 =	vimm.s32 $0xCC3;
	v22 =	vsel vm7, $0xCD8, v22;
	v23 =	vsel vm14, $0xCD3, v23  }
0x39: {  	v25 =	vsel vm15, $0xCD4, v25;
	v22 =	vsel vm8, $0xCD9, v22;
	v23 =	vsel vm13, $0xCD4, v23  }
0x3a: {  	v49 =	vsel vm0, v51, v24;
	v22 =	vsel vm6, $0xCDA, v22;
	v23 =	vsel vm12, $0xCD5, v23  }
0x3b: {  	v24 =	vimm.s32 $0x3C3B3A39;
	v22 =	vsel vm5, $0xCDB, v22;
	v23 =	vsel vm11, $0xCD6, v23  }
0x3c: {  	v25 =	vsel vm14, $0xCD5, v25;
	v22 =	vsel vm3, $0xCDC, v22;
	v23 =	vsel vm9, $0xCD7, v23  }
0x3d: {  	vm2 =	vcmask $0x3734;
	v22 =	vsel vm4, $0xCDD, v22;
	v23 =	vsel vm10, $0xCD8, v23  }
0x3e: {  	vm1 =	vcmask $0x3B38;
	v22 =	vsel vm2, $0xCDE, v22;
	v23 =	vsel vm7, $0xCD9, v23  }
0x3f: {  	v41 =	vsel vm1, $0xCDF, v22;
	v22 =	vsel vm8, $0xCDA, v23;
	v23 =	vimm.s32 $0xCC2  }
0x40: {  	v53 =	vunpack.c.0.s8.s32 v24;
	v24 =	vimm.s32 $0x203F3E3D;
	v23 =	vsel vm15, $0xCD3, v23  }
0x41: {  	v55 =	vunpack.c.0.s8.s32 v24;
	v24 =	vimm.s32 $0x35343332;
	v23 =	vsel vm14, $0xCD4, v23  }
0x42: {  	v25 =	vsel vm13, $0xCD6, v25;
	v24 =	vunpack.c.0.s8.s32 v24;
	v23 =	vsel vm13, $0xCD5, v23  }
0x43: {  	v8 =	vunpack.c.0.s8.s32 v26;
	v26 =	vimm.s32 $0x3A393837;
	v23 =	vsel vm12, $0xCD6, v23  }
0x44: {  	v59 =	vunpack.c.0.s8.s32 v26;
	v22 =	vsel vm6, $0xCDB, v22;
	v23 =	vsel vm11, $0xCD7, v23  }
0x45: {  	v57 =	vsel vm0, v8, v24;
	v22 =	vsel vm5, $0xCDC, v22;
	v23 =	vsel vm9, $0xCD8, v23  }
0x46: {  	v24 =	vimm.s32 $0x3D3C3B3A;
	v22 =	vsel vm3, $0xCDD, v22;
	v23 =	vsel vm10, $0xCD9, v23  }
0x47: {  	v44 =	vunpack.c.0.s8.s32 v24;
	v22 =	vsel vm4, $0xCDE, v22;
	v23 =	vsel vm7, $0xCDA, v23  }
0x48: {  	v24 =	vimm.s32 $0x21203F3E;
	v22 =	vsel vm2, $0xCDF, v22;
	v23 =	vsel vm8, $0xCDB, v23  }
0x49: {  	v39 =	vsel vm1, $0xCC0, v22;
	v22 =	vsel vm6, $0xCDC, v23;
	v23 =	vsel vm12, $0xCD7, v25  }
0x4a: {  	v26 =	vimm.s32 $0xCC4;
	v46 =	vunpack.c.0.s8.s32 v24;
	v23 =	vsel vm11, $0xCD8, v23  }
0x4b: {  	v24 =	vimm.s32 $0x37363534;
	v25 =	vimm.s32 $0x36353433;
	v23 =	vsel vm9, $0xCD9, v23  }
0x4c: {  	v22 =	vsel vm5, $0xCDD, v22;
	v25 =	vunpack.c.0.s8.s32 v25;
	v23 =	vsel vm10, $0xCDA, v23  }
0x4d: {  	v24 =	vunpack.c.0.s8.s32 v24;
	v22 =	vsel vm3, $0xCDE, v22;
	v23 =	vsel vm7, $0xCDB, v23  }
0x4e: {  	v22 =	vsel vm4, $0xCDF, v22;
	v42 =	vsel vm0, v59, v25;
	v23 =	vsel vm8, $0xCDC, v23  }
0x4f: {  	v25 =	vimm.s32 $0x3B3A3938;
	v22 =	vsel vm2, $0xCC0, v22;
	v23 =	vsel vm6, $0xCDD, v23  }
0x50: {  	v61 =	vunpack.c.0.s8.s32 v25;
	v43 =	vsel vm1, $0xCC1, v22;
	v22 =	vsel vm5, $0xCDE, v23  }
0x51: {  	v25 =	vsel vm15, $0xCD5, v26;
	v23 =	vimm.s32 $0x3E3D3C3B;
	v22 =	vsel vm3, $0xCDF, v22  }
0x52: {  	v47 =	vunpack.c.0.s8.s32 v23;
	v23 =	vimm.s32 $0x2221203F;
	v22 =	vsel vm4, $0xCC0, v22  }
0x53: {  	v54 =	vunpack.c.0.s8.s32 v23;
	v23 =	vsel vm14, $0xCD6, v25;
	v22 =	vsel vm2, $0xCC1, v22  }
0x54: {  	v50 =	vsel vm0, v61, v24;
	v48 =	vsel vm1, $0xCC2, v22;
	v22 =	vsel vm13, $0xCD7, v23  }
0x55: {  	v24 =	vimm.s32 $0xCC5;
	v23 =	vimm.s32 $0x3F3E3D3C;
	v22 =	vsel vm12, $0xCD8, v22  }
0x56: {  	v52 =	vunpack.c.0.s8.s32 v23;
	v23 =	vsel vm15, $0xCD6, v24;
	v22 =	vsel vm11, $0xCD9, v22  }
0x57: {  	v35 =	vimm.s32 $0xF8C;
	v23 =	vsel vm14, $0xCD7, v23;
	v22 =	vsel vm9, $0xCDA, v22  }
0x58: {  	v24 =	vimm.s32 $0x23222120;
	v23 =	vsel vm13, $0xCD8, v23;
	v22 =	vsel vm10, $0xCDB, v22  }
0x59: {  	v56 =	vunpack.c.0.s8.s32 v24;
	v23 =	vsel vm12, $0xCD9, v23;
	v22 =	vsel vm7, $0xCDC, v22  }
0x5a: {  	v24 =	vimm.s32 $0xCC6;
	v23 =	vsel vm11, $0xCDA, v23;
	v22 =	vsel vm8, $0xCDD, v22  }
0x5b: {  	v24 =	vsel vm15, $0xCD7, v24;
	v23 =	vsel vm9, $0xCDB, v23;
	v22 =	vsel vm6, $0xCDE, v22  }
0x5c: {  	v24 =	vsel vm14, $0xCD8, v24;
	v23 =	vsel vm10, $0xCDC, v23;
	v22 =	vsel vm5, $0xCDF, v22  }
0x5d: {  	v24 =	vsel vm13, $0xCD9, v24;
	v23 =	vsel vm7, $0xCDD, v23;
	v22 =	vsel vm3, $0xCC0, v22  }
0x5e: {  	v24 =	vsel vm12, $0xCDA, v24;
	v23 =	vsel vm8, $0xCDE, v23;
	v22 =	vsel vm4, $0xCC1, v22  }
0x5f: {  	v24 =	vsel vm11, $0xCDB, v24;
	v23 =	vsel vm6, $0xCDF, v23;
	v22 =	vsel vm2, $0xCC2, v22  }
0x60: {  	v24 =	vsel vm9, $0xCDC, v24;
	v60 =	vsel vm1, $0xCC3, v22;
	v22 =	vsel vm5, $0xCC0, v23  }
0x61: {  	v36 =	vimm.s32 $0xF8D;
	v23 =	vsel vm10, $0xCDD, v24;
	v22 =	vsel vm3, $0xCC1, v22  }
0x62: {  	v37 =	vimm.s32 $0xF8E;
	v23 =	vsel vm7, $0xCDE, v23;
	v22 =	vsel vm4, $0xCC2, v22  }
0x63: {  	v38 =	vimm.s32 $0x58575655;
	v23 =	vsel vm8, $0xCDF, v23;
	v22 =	vsel vm2, $0xCC3, v22  }
0x64: {  	v24 =	vimm.s32 $0x24232221;
	v23 =	vsel vm6, $0xCC0, v23;
	v22 =	vsel vm1, $0xCC4, v22  }
0x65: {  	v62 =	vunpack.c.0.s8.s32 v24;
	v24 =	vimm.s32 $0xCC7;
	[tilespmem:$0x1F9E0] =	vst v22;
	v22 =	vsel vm5, $0xCC1, v23  }
0x66: {  	v23 =	vsel vm15, $0xCD8, v24;
	v24 =	vimm.s32 $0x25242322;
	v22 =	vsel vm3, $0xCC2, v22  }
0x67: {  	v23 =	vsel vm14, $0xCD9, v23;
	v24 =	vunpack.c.0.s8.s32 v24;
	v22 =	vsel vm4, $0xCC3, v22  }
0x68: {  	v58 =	vimm.s32 $0x5C5B5A59;
	v23 =	vsel vm13, $0xCDA, v23;
	v22 =	vsel vm2, $0xCC4, v22  }
0x69: {  	v30 =	vsel vm15, $0xF98, v30;
	[tilespmem:$0x1F9F0] =	vst v24;
	v23 =	vsel vm12, $0xCDB, v23;
	v22 =	vsel vm1, $0xCC5, v22  }
0x6a: {  	v31 =	vsel vm15, $0xF99, v31;
	v24 =	vimm.s32 $0xCC8;
	[tilespmem:$0x1FA00] =	vst v22;
	v22 =	vsel vm11, $0xCDC, v23  }
0x6b: {  	v32 =	vsel vm15, $0xF9A, v32;
	v23 =	vsel vm15, $0xCD9, v24;
	v22 =	vsel vm9, $0xCDD, v22  }
0x6c: {  	v24 =	vimm.s32 $0x26252423;
	v23 =	vsel vm14, $0xCDA, v23;
	v22 =	vsel vm10, $0xCDE, v22  }
0x6d: {  	v24 =	vunpack.c.0.s8.s32 v24;
	v23 =	vsel vm13, $0xCDB, v23;
	v22 =	vsel vm7, $0xCDF, v22  }
0x6e: {  	v33 =	vsel vm15, $0xF9B, v33;
	v23 =	vsel vm12, $0xCDC, v23;
	v22 =	vsel vm8, $0xCC0, v22  }
0x6f: {  	[tilespmem:$0x1FA10] =	vst v24;
	v24 =	vimm.s32 $0xCC9;
	v23 =	vsel vm11, $0xCDD, v23;
	v22 =	vsel vm6, $0xCC1, v22  }
0x70: {  	v24 =	vsel vm15, $0xCDA, v24;
	v23 =	vsel vm9, $0xCDE, v23;
	v22 =	vsel vm5, $0xCC2, v22  }
0x71: {  	v24 =	vsel vm14, $0xCDB, v24;
	v23 =	vsel vm10, $0xCDF, v23;
	v22 =	vsel vm3, $0xCC3, v22  }
0x72: {  	v24 =	vsel vm13, $0xCDC, v24;
	v23 =	vsel vm7, $0xCC0, v23;
	v22 =	vsel vm4, $0xCC4, v22  }
0x73: {  	v24 =	vsel vm12, $0xCDD, v24;
	v23 =	vsel vm8, $0xCC1, v23;
	v22 =	vsel vm2, $0xCC5, v22  }
0x74: {  	v24 =	vsel vm11, $0xCDE, v24;
	v23 =	vsel vm6, $0xCC2, v23;
	v22 =	vsel vm1, $0xCC6, v22  }
0x75: {  	v34 =	vsel vm15, $0xF9C, v34;
	v24 =	vsel vm9, $0xCDF, v24;
	[tilespmem:$0x1FA20] =	vst v22;
	v22 =	vsel vm5, $0xCC3, v23  }
0x76: {  	v35 =	vsel vm15, $0xF9D, v35;
	v23 =	vsel vm10, $0xCC0, v24;
	v22 =	vsel vm3, $0xCC4, v22  }
0x77: {  	v36 =	vsel vm15, $0xF9E, v36;
	v23 =	vsel vm7, $0xCC1, v23;
	v22 =	vsel vm4, $0xCC5, v22  }
0x78: {  	v37 =	vsel vm15, $0xF9F, v37;
	v23 =	vsel vm8, $0xCC2, v23;
	v22 =	vsel vm2, $0xCC6, v22  }
0x79: {  	v24 =	vimm.s32 $0x27262524;
	v23 =	vsel vm6, $0xCC3, v23;
	v22 =	vsel vm1, $0xCC7, v22  }
0x7a: {  	v26 =	vunpack.c.0.s8.s32 v24;
	v24 =	vimm.s32 $0xCCA;
	[tilespmem:$0x1FA30] =	vst v22;
	v22 =	vsel vm5, $0xCC4, v23  }
0x7b: {  	v38 =	vunpack.c.0.s8.s32 v38;
	v23 =	vsel vm15, $0xCDB, v24;
	v22 =	vsel vm3, $0xCC5, v22  }
0x7c: {  	v63 =	vsel vm14, $0xF9F, v36;
	v23 =	vsel vm14, $0xCDC, v23;
	v22 =	vsel vm4, $0xCC6, v22  }
0x7d: {  	v40 =	vsel vm14, $0xF80, v37;
	v23 =	vsel vm13, $0xCDD, v23;
	v22 =	vsel vm2, $0xCC7, v22  }
0x7e: {  	v24 =	vimm.s32 $0x28272625;
	v23 =	vsel vm12, $0xCDE, v23;
	v22 =	vsel vm1, $0xCC8, v22  }
0x7f: {  	v27 =	vunpack.c.0.s8.s32 v24;
	v24 =	vimm.s32 $0xCCB;
	[tilespmem:$0x1FA40] =	vst v22;
	v22 =	vsel vm11, $0xCDF, v23  }
0x80: {  	v36 =	vunpack.c.0.s8.s32 v58;
	v23 =	vsel vm15, $0xCDC, v24;
	v22 =	vsel vm9, $0xCC0, v22  }
0x81: {  	v24 =	vimm.s32 $0x29282726;
	v23 =	vsel vm14, $0xCDD, v23;
	v22 =	vsel vm10, $0xCC1, v22  }
0x82: {  	v28 =	vunpack.c.0.s8.s32 v24;
	v23 =	vsel vm13, $0xCDE, v23;
	v22 =	vsel vm7, $0xCC2, v22  }
0x83: {  	v24 =	vimm.s32 $0xCCC;
	v23 =	vsel vm12, $0xCDF, v23;
	v22 =	vsel vm8, $0xCC3, v22  }
0x84: {  	v24 =	vsel vm15, $0xCDD, v24;
	v23 =	vsel vm11, $0xCC0, v23;
	v22 =	vsel vm6, $0xCC4, v22  }
0x85: {  	v24 =	vsel vm14, $0xCDE, v24;
	v23 =	vsel vm9, $0xCC1, v23;
	v22 =	vsel vm5, $0xCC5, v22  }
0x86: {  	v24 =	vsel vm13, $0xCDF, v24;
	v23 =	vsel vm10, $0xCC2, v23;
	v22 =	vsel vm3, $0xCC6, v22  }
0x87: {  	v24 =	vsel vm12, $0xCC0, v24;
	v23 =	vsel vm7, $0xCC3, v23;
	v22 =	vsel vm4, $0xCC7, v22  }
0x88: {  	v24 =	vsel vm11, $0xCC1, v24;
	v23 =	vsel vm8, $0xCC4, v23;
	v22 =	vsel vm2, $0xCC8, v22  }
0x89: {  	v24 =	vsel vm9, $0xCC2, v24;
	v23 =	vsel vm6, $0xCC5, v23;
	v22 =	vsel vm1, $0xCC9, v22  }
0x8a: {  	v25 =	vimm.s32 $0x2B2A2928;
	[tilespmem:$0x1FA50] =	vst v22;
	v22 =	vsel vm5, $0xCC6, v23;
	v23 =	vsel vm10, $0xCC3, v24  }
0x8b: {  	v25 =	vunpack.c.0.s8.s32 v25;
	v24 =	vimm.s32 $0x2A292827;
	v23 =	vsel vm7, $0xCC4, v23  }
0x8c: {  	v22 =	vsel vm3, $0xCC7, v22;
	v29 =	vunpack.c.0.s8.s32 v24;
	v23 =	vsel vm8, $0xCC5, v23  }
0x8d: {  	v24 =	vimm.s32 $0xCCD;
	v22 =	vsel vm4, $0xCC8, v22;
	v23 =	vsel vm6, $0xCC6, v23  }
0x8e: {  	v24 =	vsel vm15, $0xCDE, v24;
	v22 =	vsel vm2, $0xCC9, v22;
	v23 =	vsel vm5, $0xCC7, v23  }
0x8f: {  	v24 =	vsel vm14, $0xCDF, v24;
	v22 =	vsel vm1, $0xCCA, v22;
	v23 =	vsel vm3, $0xCC8, v23  }
0x90: {  	[tilespmem:$0x1FA60] =	vst v22;
	v22 =	vsel vm4, $0xCC9, v23;
	v23 =	vsel vm13, $0xCC0, v24;
	v24 =	vsel vm0, v25, v26  }
0x91: {  	[tilespmem:$0x1FA70] =	vst v26;
	v25 =	vimm.s32 $0xCCE;
	v26 =	vimm.s32 $0xF83;
	v23 =	vsel vm12, $0xCC1, v23  }
0x92: {  	[tilespmem:$0x1FA80] =	vst v24;
	v22 =	vsel vm2, $0xCCA, v22;
	v24 =	vimm.s32 $0x2C2B2A29;
	v23 =	vsel vm11, $0xCC2, v23  }
0x93: {  	v24 =	vunpack.c.0.s8.s32 v24;
	v22 =	vsel vm1, $0xCCB, v22;
	v23 =	vsel vm9, $0xCC3, v23  }
0x94: {  	v25 =	vsel vm15, $0xCDF, v25;
	v26 =	vsel vm15, $0xF94, v26;
	[tilespmem:$0x1FA90] =	vst v22;
	v22 =	vsel vm10, $0xCC4, v23  }
0x95: {  	v23 =	vsel vm14, $0xCC0, v25;
	v24 =	vsel vm0, v24, v27;
	v25 =	vimm.s32 $0x2D2C2B2A  }
0x96: {  	[tilespmem:$0x1FAA0] =	vst v27;
	v27 =	vimm.s32 $0xF84;
	v22 =	vsel vm7, $0xCC5, v22;
	v23 =	vsel vm13, $0xCC1, v23  }
0x97: {  	[tilespmem:$0x1FAB0] =	vst v24;
	v24 =	vimm.s32 $0xF80;
	v25 =	vunpack.c.0.s8.s32 v25;
	v23 =	vsel vm12, $0xCC2, v23  }
0x98: {  	v22 =	vsel vm8, $0xCC6, v22;
	v24 =	vsel vm15, $0xF91, v24;
	v23 =	vsel vm11, $0xCC3, v23  }
0x99: {  	v22 =	vsel vm6, $0xCC7, v22;
	v24 =	vsel vm14, $0xF92, v24;
	v23 =	vsel vm9, $0xCC4, v23  }
0x9a: {  	v22 =	vsel vm5, $0xCC8, v22;
	v24 =	vsel vm13, $0xF93, v24;
	v23 =	vsel vm10, $0xCC5, v23  }
0x9b: {  	v22 =	vsel vm3, $0xCC9, v22;
	v24 =	vsel vm12, $0xF94, v24;
	v23 =	vsel vm7, $0xCC6, v23  }
0x9c: {  	v22 =	vsel vm4, $0xCCA, v22;
	v24 =	vsel vm11, $0xF95, v24;
	v23 =	vsel vm8, $0xCC7, v23  }
0x9d: {  	v22 =	vsel vm2, $0xCCB, v22;
	v24 =	vsel vm9, $0xF96, v24;
	v23 =	vsel vm6, $0xCC8, v23  }
0x9e: {  	v24 =	vsel vm10, $0xF97, v24;
	v22 =	vsel vm1, $0xCCC, v22;
	v23 =	vsel vm5, $0xCC9, v23  }
0x9f: {  	v27 =	vsel vm15, $0xF95, v27;
	[tilespmem:$0x1FAC0] =	vst v22;
	v22 =	vsel vm3, $0xCCA, v23;
	v23 =	vsel vm7, $0xF98, v24  }
0xa0: {  	[tilespmem:$0x1FAD0] =	vst v28;
	v24 =	vsel vm0, v25, v28;
	v25 =	vimm.s32 $0x2E2D2C2B;
	v28 =	vimm.s32 $0xF85  }
0xa1: {  	[tilespmem:$0x1FAE0] =	vst v24;
	v22 =	vsel vm4, $0xCCB, v22;
	v23 =	vsel vm8, $0xF99, v23;
	v24 =	vimm.s32 $0xF81  }
0xa2: {  	v25 =	vunpack.c.0.s8.s32 v25;
	v28 =	vsel vm15, $0xF96, v28;
	v23 =	vsel vm6, $0xF9A, v23  }
0xa3: {  	v22 =	vsel vm2, $0xCCC, v22;
	v24 =	vsel vm15, $0xF92, v24;
	v23 =	vsel vm5, $0xF9B, v23  }
0xa4: {  	v24 =	vsel vm14, $0xF93, v24;
	v22 =	vsel vm1, $0xCCD, v22;
	v23 =	vsel vm3, $0xF9C, v23  }
0xa5: {  	[tilespmem:$0x1FAF0] =	vst v22;
	v22 =	vsel vm4, $0xF9D, v23;
	v23 =	vsel vm13, $0xF94, v24;
	v24 =	vsel vm0, v25, v29  }
0xa6: {  	[tilespmem:$0x1FB00] =	vst v29;
	v25 =	vimm.s32 $0xF82;
	v29 =	vimm.s32 $0xF86;
	v22 =	vsel vm2, $0xF9E, v22  }
0xa7: {  	[tilespmem:$0x1FB10] =	vst v24;
	v23 =	vsel vm12, $0xF95, v23;
	v24 =	vimm.s32 $0x54535251;
	v25 =	vsel vm15, $0xF93, v25  }
0xa8: {  	v29 =	vsel vm15, $0xF97, v29;
	v23 =	vsel vm11, $0xF96, v23;
	v24 =	vunpack.c.0.s8.s32 v24  }
0xa9: {  	v25 =	vsel vm14, $0xF94, v25;
	v22 =	vsel vm1, $0xF9F, v22;
	v23 =	vsel vm9, $0xF97, v23  }
0xaa: {  	v25 =	vsel vm13, $0xF95, v25;
	v23 =	vsel vm10, $0xF98, v23;
	v24 =	vsel vm0, v38, v24  }
0xab: {  	v23 =	vsel vm7, $0xF99, v23;
	[tilespmem:$0x1FB40] =	vst v24;
	v24 =	vsel vm14, $0xF95, v26;
	v26 =	vsel vm14, $0xF97, v28  }
0xac: {  	v28 =	vsel vm14, $0xF99, v30;
	v30 =	vsel vm14, $0xF9B, v32;
	v32 =	vsel vm14, $0xF9D, v34  }
0xad: {  	[tilespmem:$0x1FB20] =	vst v22;
	v34 =	vsel vm13, $0xF80, v63;
	v63 =	vimm.s32 $0x55545352;
	v22 =	vsel vm8, $0xF9A, v23  }
0xae: {  	v23 =	vsel vm12, $0xF96, v25;
	v25 =	vsel vm14, $0xF96, v27;
	v27 =	vsel vm14, $0xF98, v29  }
0xaf: {  	v29 =	vsel vm14, $0xF9A, v31;
	v31 =	vsel vm14, $0xF9C, v33;
	v33 =	vsel vm14, $0xF9E, v35  }
0xb0: {  	v24 =	vsel vm13, $0xF96, v24;
	v26 =	vsel vm13, $0xF98, v26;
	v28 =	vsel vm13, $0xF9A, v28  }
0xb1: {  	v30 =	vsel vm13, $0xF9C, v30;
	v32 =	vsel vm13, $0xF9E, v32;
	v35 =	vsel vm13, $0xF81, v40  }
0xb2: {  	[tilespmem:$0x1FB50] =	vst v36;
	v36 =	vunpack.c.0.s8.s32 v63;
	v34 =	vsel vm12, $0xF81, v34;
	v40 =	vimm.s32 $0x59585756  }
0xb3: {  	v63 =	vimm.s32 $0x405F5E5D;
	v22 =	vsel vm6, $0xF9B, v22;
	v23 =	vsel vm11, $0xF97, v23  }
0xb4: {  	v25 =	vsel vm13, $0xF97, v25;
	v27 =	vsel vm13, $0xF99, v27;
	v29 =	vsel vm13, $0xF9B, v29  }
0xb5: {  	v31 =	vsel vm13, $0xF9D, v31;
	v33 =	vsel vm13, $0xF9F, v33;
	v24 =	vsel vm12, $0xF97, v24  }
0xb6: {  	v26 =	vsel vm12, $0xF99, v26;
	v28 =	vsel vm12, $0xF9B, v28;
	v30 =	vsel vm12, $0xF9D, v30  }
0xb7: {  	v32 =	vsel vm12, $0xF9F, v32;
	v35 =	vsel vm12, $0xF82, v35;
	v58 =	vunpack.c.0.s8.s32 v40  }
0xb8: {  	v34 =	vsel vm11, $0xF82, v34;
	v37 =	vunpack.c.0.s8.s32 v63;
	v63 =	vimm.s32 $0x5D5C5B5A  }
0xb9: {  	v22 =	vsel vm5, $0xF9C, v22;
	v23 =	vsel vm9, $0xF98, v23;
	v25 =	vsel vm12, $0xF98, v25  }
0xba: {  	v27 =	vsel vm12, $0xF9A, v27;
	v29 =	vsel vm12, $0xF9C, v29;
	v31 =	vsel vm12, $0xF9E, v31  }
0xbb: {  	v33 =	vsel vm12, $0xF80, v33;
	v24 =	vsel vm11, $0xF98, v24;
	v26 =	vsel vm11, $0xF9A, v26  }
0xbc: {  	v28 =	vsel vm11, $0xF9C, v28;
	v30 =	vsel vm11, $0xF9E, v30;
	v32 =	vsel vm11, $0xF80, v32  }
0xbd: {  	v35 =	vsel vm11, $0xF83, v35;
	v40 =	vsel vm9, $0xF83, v34;
	v22 =	vsel vm3, $0xF9D, v22  }
0xbe: {  	v23 =	vsel vm10, $0xF99, v23;
	v25 =	vsel vm11, $0xF99, v25;
	v27 =	vsel vm11, $0xF9B, v27  }
0xbf: {  	v29 =	vsel vm11, $0xF9D, v29;
	v31 =	vsel vm11, $0xF9F, v31;
	v33 =	vsel vm11, $0xF81, v33  }
0xc0: {  	[tilespmem:$0x1FB60] =	vst v37;
	v37 =	vimm.s32 $0x56555453;
	v22 =	vsel vm4, $0xF9E, v22;
	v23 =	vsel vm7, $0xF9A, v23  }
0xc1: {  	[tilespmem:$0x1FB30] =	vst v38;
	v38 =	vsel vm9, $0xF82, v33;
	v23 =	vsel vm8, $0xF9B, v23;
	v22 =	vsel vm2, $0xF9F, v22  }
0xc2: {  	v33 =	vsel vm10, $0xF84, v40;
	v23 =	vsel vm6, $0xF9C, v23;
	v22 =	vsel vm1, $0xF80, v22  }
0xc3: {  	v40 =	vimm.s32 $0x41405F5E;
	v23 =	vsel vm5, $0xF9D, v23;
	[tilespmem:$0x1FB70] =	vst v22;
	v22 =	vsel vm0, v58, v36  }
0xc4: {  	[tilespmem:$0x1FB80] =	vst v58;
	v58 =	vsel vm9, $0xF84, v35;
	v35 =	vunpack.c.0.s8.s32 v63;
	v63 =	vsel vm7, $0xF85, v33  }
0xc5: {  	[tilespmem:$0x1FB90] =	vst v22;
	v22 =	vsel vm3, $0xF9E, v23;
	v23 =	vsel vm9, $0xF99, v24;
	v24 =	vsel vm9, $0xF9A, v25  }
0xc6: {  	v25 =	vsel vm9, $0xF9B, v26;
	v26 =	vsel vm9, $0xF9C, v27;
	v27 =	vsel vm9, $0xF9D, v28  }
0xc7: {  	v28 =	vsel vm9, $0xF9E, v29;
	v29 =	vsel vm9, $0xF9F, v30;
	v30 =	vsel vm9, $0xF80, v31  }
0xc8: {  	v31 =	vsel vm9, $0xF81, v32;
	v32 =	vsel vm10, $0xF83, v38;
	v34 =	vsel vm10, $0xF85, v58  }
0xc9: {  	v58 =	vunpack.c.0.s8.s32 v40;
	v38 =	vimm.s32 $0x5A595857;
	v22 =	vsel vm4, $0xF9F, v22  }
0xca: {  	v23 =	vsel vm10, $0xF9A, v23;
	v24 =	vsel vm10, $0xF9B, v24;
	v25 =	vsel vm10, $0xF9C, v25  }
0xcb: {  	v26 =	vsel vm10, $0xF9D, v26;
	v27 =	vsel vm10, $0xF9E, v27;
	v28 =	vsel vm10, $0xF9F, v28  }
0xcc: {  	v29 =	vsel vm10, $0xF80, v29;
	v30 =	vsel vm10, $0xF81, v30;
	v31 =	vsel vm10, $0xF82, v31  }
0xcd: {  	v36 =	vsel vm7, $0xF86, v34;
	v34 =	vunpack.c.0.s8.s32 v37;
	v40 =	vunpack.c.0.s8.s32 v38  }
0xce: {  	v37 =	vimm.s32 $0x57565554;
	v38 =	vimm.s32 $0x5B5A5958;
	v22 =	vsel vm2, $0xF80, v22  }
0xcf: {  	[tilespmem:$0x1FBB0] =	vst v58;
	v33 =	vsel vm8, $0xF87, v36;
	v58 =	vimm.s32 $0x5E5D5C5B;
	v36 =	vimm.s32 $0x4241405F  }
0xd0: {  	v22 =	vsel vm1, $0xF81, v22;
	[tilespmem:$0x1FBD0] =	vst v40;
	v34 =	vsel vm0, v40, v34;
	v40 =	vunpack.c.0.s8.s32 v38  }
0xd1: {  	[tilespmem:$0x1FBC0] =	vst v22;
	v22 =	vsel vm7, $0xF9B, v23;
	v23 =	vsel vm7, $0xF9C, v24;
	v24 =	vsel vm7, $0xF9D, v25  }
0xd2: {  	v25 =	vsel vm7, $0xF9E, v26;
	v26 =	vsel vm7, $0xF9F, v27;
	v27 =	vsel vm7, $0xF80, v28  }
0xd3: {  	v28 =	vsel vm7, $0xF81, v29;
	v29 =	vsel vm7, $0xF82, v30;
	v30 =	vsel vm7, $0xF83, v31  }
0xd4: {  	v31 =	vsel vm7, $0xF84, v32;
	v32 =	vsel vm8, $0xF86, v63;
	v63 =	vunpack.c.0.s8.s32 v58  }
0xd5: {  	[tilespmem:$0x1FBE0] =	vst v34;
	v34 =	vunpack.c.0.s8.s32 v36;
	v58 =	vimm.s32 $0x5F5E5D5C;
	v22 =	vsel vm8, $0xF9C, v22  }
0xd6: {  	v23 =	vsel vm8, $0xF9D, v23;
	v24 =	vsel vm8, $0xF9E, v24;
	v25 =	vsel vm8, $0xF9F, v25  }
0xd7: {  	v26 =	vsel vm8, $0xF80, v26;
	v27 =	vsel vm8, $0xF81, v27;
	v31 =	vsel vm8, $0xF85, v31  }
0xd8: {  	v22 =	vsel vm6, $0xF9D, v22;
	v23 =	vsel vm6, $0xF9E, v23;
	v24 =	vsel vm6, $0xF9F, v24  }
0xd9: {  	v25 =	vsel vm6, $0xF80, v25;
	v26 =	vsel vm6, $0xF81, v26;
	v27 =	vsel vm6, $0xF82, v27  }
0xda: {  	v31 =	vsel vm6, $0xF86, v31;
	[tilespmem:$0x1FC00] =	vst v34;
	v34 =	vunpack.c.0.s8.s32 v37;
	v22 =	vsel vm5, $0xF9E, v22  }
0xdb: {  	v23 =	vsel vm5, $0xF9F, v23;
	v24 =	vsel vm5, $0xF80, v24;
	v22 =	vsel vm3, $0xF9F, v22  }
0xdc: {  	v25 =	vsel vm5, $0xF81, v25;
	v26 =	vsel vm5, $0xF82, v26;
	v22 =	vsel vm4, $0xF80, v22  }
0xdd: {  	v27 =	vsel vm5, $0xF83, v27;
	v31 =	vsel vm5, $0xF87, v31;
	v22 =	vsel vm2, $0xF81, v22  }
0xde: {  	v23 =	vsel vm3, $0xF80, v23;
	v24 =	vsel vm3, $0xF81, v24;
	v22 =	vsel vm1, $0xF82, v22  }
0xdf: {  	v25 =	vsel vm3, $0xF82, v25;
	v26 =	vsel vm3, $0xF83, v26;
	[tilespmem:$0x1FC10] =	vst v22;
	v22 =	vsel vm0, v40, v34  }
0xe0: {  	v27 =	vsel vm3, $0xF84, v27;
	v23 =	vsel vm4, $0xF81, v23;
	[tilespmem:$0x1FC30] =	vst v22;
	v22 =	vunpack.c.0.s8.s32 v58  }
0xe1: {  	v31 =	vsel vm3, $0xF88, v31;
	v24 =	vsel vm4, $0xF82, v24;
	v23 =	vsel vm2, $0xF82, v23  }
0xe2: {  	v25 =	vsel vm4, $0xF83, v25;
	v24 =	vsel vm2, $0xF83, v24;
	[tilespmem:$0x1FC40] =	vst v22;
	v22 =	vsel vm1, $0xF83, v23  }
0xe3: {  	v26 =	vsel vm4, $0xF84, v26;
	v25 =	vsel vm2, $0xF84, v25;
	[tilespmem:$0x1FC50] =	vst v22;
	v22 =	vsel vm1, $0xF84, v24  }
0xe4: {  	v27 =	vsel vm4, $0xF85, v27;
	v26 =	vsel vm2, $0xF85, v26;
	[tilespmem:$0x1FC60] =	vst v22;
	v22 =	vsel vm1, $0xF85, v25  }
0xe5: {  	v31 =	vsel vm4, $0xF89, v31;
	v27 =	vsel vm2, $0xF86, v27;
	[tilespmem:$0x1FC70] =	vst v22;
	v22 =	vsel vm1, $0xF86, v26  }
0xe6: {  	v31 =	vsel vm2, $0xF8A, v31;
	[tilespmem:$0x1FC80] =	vst v22;
	v22 =	vsel vm1, $0xF87, v27  }
0xe7: {  	[tilespmem:$0x1FC90] =	vst v22;
	v22 =	vsel vm1, $0xF8B, v31  }
0xe8: {  	[tilespmem:$0x1FCA0] =	vst v22;
	v22 =	vimm.s32 $0x43424140  }
0xe9: {  	v22 =	vunpack.c.0.s8.s32 v22;
	_ =	sdelay $0x1  }
0xea: {  	v28 =	vsel vm8, $0xF82, v28;
	v29 =	vsel vm8, $0xF83, v29;
	[tilespmem:$0x1FCB0] =	vst v22;
	v22 =	vimm.s32 $0x44434241  }
0xeb: {  	v28 =	vsel vm6, $0xF83, v28;
	v29 =	vsel vm6, $0xF84, v29;
	v22 =	vunpack.c.0.s8.s32 v22  }
0xec: {  	v28 =	vsel vm5, $0xF84, v28;
	v29 =	vsel vm5, $0xF85, v29;
	v23 =	vimm.s32 $0x45444342  }
0xed: {  	v28 =	vsel vm3, $0xF85, v28;
	v29 =	vsel vm3, $0xF86, v29;
	[tilespmem:$0x1FCC0] =	vst v22;
	v22 =	vunpack.c.0.s8.s32 v23  }
0xee: {  	v28 =	vsel vm4, $0xF86, v28;
	v29 =	vsel vm4, $0xF87, v29  }
0xef: {  	v28 =	vsel vm2, $0xF87, v28;
	v29 =	vsel vm2, $0xF88, v29;
	[tilespmem:$0x1FCD0] =	vst v22;
	v22 =	vimm.s32 $0x46454443  }
0xf0: {  	[tilespmem:$0x1FBA0] =	vst v35;
	v37 =	vsel vm1, $0xF89, v29;
	v23 =	vimm.s32 $0x48474645;
	v22 =	vunpack.c.0.s8.s32 v22  }
0xf1: {  	[tilespmem:$0x1FC20] =	vst v40;
	v58 =	vsel vm1, $0xF88, v28;
	v28 =	vunpack.c.0.s8.s32 v23;
	v23 =	vimm.s32 $0x4C4B4A49  }
0xf2: {  	v24 =	vimm.s32 $0x4D4C4B4A;
	v23 =	vunpack.c.0.s8.s32 v23;
	[tilespmem:$0x1FCE0] =	vst v22;
	v22 =	vimm.s32 $0x47464544  }
0xf3: {  	[tilespmem:$0x1FBF0] =	vst v63;
	v24 =	vunpack.c.0.s8.s32 v24;
	v26 =	vunpack.c.0.s8.s32 v22;
	v22 =	vimm.s32 $0x49484746  }
0xf4: {  	[tilespmem:$0x1FD10] =	vst v28;
	v23 =	vsel vm0, v23, v28;
	v29 =	vunpack.c.0.s8.s32 v22;
	v22 =	vimm.s32 $0x4B4A4948  }
0xf5: {  	[tilespmem:$0x1FD20] =	vst v23;
	v22 =	vunpack.c.0.s8.s32 v22  }
0xf6: {  	[tilespmem:$0x1FCF0] =	vst v26;
	v23 =	vsel vm0, v24, v29  }
0xf7: {  	v40 =	vlaneseq.u32;
	v22 =	vsel vm0, v22, v26;
	[tilespmem:$0x1FD30] =	vst v23  }
0xf8: {  	v23 =	vadd.s32 $0x2, v40;
	[tilespmem:$0x1FD00] =	vst v22  }
0xf9: {  	[tilespmem:$0x1FD40] =	vst v23;
	v23 =	vadd.s32 $0x3, v40  }
0xfa: {  	[tilespmem:$0x1FD50] =	vst v23;
	v23 =	vadd.s32 $0x4, v40  }
0xfb: {  	[tilespmem:$0x1FD60] =	vst v23;
	v23 =	vadd.s32 $0x5, v40  }
0xfc: {  	s4 =	rddreg [dreg:$0x0];
	[tilespmem:$0x1FD70] =	vst v23;
	v23 =	vadd.s32 $0x6, v40  }
0xfd: {  	s5 =	rddreg [dreg:$0x1];
	[tilespmem:$0x1FD80] =	vst v23;
	v23 =	vadd.s32 $0x7, v40  }
0xfe: {  	s6 =	rddreg [dreg:$0x2];
	[tilespmem:$0x1FD90] =	vst v23;
	v23 =	vadd.s32 $0x8, v40  }
0xff: {  	s0 =	rddreg [dreg:$0x3];
	s3 =	srdreg.scid;
	v30 =	vsel vm8, $0xF84, v30;
	[tilespmem:$0x1FDA0] =	vst v23;
	v23 =	vadd.s32 $0x9, v40  }
0x100: {  	s7 =	rddreg [dreg:$0x4];
	s8 =	sand.u32 $0x1, s3;
	s3 =	simm.s32 $0x0;
	v30 =	vsel vm6, $0xF85, v30;
	[tilespmem:$0x1FDB0] =	vst v23;
	v23 =	vadd.s32 $0xA, v40  }
0x101: {  	[smem:$0x7FF] =	sst s3;
	v30 =	vsel vm5, $0xF86, v30;
	[tilespmem:$0x1FDC0] =	vst v23;
	v23 =	vadd.s32 $0xB, v40  }
0x102: {  	s1 =	rddreg [dreg:$0x5];
	v33 =	vsel vm6, $0xF88, v33;
	v30 =	vsel vm3, $0xF87, v30;
	_ =	strace $0x80000047;
	[tilespmem:$0x1FDD0] =	vst v23  }
0x103: {  	v33 =	vsel vm5, $0xF89, v33;
	v30 =	vsel vm4, $0xF88, v30;
	[tilespmem:$0x1FEE0] =	vst v41  }
0x104: {  	v33 =	vsel vm3, $0xF8A, v33;
	v30 =	vsel vm2, $0xF89, v30;
	[tilespmem:$0x1FEF0] =	vst v60  }
0x105: {  	v33 =	vsel vm4, $0xF8B, v33;
	v38 =	vsel vm1, $0xF8A, v30;
	[tilespmem:$0x1FF00] =	vst v37  }
0x106: {  	v33 =	vsel vm2, $0xF8C, v33;
	[tilespmem:$0x1FF10] =	vst v38  }
0x107: {  	v63 =	vsel vm1, $0xF8D, v33;
	[tilespmem:$0x1FF20] =	vst v50  }
0x108: {  	[tilespmem:$0x1FF30] =	vst v63  }
0x109: {  	[tilespmem:$0x1FF40] =	vst v42  }
0x10a: {  	v33 =	vmul.u32 $0x80, v40;
	[tilespmem:$0x1FF50] =	vst v47  }
0x10b: {  	[tilespmem:$0x1FF60] =	vst v44  }
0x10c: {  	v34 =	vadd.s32 $0x1, v40;
	[tilespmem:$0x1FF70] =	vst v33  }
0x10d: {  	[tilespmem:$0x1FF80] =	vst v34  }
0x10e: {  	[tilespmem:$0x1FF90] =	vst v57  }
0x10f: {  	[tilespmem:$0x1FFA0] =	vst v15  }
0x110: {  	[tilespmem:$0x1FFB0] =	vst v14  }
0x111: {  	[tilespmem:$0x1FFC0] =	vst v13  }
0x112: {  	[tilespmem:$0x1FFD0] =	vst v12  }
0x113: {  	[tilespmem:$0x1FFE0] =	vst v11  }
0x114: {  	v23 =	vadd.s32 $0xC, v40;
	[tilespmem:$0x1FFF0] =	vst v10  }
0x115: {  	[tilespmem:$0x1FDE0] =	vst v23;
	v23 =	vadd.s32 $0xD, v40  }
0x116: {  	[tilespmem:$0x1FDF0] =	vst v23;
	v23 =	vadd.s32 $0xE, v40  }
0x117: {  	[tilespmem:$0x1FE00] =	vst v23;
	v23 =	vadd.s32 $0xF, v40  }
0x118: {  	[tilespmem:$0x1FE10] =	vst v23;
	v23 =	vor.u32 $0x10, v40  }
0x119: {  	[tilespmem:$0x1FE20] =	vst v23;
	v23 =	vor.u32 $0xCC0, v40  }
0x11a: {  	[tilespmem:$0x1FE30] =	vst v23;
	v23 =	vor.u32 $0x20, v40  }
0x11b: {  	[tilespmem:$0x1FE40] =	vst v23;
	v23 =	vadd.s32 $0xCC1, v40  }
0x11c: {  	[tilespmem:$0x1FE50] =	vst v23;
	v23 =	vadd.s32 $0x21, v40  }
0x11d: {  	s2 =	stileid.u32;
	[tilespmem:$0x1FE60] =	vst v23;
	v23 =	vadd.s32 $0xCC2, v40  }
0x11e: {  	s12 =	simm.s32 $0x1;
	s14 =	simm.s32 $0x1700;
	s9 =	sshll.u32 s2, $0xA;
	[tilespmem:$0x1FE70] =	vst v23;
	v23 =	vadd.s32 $0x22, v40  }
0x11f: {  	s13 =	simm.s32 $0x2;
	s15 =	simm.s32 $0x3;
	s10 =	sshll.u32 s8, $0x9;
	v32 =	vsel vm6, $0xF87, v32;
	v27 =	vimm.s32 $0x4E4D4C4B;
	[tilespmem:$0x1FE80] =	vst v23;
	v23 =	vadd.s32 $0xCC3, v40  }
0x120: {  	s16 =	simm.s32 $0x0;
	s8 =	ssub.s32 $0x2, s8;
	s9 =	sor.u32 s10, s9;
	v32 =	vsel vm5, $0xF88, v32;
	v22 =	vunpack.c.0.s8.s32 v27;
	[tilespmem:$0x1FE90] =	vst v23;
	v23 =	vadd.s32 $0x23, v40  }
0x121: {  	s31 =	sshrl.u32 s8, $0x1;
	s10 =	simm.s32 $0x1300;
	s11 =	sshrl.u32 s9, $0x3;
	v32 =	vsel vm3, $0xF89, v32;
	v25 =	vimm.s32 $0x4A494847;
	[tilespmem:$0x1FEA0] =	vst v23;
	v23 =	vadd.s32 $0xCC4, v40  }
0x122: {  	s8 =	ssub.s32 s8, s31;
	s9 =	sshll.u32 s9, $0x4;
	s4 =	sadd.s32 s4, s11;
	v32 =	vsel vm4, $0xF8A, v32;
	v25 =	vunpack.c.0.s8.s32 v25;
	[tilespmem:$0x1FEB0] =	vst v23;
	v23 =	vadd.s32 $0x24, v40  }
0x123: {  	s5 =	sadd.s32 s5, s11;
	s6 =	sadd.s32 s6, s11;
	s7 =	sadd.s32 s7, s9;
	v32 =	vsel vm2, $0xF8B, v32;
	[tilespmem:$0x1FEC0] =	vst v23;
	v23 =	vadd.s32 $0xCC5, v40  }
0x124: {  	s8 =	smax.u32 s8, $0x1;
	s9 =	simm.s32 $0x1100;
	s11 =	simm.s32 $0x1500;
	v36 =	vand.u32 $0x7, v40;
	v31 =	vsel vm1, $0xF8C, v32;
	v24 =	vmovc v29;
	v29 =	vsel vm0, v22, v25;
	v22 =	vmovc v25;
	[tilespmem:$0x1FED0] =	vst v23  }
.LBB2_1:
0x125: {  	[tilespmem:s3], [sflag:$0x1] =	stream.linear.gather [hbm4b:s0+s3], $0x1100, $0x38;
	[tilespmem:$0x11700] =	vst v63  }
0x126: {  	_ = 	snop  }
0x127: {  	[tilespmem:s9], [sflag:$0x2] =	stream.linear.gather [hbm4b:s4+s3], $0x200, $0x38;
	[tilespmem:$0x11700] =	vst v63  }
0x128: {  	_ = 	snop  }
0x129: {  	[tilespmem:s10], [sflag:$0x2] =	stream.linear.gather [hbm4b:s5+s3], $0x200, $0x38;
	[tilespmem:$0x11700] =	vst v63  }
0x12a: {  	_ = 	snop  }
0x12b: {  	[tilespmem:s11], [sflag:$0x2] =	stream.linear.gather [hbm4b:s6+s3], $0x200, $0x38;
	[tilespmem:$0x11700] =	vst v63  }
0x12c: {  	_ =	swait.ge [sflag:s12], $0x1100  }
0x12d: {  	[sflag:s12] =	ssyncset.done $0x0  }
0x12e: {  	[sflag:s12] =	ssyncadd.s32 $0xFFFFEF00  }
0x12f: {  	_ =	swait.ge [sflag:s13], $0x200  }
0x130: {  	[sflag:s13] =	ssyncset.done $0x0  }
0x131: {  	[sflag:s13] =	ssyncadd.s32 $0xFFFFFE00  }
0x132: {  	_ =	swait.ge [sflag:s13], $0x200  }
0x133: {  	[sflag:s13] =	ssyncset.done $0x0  }
0x134: {  	[sflag:s13] =	ssyncadd.s32 $0xFFFFFE00  }
0x135: {  	_ =	swait.ge [sflag:s13], $0x200  }
0x136: {  	s17 =	simm.s32 $0xFFFFFFFE;
	[sflag:s13] =	ssyncset.done $0x0  }
0x137: {  	s18 =	simm.s32 $0x1310;
	s19 =	simm.s32 $0x0;
	[sflag:s13] =	ssyncadd.s32 $0xFFFFFE00  }
.LBB2_2:
0x138: {  	v23 =	vld [tilespmem:s18+$0xFFFFFDF0]  }
0x139: {  	v27 =	vld [tilespmem:s18+$0xFFFFFE00];
	_ =	sdelay $0x3  }
0x13a: {  	v25 =	vshll.u32 v23, $0x5  }
0x13b: {  	v23 =	vshll.u32 v27, $0x5;
	v26 =	vor.u32 v40, v25  }
0x13c: {  	v27 =	vmov s19;
	v28 =	vor.u32 v40, v23  }
0x13d: {  	s20 =	sadd.s32 $0x10, s19;
	v27 =	vshll.u32 v27, $0x7  }
0x13e: {  	v63 =	vor.u32 v33, v27;
	v27 =	vmov s20  }
0x13f: {  	v27 =	vshll.u32 v27, $0x7  }
0x140: {  	v30 =	vor.u32 v40, v63;
	v27 =	vor.u32 v33, v27;
	v26 =	vld.idx.msk [tilespmem:v26+s3+$0x0], $0xffff  }
0x141: {  	v32 =	vor.u32 v34, v25;
	v33 =	vor.u32 v40, v27;
	v28 =	vld.idx.msk [tilespmem:v28+s3+$0x0], $0xffff  }
0x142: {  	v37 =	vld [tilespmem:$0x1FD40];
	v35 =	vor.u32 v34, v23;
	_ =	sdelay $0x2  }
0x143: {  	[tilespmem:v30+s14+$0x0] =	vst.idx.msk $0xffff, v26  }
0x144: {  	v30 =	vor.u32 v34, v63;
	[tilespmem:v33+s14+$0x0] =	vst.idx.msk $0xffff, v28;
	v26 =	vld.idx.msk [tilespmem:v32+s3+$0x0], $0xffff  }
0x145: {  	v38 =	vor.u32 v37, v25;
	v33 =	vor.u32 v34, v27;
	v28 =	vld.idx.msk [tilespmem:v35+s3+$0x0], $0xffff  }
0x146: {  	v34 =	vld [tilespmem:$0x1FD50];
	v35 =	vor.u32 v37, v23;
	_ =	sdelay $0x2  }
0x147: {  	[tilespmem:v30+s14+$0x0] =	vst.idx.msk $0xffff, v26  }
0x148: {  	v30 =	vor.u32 v37, v63;
	[tilespmem:v33+s14+$0x0] =	vst.idx.msk $0xffff, v28;
	v26 =	vld.idx.msk [tilespmem:v38+s3+$0x0], $0xffff  }
0x149: {  	v33 =	vor.u32 v37, v27;
	v38 =	vor.u32 v34, v25;
	v28 =	vld.idx.msk [tilespmem:v35+s3+$0x0], $0xffff  }
0x14a: {  	v37 =	vld [tilespmem:$0x1FD60];
	v35 =	vor.u32 v34, v23;
	_ =	sdelay $0x2  }
0x14b: {  	[tilespmem:v30+s14+$0x0] =	vst.idx.msk $0xffff, v26  }
0x14c: {  	v30 =	vor.u32 v34, v63;
	[tilespmem:v33+s14+$0x0] =	vst.idx.msk $0xffff, v28;
	v26 =	vld.idx.msk [tilespmem:v38+s3+$0x0], $0xffff  }
0x14d: {  	v33 =	vor.u32 v34, v27;
	v38 =	vor.u32 v37, v25;
	v28 =	vld.idx.msk [tilespmem:v35+s3+$0x0], $0xffff  }
0x14e: {  	v34 =	vld [tilespmem:$0x1FD70];
	v35 =	vor.u32 v37, v23;
	_ =	sdelay $0x2  }
0x14f: {  	[tilespmem:v30+s14+$0x0] =	vst.idx.msk $0xffff, v26  }
0x150: {  	v30 =	vor.u32 v37, v63;
	[tilespmem:v33+s14+$0x0] =	vst.idx.msk $0xffff, v28;
	v26 =	vld.idx.msk [tilespmem:v38+s3+$0x0], $0xffff  }
0x151: {  	v33 =	vor.u32 v37, v27;
	v38 =	vor.u32 v34, v25;
	v28 =	vld.idx.msk [tilespmem:v35+s3+$0x0], $0xffff  }
0x152: {  	v37 =	vld [tilespmem:$0x1FD80];
	v35 =	vor.u32 v34, v23;
	_ =	sdelay $0x2  }
0x153: {  	[tilespmem:v30+s14+$0x0] =	vst.idx.msk $0xffff, v26  }
0x154: {  	v30 =	vor.u32 v34, v63;
	[tilespmem:v33+s14+$0x0] =	vst.idx.msk $0xffff, v28;
	v26 =	vld.idx.msk [tilespmem:v38+s3+$0x0], $0xffff  }
0x155: {  	v33 =	vor.u32 v34, v27;
	v38 =	vor.u32 v37, v25;
	v28 =	vld.idx.msk [tilespmem:v35+s3+$0x0], $0xffff  }
0x156: {  	v34 =	vld [tilespmem:$0x1FD90];
	v35 =	vor.u32 v37, v23;
	_ =	sdelay $0x2  }
0x157: {  	[tilespmem:v30+s14+$0x0] =	vst.idx.msk $0xffff, v26  }
0x158: {  	v30 =	vor.u32 v37, v63;
	[tilespmem:v33+s14+$0x0] =	vst.idx.msk $0xffff, v28;
	v26 =	vld.idx.msk [tilespmem:v38+s3+$0x0], $0xffff  }
0x159: {  	v33 =	vor.u32 v37, v27;
	v38 =	vor.u32 v34, v25;
	v28 =	vld.idx.msk [tilespmem:v35+s3+$0x0], $0xffff  }
0x15a: {  	v37 =	vld [tilespmem:$0x1FDA0];
	v35 =	vor.u32 v34, v23;
	_ =	sdelay $0x2  }
0x15b: {  	[tilespmem:v30+s14+$0x0] =	vst.idx.msk $0xffff, v26  }
0x15c: {  	v30 =	vor.u32 v34, v63;
	[tilespmem:v33+s14+$0x0] =	vst.idx.msk $0xffff, v28;
	v26 =	vld.idx.msk [tilespmem:v38+s3+$0x0], $0xffff  }
0x15d: {  	v33 =	vor.u32 v34, v27;
	v38 =	vor.u32 v37, v25;
	v28 =	vld.idx.msk [tilespmem:v35+s3+$0x0], $0xffff  }
0x15e: {  	v34 =	vld [tilespmem:$0x1FDB0];
	v35 =	vor.u32 v37, v23;
	_ =	sdelay $0x2  }
0x15f: {  	[tilespmem:v30+s14+$0x0] =	vst.idx.msk $0xffff, v26  }
0x160: {  	v30 =	vor.u32 v37, v63;
	[tilespmem:v33+s14+$0x0] =	vst.idx.msk $0xffff, v28;
	v26 =	vld.idx.msk [tilespmem:v38+s3+$0x0], $0xffff  }
0x161: {  	v33 =	vor.u32 v37, v27;
	v38 =	vor.u32 v34, v25;
	v28 =	vld.idx.msk [tilespmem:v35+s3+$0x0], $0xffff  }
0x162: {  	v37 =	vld [tilespmem:$0x1FDC0];
	v35 =	vor.u32 v34, v23;
	_ =	sdelay $0x2  }
0x163: {  	[tilespmem:v30+s14+$0x0] =	vst.idx.msk $0xffff, v26  }
0x164: {  	v30 =	vor.u32 v34, v63;
	[tilespmem:v33+s14+$0x0] =	vst.idx.msk $0xffff, v28;
	v26 =	vld.idx.msk [tilespmem:v38+s3+$0x0], $0xffff  }
0x165: {  	v33 =	vor.u32 v34, v27;
	v38 =	vor.u32 v37, v25;
	v28 =	vld.idx.msk [tilespmem:v35+s3+$0x0], $0xffff  }
0x166: {  	v34 =	vld [tilespmem:$0x1FDD0];
	v35 =	vor.u32 v37, v23;
	_ =	sdelay $0x2  }
0x167: {  	[tilespmem:v30+s14+$0x0] =	vst.idx.msk $0xffff, v26  }
0x168: {  	v30 =	vor.u32 v37, v63;
	[tilespmem:v33+s14+$0x0] =	vst.idx.msk $0xffff, v28;
	v26 =	vld.idx.msk [tilespmem:v38+s3+$0x0], $0xffff  }
0x169: {  	v33 =	vor.u32 v37, v27;
	v38 =	vor.u32 v34, v25;
	v28 =	vld.idx.msk [tilespmem:v35+s3+$0x0], $0xffff  }
0x16a: {  	v37 =	vld [tilespmem:$0x1FDE0];
	v35 =	vor.u32 v34, v23;
	_ =	sdelay $0x2  }
0x16b: {  	[tilespmem:v30+s14+$0x0] =	vst.idx.msk $0xffff, v26  }
0x16c: {  	v30 =	vor.u32 v34, v63;
	[tilespmem:v33+s14+$0x0] =	vst.idx.msk $0xffff, v28;
	v26 =	vld.idx.msk [tilespmem:v38+s3+$0x0], $0xffff  }
0x16d: {  	v33 =	vor.u32 v34, v27;
	v38 =	vor.u32 v37, v25;
	v28 =	vld.idx.msk [tilespmem:v35+s3+$0x0], $0xffff  }
0x16e: {  	v34 =	vld [tilespmem:$0x1FDF0];
	v35 =	vor.u32 v37, v23;
	_ =	sdelay $0x2  }
0x16f: {  	[tilespmem:v30+s14+$0x0] =	vst.idx.msk $0xffff, v26  }
0x170: {  	v30 =	vor.u32 v37, v63;
	[tilespmem:v33+s14+$0x0] =	vst.idx.msk $0xffff, v28;
	v26 =	vld.idx.msk [tilespmem:v38+s3+$0x0], $0xffff  }
0x171: {  	v33 =	vor.u32 v37, v27;
	v38 =	vor.u32 v34, v25;
	v28 =	vld.idx.msk [tilespmem:v35+s3+$0x0], $0xffff  }
0x172: {  	v37 =	vld [tilespmem:$0x1FE00];
	v35 =	vor.u32 v34, v23;
	_ =	sdelay $0x2  }
0x173: {  	[tilespmem:v30+s14+$0x0] =	vst.idx.msk $0xffff, v26  }
0x174: {  	v30 =	vor.u32 v34, v63;
	[tilespmem:v33+s14+$0x0] =	vst.idx.msk $0xffff, v28;
	v26 =	vld.idx.msk [tilespmem:v38+s3+$0x0], $0xffff  }
0x175: {  	v33 =	vor.u32 v34, v27;
	v38 =	vor.u32 v37, v25;
	v28 =	vld.idx.msk [tilespmem:v35+s3+$0x0], $0xffff  }
0x176: {  	v34 =	vld [tilespmem:$0x1FE10];
	v35 =	vor.u32 v37, v23;
	_ =	sdelay $0x2  }
0x177: {  	[tilespmem:v30+s14+$0x0] =	vst.idx.msk $0xffff, v26  }
0x178: {  	v30 =	vor.u32 v37, v63;
	[tilespmem:v33+s14+$0x0] =	vst.idx.msk $0xffff, v28;
	v26 =	vld.idx.msk [tilespmem:v38+s3+$0x0], $0xffff  }
0x179: {  	v33 =	vor.u32 v37, v27;
	v38 =	vor.u32 v34, v25;
	v28 =	vld.idx.msk [tilespmem:v35+s3+$0x0], $0xffff  }
0x17a: {  	v37 =	vld [tilespmem:$0x1FE20];
	v35 =	vor.u32 v34, v23;
	_ =	sdelay $0x2  }
0x17b: {  	[tilespmem:v30+s14+$0x0] =	vst.idx.msk $0xffff, v26  }
0x17c: {  	v30 =	vor.u32 v34, v63;
	[tilespmem:v33+s14+$0x0] =	vst.idx.msk $0xffff, v28;
	v26 =	vld.idx.msk [tilespmem:v38+s3+$0x0], $0xffff  }
0x17d: {  	v32 =	vor.u32 v37, v25;
	v33 =	vor.u32 v34, v27;
	v28 =	vld.idx.msk [tilespmem:v35+s3+$0x0], $0xffff  }
0x17e: {  	v38 =	vor.u32 v37, v23;
	_ =	sdelay $0x2  }
0x17f: {  	[tilespmem:v30+s14+$0x0] =	vst.idx.msk $0xffff, v26  }
0x180: {  	v30 =	vor.u32 v37, v63;
	[tilespmem:v33+s14+$0x0] =	vst.idx.msk $0xffff, v28;
	v26 =	vld.idx.msk [tilespmem:v32+s3+$0x0], $0xffff  }
0x181: {  	v37 =	vor.u32 v37, v27;
	v32 =	vor.u32 v0, v25;
	v28 =	vld.idx.msk [tilespmem:v38+s3+$0x0], $0xffff  }
0x182: {  	v38 =	vor.u32 v0, v23;
	_ =	sdelay $0x2  }
0x183: {  	[tilespmem:v30+s14+$0x0] =	vst.idx.msk $0xffff, v26  }
0x184: {  	v30 =	vor.u32 v0, v63;
	[tilespmem:v37+s14+$0x0] =	vst.idx.msk $0xffff, v28;
	v26 =	vld.idx.msk [tilespmem:v32+s3+$0x0], $0xffff  }
0x185: {  	v37 =	vor.u32 v0, v27;
	v32 =	vor.u32 v1, v25;
	v28 =	vld.idx.msk [tilespmem:v38+s3+$0x0], $0xffff  }
0x186: {  	v38 =	vor.u32 v1, v23;
	_ =	sdelay $0x2  }
0x187: {  	[tilespmem:v30+s14+$0x0] =	vst.idx.msk $0xffff, v26  }
0x188: {  	v30 =	vor.u32 v1, v63;
	[tilespmem:v37+s14+$0x0] =	vst.idx.msk $0xffff, v28;
	v26 =	vld.idx.msk [tilespmem:v32+s3+$0x0], $0xffff  }
0x189: {  	v37 =	vor.u32 v1, v27;
	v32 =	vor.u32 v2, v25;
	v28 =	vld.idx.msk [tilespmem:v38+s3+$0x0], $0xffff  }
0x18a: {  	v38 =	vor.u32 v2, v23;
	_ =	sdelay $0x2  }
0x18b: {  	[tilespmem:v30+s14+$0x0] =	vst.idx.msk $0xffff, v26  }
0x18c: {  	v30 =	vor.u32 v2, v63;
	[tilespmem:v37+s14+$0x0] =	vst.idx.msk $0xffff, v28;
	v26 =	vld.idx.msk [tilespmem:v32+s3+$0x0], $0xffff  }
0x18d: {  	v37 =	vor.u32 v2, v27;
	v32 =	vor.u32 v3, v25;
	v28 =	vld.idx.msk [tilespmem:v38+s3+$0x0], $0xffff  }
0x18e: {  	v38 =	vor.u32 v3, v23;
	_ =	sdelay $0x2  }
0x18f: {  	[tilespmem:v30+s14+$0x0] =	vst.idx.msk $0xffff, v26  }
0x190: {  	v30 =	vor.u32 v3, v63;
	[tilespmem:v37+s14+$0x0] =	vst.idx.msk $0xffff, v28;
	v26 =	vld.idx.msk [tilespmem:v32+s3+$0x0], $0xffff  }
0x191: {  	v37 =	vor.u32 v3, v27;
	v32 =	vor.u32 v4, v25;
	v28 =	vld.idx.msk [tilespmem:v38+s3+$0x0], $0xffff  }
0x192: {  	v38 =	vor.u32 v4, v23;
	_ =	sdelay $0x2  }
0x193: {  	[tilespmem:v30+s14+$0x0] =	vst.idx.msk $0xffff, v26  }
0x194: {  	v30 =	vor.u32 v4, v63;
	[tilespmem:v37+s14+$0x0] =	vst.idx.msk $0xffff, v28;
	v26 =	vld.idx.msk [tilespmem:v32+s3+$0x0], $0xffff  }
0x195: {  	v37 =	vor.u32 v4, v27;
	v32 =	vor.u32 v5, v25;
	v28 =	vld.idx.msk [tilespmem:v38+s3+$0x0], $0xffff  }
0x196: {  	v38 =	vor.u32 v5, v23;
	_ =	sdelay $0x2  }
0x197: {  	[tilespmem:v30+s14+$0x0] =	vst.idx.msk $0xffff, v26  }
0x198: {  	v30 =	vor.u32 v5, v63;
	[tilespmem:v37+s14+$0x0] =	vst.idx.msk $0xffff, v28;
	v26 =	vld.idx.msk [tilespmem:v32+s3+$0x0], $0xffff  }
0x199: {  	v37 =	vor.u32 v5, v27;
	v32 =	vor.u32 v6, v25;
	v28 =	vld.idx.msk [tilespmem:v38+s3+$0x0], $0xffff  }
0x19a: {  	v38 =	vor.u32 v6, v23;
	_ =	sdelay $0x2  }
0x19b: {  	[tilespmem:v30+s14+$0x0] =	vst.idx.msk $0xffff, v26  }
0x19c: {  	v30 =	vor.u32 v6, v63;
	[tilespmem:v37+s14+$0x0] =	vst.idx.msk $0xffff, v28;
	v26 =	vld.idx.msk [tilespmem:v32+s3+$0x0], $0xffff  }
0x19d: {  	v37 =	vor.u32 v6, v27;
	v32 =	vor.u32 v7, v25;
	v28 =	vld.idx.msk [tilespmem:v38+s3+$0x0], $0xffff  }
0x19e: {  	v38 =	vor.u32 v7, v23;
	_ =	sdelay $0x2  }
0x19f: {  	[tilespmem:v30+s14+$0x0] =	vst.idx.msk $0xffff, v26  }
0x1a0: {  	v30 =	vor.u32 v7, v63;
	[tilespmem:v37+s14+$0x0] =	vst.idx.msk $0xffff, v28;
	v26 =	vld.idx.msk [tilespmem:v32+s3+$0x0], $0xffff  }
0x1a1: {  	v37 =	vor.u32 v7, v27;
	v32 =	vor.u32 v9, v25;
	v28 =	vld.idx.msk [tilespmem:v38+s3+$0x0], $0xffff  }
0x1a2: {  	v38 =	vor.u32 v9, v23;
	_ =	sdelay $0x2  }
0x1a3: {  	[tilespmem:v30+s14+$0x0] =	vst.idx.msk $0xffff, v26  }
0x1a4: {  	v30 =	vor.u32 v9, v63;
	[tilespmem:v37+s14+$0x0] =	vst.idx.msk $0xffff, v28;
	v26 =	vld.idx.msk [tilespmem:v32+s3+$0x0], $0xffff  }
0x1a5: {  	v37 =	vor.u32 v9, v27;
	v32 =	vor.u32 v10, v25;
	v28 =	vld.idx.msk [tilespmem:v38+s3+$0x0], $0xffff  }
0x1a6: {  	v38 =	vor.u32 v10, v23;
	_ =	sdelay $0x2  }
0x1a7: {  	[tilespmem:v30+s14+$0x0] =	vst.idx.msk $0xffff, v26  }
0x1a8: {  	v30 =	vor.u32 v10, v63;
	[tilespmem:v37+s14+$0x0] =	vst.idx.msk $0xffff, v28;
	v26 =	vld.idx.msk [tilespmem:v32+s3+$0x0], $0xffff  }
0x1a9: {  	v37 =	vor.u32 v10, v27;
	v32 =	vor.u32 v11, v25;
	v28 =	vld.idx.msk [tilespmem:v38+s3+$0x0], $0xffff  }
0x1aa: {  	v38 =	vor.u32 v11, v23;
	_ =	sdelay $0x2  }
0x1ab: {  	[tilespmem:v30+s14+$0x0] =	vst.idx.msk $0xffff, v26  }
0x1ac: {  	v30 =	vor.u32 v11, v63;
	[tilespmem:v37+s14+$0x0] =	vst.idx.msk $0xffff, v28;
	v26 =	vld.idx.msk [tilespmem:v32+s3+$0x0], $0xffff  }
0x1ad: {  	v37 =	vor.u32 v11, v27;
	v32 =	vor.u32 v12, v25;
	v28 =	vld.idx.msk [tilespmem:v38+s3+$0x0], $0xffff  }
0x1ae: {  	v38 =	vor.u32 v12, v23;
	_ =	sdelay $0x2  }
0x1af: {  	[tilespmem:v30+s14+$0x0] =	vst.idx.msk $0xffff, v26  }
0x1b0: {  	v30 =	vor.u32 v12, v63;
	[tilespmem:v37+s14+$0x0] =	vst.idx.msk $0xffff, v28;
	v26 =	vld.idx.msk [tilespmem:v32+s3+$0x0], $0xffff  }
0x1b1: {  	v37 =	vor.u32 v12, v27;
	v32 =	vor.u32 v13, v25;
	v28 =	vld.idx.msk [tilespmem:v38+s3+$0x0], $0xffff  }
0x1b2: {  	v38 =	vor.u32 v13, v23;
	_ =	sdelay $0x2  }
0x1b3: {  	[tilespmem:v30+s14+$0x0] =	vst.idx.msk $0xffff, v26  }
0x1b4: {  	v30 =	vor.u32 v13, v63;
	[tilespmem:v37+s14+$0x0] =	vst.idx.msk $0xffff, v28;
	v26 =	vld.idx.msk [tilespmem:v32+s3+$0x0], $0xffff  }
0x1b5: {  	v37 =	vor.u32 v13, v27;
	v32 =	vor.u32 v14, v25;
	v28 =	vld.idx.msk [tilespmem:v38+s3+$0x0], $0xffff  }
0x1b6: {  	v38 =	vor.u32 v14, v23;
	_ =	sdelay $0x2  }
0x1b7: {  	[tilespmem:v30+s14+$0x0] =	vst.idx.msk $0xffff, v26  }
0x1b8: {  	v30 =	vor.u32 v14, v63;
	[tilespmem:v37+s14+$0x0] =	vst.idx.msk $0xffff, v28;
	v26 =	vld.idx.msk [tilespmem:v32+s3+$0x0], $0xffff  }
0x1b9: {  	v25 =	vor.u32 v15, v25;
	v37 =	vor.u32 v14, v27;
	v28 =	vld.idx.msk [tilespmem:v38+s3+$0x0], $0xffff  }
0x1ba: {  	v23 =	vor.u32 v15, v23;
	_ =	sdelay $0x2  }
0x1bb: {  	[tilespmem:v30+s14+$0x0] =	vst.idx.msk $0xffff, v26  }
0x1bc: {  	v26 =	vor.u32 v15, v63;
	[tilespmem:v37+s14+$0x0] =	vst.idx.msk $0xffff, v28;
	v25 =	vld.idx.msk [tilespmem:v25+s3+$0x0], $0xffff  }
0x1bd: {  	v28 =	vor.u32 v15, v27;
	v23 =	vld.idx.msk [tilespmem:v23+s3+$0x0], $0xffff;
	_ =	sdelay $0x3  }
0x1be: {  	v10 =	vld [tilespmem:$0x1FE30];
	[tilespmem:v26+s14+$0x0] =	vst.idx.msk $0xffff, v25  }
0x1bf: {  	[tilespmem:v28+s14+$0x0] =	vst.idx.msk $0xffff, v23;
	v25 =	vld [tilespmem:s18+$0xFFFFFFF0]  }
0x1c0: {  	v23 =	vld [tilespmem:s18+$0x0];
	_ =	sdelay $0x3  }
0x1c1: {  	v25 =	vshll.u32 v25, $0x5  }
0x1c2: {  	v23 =	vshll.u32 v23, $0x5;
	v26 =	vadd.s32 v10, v25  }
0x1c3: {  	v11 =	vld [tilespmem:$0x1FE50];
	v28 =	vadd.s32 v10, v23;
	v26 =	vand.u32 $0xFFFFFFE8, v26  }
0x1c4: {  	v10 =	vld [tilespmem:$0x1FE40];
	v28 =	vand.u32 $0xFFFFFFE8, v28;
	v26 =	vor.u32 v36, v26  }
0x1c5: {  	v28 =	vor.u32 v36, v28;
	_ =	sdelay $0x2  }
0x1c6: {  	v30 =	vadd.s32 v11, v25;
	v38 =	vadd.s32 v11, v23;
	v11 =	vld [tilespmem:$0x1FE70]  }
0x1c7: {  	v32 =	vor.u32 v10, v63;
	v26 =	vld.idx.msk [tilespmem:v26+s3+$0x0], $0xffff  }
0x1c8: {  	v37 =	vor.u32 v10, v27;
	v28 =	vld.idx.msk [tilespmem:v28+s3+$0x0], $0xffff  }
0x1c9: {  	v30 =	vand.u32 $0xFFFFFFF8, v30;
	v10 =	vld [tilespmem:$0x1FE60]  }
0x1ca: {  	v33 =	vand.u32 $0xFFFFFFF8, v38;
	v30 =	vor.u32 v16, v30  }
0x1cb: {  	v33 =	vor.u32 v16, v33  }
0x1cc: {  	[tilespmem:v32+s14+$0x0] =	vst.idx.msk $0xffff, v26  }
0x1cd: {  	v26 =	vadd.s32 v11, v25;
	[tilespmem:v37+s14+$0x0] =	vst.idx.msk $0xffff, v28;
	v28 =	vadd.s32 v11, v23;
	v11 =	vld [tilespmem:$0x1FE90]  }
0x1ce: {  	v38 =	vor.u32 v10, v63;
	v37 =	vor.u32 v10, v27;
	v10 =	vld [tilespmem:$0x1FE80]  }
0x1cf: {  	v30 =	vld.idx.msk [tilespmem:v30+s3+$0x0], $0xffff;
	v26 =	vand.u32 $0xFFFFFFF8, v26  }
0x1d0: {  	v33 =	vld.idx.msk [tilespmem:v33+s3+$0x0], $0xffff;
	v28 =	vand.u32 $0xFFFFFFF8, v28;
	v26 =	vor.u32 v17, v26  }
0x1d1: {  	v28 =	vor.u32 v17, v28;
	_ =	sdelay $0x2  }
0x1d2: {  	[tilespmem:v38+s14+$0x0] =	vst.idx.msk $0xffff, v30;
	v30 =	vadd.s32 v11, v25;
	v38 =	vadd.s32 v11, v23;
	v11 =	vld [tilespmem:$0x1FEB0]  }
0x1d3: {  	v32 =	vor.u32 v10, v63;
	[tilespmem:v37+s14+$0x0] =	vst.idx.msk $0xffff, v33;
	v26 =	vld.idx.msk [tilespmem:v26+s3+$0x0], $0xffff  }
0x1d4: {  	v37 =	vor.u32 v10, v27;
	v30 =	vand.u32 $0xFFFFFFF8, v30;
	v28 =	vld.idx.msk [tilespmem:v28+s3+$0x0], $0xffff  }
0x1d5: {  	v10 =	vld [tilespmem:$0x1FEA0];
	v30 =	vor.u32 v18, v30;
	_ =	sdelay $0x1  }
0x1d6: {  	v33 =	vand.u32 $0xFFFFFFF8, v38  }
0x1d7: {  	v33 =	vor.u32 v18, v33;
	[tilespmem:v32+s14+$0x0] =	vst.idx.msk $0xffff, v26  }
0x1d8: {  	v26 =	vadd.s32 v11, v25;
	[tilespmem:v37+s14+$0x0] =	vst.idx.msk $0xffff, v28;
	v28 =	vadd.s32 v11, v23;
	v11 =	vld [tilespmem:$0x1FED0]  }
0x1d9: {  	v38 =	vor.u32 v10, v63;
	v30 =	vld.idx.msk [tilespmem:v30+s3+$0x0], $0xffff;
	v26 =	vand.u32 $0xFFFFFFF8, v26  }
0x1da: {  	v37 =	vor.u32 v10, v27;
	v10 =	vld [tilespmem:$0x1FEC0];
	v26 =	vor.u32 v45, v26;
	_ =	sdelay $0x1  }
0x1db: {  	v33 =	vld.idx.msk [tilespmem:v33+s3+$0x0], $0xffff;
	v28 =	vand.u32 $0xFFFFFFF8, v28  }
0x1dc: {  	v28 =	vor.u32 v45, v28  }
0x1dd: {  	[tilespmem:v38+s14+$0x0] =	vst.idx.msk $0xffff, v30;
	v30 =	vadd.s32 v11, v25  }
0x1de: {  	v32 =	vor.u32 v10, v63;
	v26 =	vld.idx.msk [tilespmem:v26+s3+$0x0], $0xffff;
	v30 =	vand.u32 $0xFFFFFFF8, v30  }
0x1df: {  	v30 =	vor.u32 v19, v30  }
0x1e0: {  	[tilespmem:v37+s14+$0x0] =	vst.idx.msk $0xffff, v33;
	v38 =	vadd.s32 v11, v23  }
0x1e1: {  	v35 =	vor.u32 v10, v27;
	v28 =	vld.idx.msk [tilespmem:v28+s3+$0x0], $0xffff;
	v33 =	vand.u32 $0xFFFFFFF8, v38  }
0x1e2: {  	v37 =	vadd.s32 $0xCC6, v40;
	v33 =	vor.u32 v19, v33  }
0x1e3: {  	[tilespmem:v32+s14+$0x0] =	vst.idx.msk $0xffff, v26;
	v26 =	vadd.s32 $0x25, v40;
	v32 =	vadd.s32 v37, v25  }
0x1e4: {  	v30 =	vld.idx.msk [tilespmem:v30+s3+$0x0], $0xffff;
	v38 =	vor.u32 v26, v63;
	v32 =	vand.u32 $0xFFFFFFF8, v32  }
0x1e5: {  	v32 =	vor.u32 v20, v32  }
0x1e6: {  	[tilespmem:v35+s14+$0x0] =	vst.idx.msk $0xffff, v28;
	v28 =	vadd.s32 v37, v23  }
0x1e7: {  	v33 =	vld.idx.msk [tilespmem:v33+s3+$0x0], $0xffff;
	v26 =	vor.u32 v26, v27;
	v28 =	vand.u32 $0xFFFFFFF8, v28  }
0x1e8: {  	v35 =	vadd.s32 $0xCC7, v40;
	v28 =	vor.u32 v20, v28  }
0x1e9: {  	v37 =	vadd.s32 v35, v25;
	[tilespmem:v38+s14+$0x0] =	vst.idx.msk $0xffff, v30;
	v30 =	vadd.s32 $0x26, v40  }
0x1ea: {  	v37 =	vand.u32 $0xFFFFFFF8, v37;
	v32 =	vld.idx.msk [tilespmem:v32+s3+$0x0], $0xffff;
	v38 =	vor.u32 v30, v63  }
0x1eb: {  	v37 =	vor.u32 v21, v37  }
0x1ec: {  	[tilespmem:v26+s14+$0x0] =	vst.idx.msk $0xffff, v33;
	v26 =	vadd.s32 v35, v23  }
0x1ed: {  	v28 =	vld.idx.msk [tilespmem:v28+s3+$0x0], $0xffff;
	v30 =	vor.u32 v30, v27;
	v26 =	vand.u32 $0xFFFFFFF8, v26  }
0x1ee: {  	v33 =	vadd.s32 $0xCC8, v40;
	v26 =	vor.u32 v21, v26  }
0x1ef: {  	v35 =	vadd.s32 v33, v25;
	[tilespmem:v38+s14+$0x0] =	vst.idx.msk $0xffff, v32;
	v32 =	vadd.s32 $0x27, v40  }
0x1f0: {  	v35 =	vand.u32 $0xFFFFFFF8, v35;
	v37 =	vld.idx.msk [tilespmem:v37+s3+$0x0], $0xffff;
	v38 =	vor.u32 v32, v63  }
0x1f1: {  	v35 =	vor.u32 v36, v35  }
0x1f2: {  	[tilespmem:v30+s14+$0x0] =	vst.idx.msk $0xffff, v28;
	v28 =	vadd.s32 v33, v23  }
0x1f3: {  	v26 =	vld.idx.msk [tilespmem:v26+s3+$0x0], $0xffff;
	v30 =	vor.u32 v32, v27;
	v28 =	vand.u32 $0xFFFFFFF8, v28  }
0x1f4: {  	v32 =	vadd.s32 $0xCC9, v40;
	v28 =	vor.u32 v36, v28  }
0x1f5: {  	v33 =	vadd.s32 $0x28, v40;
	[tilespmem:v38+s14+$0x0] =	vst.idx.msk $0xffff, v37;
	v37 =	vadd.s32 v32, v25  }
0x1f6: {  	v38 =	vor.u32 v33, v63;
	v35 =	vld.idx.msk [tilespmem:v35+s3+$0x0], $0xffff;
	v37 =	vand.u32 $0xFFFFFFF8, v37  }
0x1f7: {  	v37 =	vor.u32 v16, v37  }
0x1f8: {  	[tilespmem:v30+s14+$0x0] =	vst.idx.msk $0xffff, v26;
	v26 =	vadd.s32 v32, v23  }
0x1f9: {  	v30 =	vor.u32 v33, v27;
	v28 =	vld.idx.msk [tilespmem:v28+s3+$0x0], $0xffff;
	v26 =	vand.u32 $0xFFFFFFF8, v26  }
0x1fa: {  	v32 =	vadd.s32 $0xCCA, v40;
	v26 =	vor.u32 v16, v26  }
0x1fb: {  	v33 =	vadd.s32 $0x29, v40;
	[tilespmem:v38+s14+$0x0] =	vst.idx.msk $0xffff, v35;
	v35 =	vadd.s32 v32, v25  }
0x1fc: {  	v38 =	vor.u32 v33, v63;
	v37 =	vld.idx.msk [tilespmem:v37+s3+$0x0], $0xffff;
	v35 =	vand.u32 $0xFFFFFFF8, v35  }
0x1fd: {  	v35 =	vor.u32 v17, v35  }
0x1fe: {  	[tilespmem:v30+s14+$0x0] =	vst.idx.msk $0xffff, v28;
	v28 =	vadd.s32 v32, v23  }
0x1ff: {  	v30 =	vor.u32 v33, v27;
	v26 =	vld.idx.msk [tilespmem:v26+s3+$0x0], $0xffff;
	v28 =	vand.u32 $0xFFFFFFF8, v28  }
0x200: {  	v32 =	vadd.s32 $0xCCB, v40;
	v28 =	vor.u32 v17, v28  }
0x201: {  	v33 =	vadd.s32 $0x2A, v40;
	[tilespmem:v38+s14+$0x0] =	vst.idx.msk $0xffff, v37;
	v37 =	vadd.s32 v32, v25  }
0x202: {  	v38 =	vor.u32 v33, v63;
	v35 =	vld.idx.msk [tilespmem:v35+s3+$0x0], $0xffff;
	v37 =	vand.u32 $0xFFFFFFF8, v37  }
0x203: {  	v37 =	vor.u32 v18, v37  }
0x204: {  	[tilespmem:v30+s14+$0x0] =	vst.idx.msk $0xffff, v26;
	v26 =	vadd.s32 v32, v23  }
0x205: {  	v30 =	vor.u32 v33, v27;
	v28 =	vld.idx.msk [tilespmem:v28+s3+$0x0], $0xffff;
	v26 =	vand.u32 $0xFFFFFFF8, v26  }
0x206: {  	v32 =	vadd.s32 $0xCCC, v40;
	v26 =	vor.u32 v18, v26  }
0x207: {  	v33 =	vadd.s32 $0x2B, v40;
	[tilespmem:v38+s14+$0x0] =	vst.idx.msk $0xffff, v35;
	v35 =	vadd.s32 v32, v25  }
0x208: {  	v38 =	vor.u32 v33, v63;
	v37 =	vld.idx.msk [tilespmem:v37+s3+$0x0], $0xffff;
	v35 =	vand.u32 $0xFFFFFFF8, v35  }
0x209: {  	v35 =	vor.u32 v45, v35  }
0x20a: {  	[tilespmem:v30+s14+$0x0] =	vst.idx.msk $0xffff, v28;
	v28 =	vadd.s32 v32, v23  }
0x20b: {  	v30 =	vor.u32 v33, v27;
	v26 =	vld.idx.msk [tilespmem:v26+s3+$0x0], $0xffff;
	v28 =	vand.u32 $0xFFFFFFF8, v28  }
0x20c: {  	v32 =	vadd.s32 $0xCCD, v40;
	v28 =	vor.u32 v45, v28  }
0x20d: {  	v33 =	vadd.s32 $0x2C, v40;
	[tilespmem:v38+s14+$0x0] =	vst.idx.msk $0xffff, v37;
	v37 =	vadd.s32 v32, v25  }
0x20e: {  	v38 =	vor.u32 v33, v63;
	v35 =	vld.idx.msk [tilespmem:v35+s3+$0x0], $0xffff;
	v37 =	vand.u32 $0xFFFFFFF8, v37  }
0x20f: {  	v37 =	vor.u32 v19, v37  }
0x210: {  	[tilespmem:v30+s14+$0x0] =	vst.idx.msk $0xffff, v26;
	v26 =	vadd.s32 v32, v23  }
0x211: {  	v30 =	vor.u32 v33, v27;
	v28 =	vld.idx.msk [tilespmem:v28+s3+$0x0], $0xffff;
	v26 =	vand.u32 $0xFFFFFFF8, v26  }
0x212: {  	v32 =	vadd.s32 $0xCCE, v40;
	v26 =	vor.u32 v19, v26  }
0x213: {  	v33 =	vadd.s32 $0x2D, v40;
	[tilespmem:v38+s14+$0x0] =	vst.idx.msk $0xffff, v35;
	v35 =	vadd.s32 v32, v25  }
0x214: {  	v38 =	vor.u32 v33, v63;
	v37 =	vld.idx.msk [tilespmem:v37+s3+$0x0], $0xffff;
	v35 =	vand.u32 $0xFFFFFFF8, v35  }
0x215: {  	v35 =	vor.u32 v20, v35  }
0x216: {  	[tilespmem:v30+s14+$0x0] =	vst.idx.msk $0xffff, v28;
	v28 =	vadd.s32 v32, v23  }
0x217: {  	v30 =	vor.u32 v33, v27;
	v26 =	vld.idx.msk [tilespmem:v26+s3+$0x0], $0xffff;
	v28 =	vand.u32 $0xFFFFFFF8, v28  }
0x218: {  	v32 =	vadd.s32 $0xCCF, v40;
	v28 =	vor.u32 v20, v28  }
0x219: {  	v33 =	vadd.s32 $0x2E, v40;
	[tilespmem:v38+s14+$0x0] =	vst.idx.msk $0xffff, v37;
	v37 =	vadd.s32 v32, v25  }
0x21a: {  	v38 =	vor.u32 v33, v63;
	v35 =	vld.idx.msk [tilespmem:v35+s3+$0x0], $0xffff;
	v37 =	vand.u32 $0xFFFFFFF8, v37  }
0x21b: {  	v37 =	vor.u32 v21, v37  }
0x21c: {  	[tilespmem:v30+s14+$0x0] =	vst.idx.msk $0xffff, v26;
	v26 =	vadd.s32 v32, v23  }
0x21d: {  	v30 =	vor.u32 v33, v27;
	v28 =	vld.idx.msk [tilespmem:v28+s3+$0x0], $0xffff;
	v26 =	vand.u32 $0xFFFFFFF8, v26  }
0x21e: {  	v32 =	vor.u32 $0xCD0, v40;
	v26 =	vor.u32 v21, v26  }
0x21f: {  	v33 =	vadd.s32 $0x2F, v40;
	[tilespmem:v38+s14+$0x0] =	vst.idx.msk $0xffff, v35;
	v35 =	vadd.s32 v32, v25  }
0x220: {  	v38 =	vor.u32 v33, v63;
	v37 =	vld.idx.msk [tilespmem:v37+s3+$0x0], $0xffff;
	v35 =	vand.u32 $0xFFFFFFF8, v35  }
0x221: {  	v35 =	vor.u32 v36, v35  }
0x222: {  	[tilespmem:v30+s14+$0x0] =	vst.idx.msk $0xffff, v28;
	v28 =	vadd.s32 v32, v23  }
0x223: {  	v30 =	vor.u32 v33, v27;
	v26 =	vld.idx.msk [tilespmem:v26+s3+$0x0], $0xffff;
	v28 =	vand.u32 $0xFFFFFFF8, v28  }
0x224: {  	v28 =	vor.u32 v36, v28  }
0x225: {  	v32 =	vor.u32 $0x30, v40;
	v33 =	vadd.s32 v41, v25;
	[tilespmem:v38+s14+$0x0] =	vst.idx.msk $0xffff, v37  }
0x226: {  	v33 =	vand.u32 $0xFFFFFFF8, v33;
	v37 =	vor.u32 v32, v63;
	v35 =	vld.idx.msk [tilespmem:v35+s3+$0x0], $0xffff  }
0x227: {  	v33 =	vor.u32 v16, v33  }
0x228: {  	[tilespmem:v30+s14+$0x0] =	vst.idx.msk $0xffff, v26;
	v26 =	vadd.s32 v41, v23  }
0x229: {  	v30 =	vor.u32 v32, v27;
	v32 =	vsel vm0, v55, v53;
	v28 =	vld.idx.msk [tilespmem:v28+s3+$0x0], $0xffff;
	v26 =	vand.u32 $0xFFFFFFF8, v26  }
0x22a: {  	v38 =	vcombine.low v49, v32;
	v26 =	vor.u32 v16, v26  }
0x22b: {  	v41 =	vadd.s32 v39, v25;
	[tilespmem:v37+s14+$0x0] =	vst.idx.msk $0xffff, v35  }
0x22c: {  	v37 =	vor.u32 v38, v63;
	v35 =	vand.u32 $0xFFFFFFF8, v41;
	v33 =	vld.idx.msk [tilespmem:v33+s3+$0x0], $0xffff  }
0x22d: {  	v35 =	vor.u32 v17, v35  }
0x22e: {  	[tilespmem:v30+s14+$0x0] =	vst.idx.msk $0xffff, v28  }
0x22f: {  	v28 =	vadd.s32 v39, v23;
	v30 =	vor.u32 v38, v27;
	v38 =	vsel vm0, v46, v44;
	v26 =	vld.idx.msk [tilespmem:v26+s3+$0x0], $0xffff  }
0x230: {  	v28 =	vand.u32 $0xFFFFFFF8, v28;
	v41 =	vcombine.low v57, v38  }
0x231: {  	v28 =	vor.u32 v17, v28;
	[tilespmem:v37+s14+$0x0] =	vst.idx.msk $0xffff, v33;
	v33 =	vadd.s32 v43, v25  }
0x232: {  	v57 =	vor.u32 v41, v63;
	v35 =	vld.idx.msk [tilespmem:v35+s3+$0x0], $0xffff;
	v33 =	vand.u32 $0xFFFFFFF8, v33  }
0x233: {  	v33 =	vor.u32 v18, v33  }
0x234: {  	[tilespmem:v30+s14+$0x0] =	vst.idx.msk $0xffff, v26  }
0x235: {  	v26 =	vadd.s32 v43, v23;
	v30 =	vor.u32 v41, v27;
	v41 =	vsel vm0, v54, v47  }
0x236: {  	v28 =	vld.idx.msk [tilespmem:v28+s3+$0x0], $0xffff;
	v26 =	vand.u32 $0xFFFFFFF8, v26;
	v42 =	vcombine.low v42, v41  }
0x237: {  	v26 =	vor.u32 v18, v26;
	[tilespmem:v57+s14+$0x0] =	vst.idx.msk $0xffff, v35;
	v57 =	vadd.s32 v48, v25  }
0x238: {  	v37 =	vor.u32 v42, v63;
	v33 =	vld.idx.msk [tilespmem:v33+s3+$0x0], $0xffff;
	v35 =	vand.u32 $0xFFFFFFF8, v57  }
0x239: {  	v35 =	vor.u32 v45, v35;
	_ =	sdelay $0x1  }
0x23a: {  	v34 =	vsel vm0, v56, v52;
	[tilespmem:v30+s14+$0x0] =	vst.idx.msk $0xffff, v28;
	v28 =	vadd.s32 v48, v23  }
0x23b: {  	v30 =	vor.u32 v42, v27;
	v42 =	vcombine.low v50, v34;
	v26 =	vld.idx.msk [tilespmem:v26+s3+$0x0], $0xffff;
	v28 =	vand.u32 $0xFFFFFFF8, v28  }
0x23c: {  	v28 =	vor.u32 v45, v28;
	[tilespmem:v37+s14+$0x0] =	vst.idx.msk $0xffff, v33  }
0x23d: {  	v57 =	vor.u32 v42, v63;
	v35 =	vld.idx.msk [tilespmem:v35+s3+$0x0], $0xffff;
	_ =	sdelay $0x2  }
0x23e: {  	[tilespmem:v30+s14+$0x0] =	vst.idx.msk $0xffff, v26  }
0x23f: {  	v28 =	vld.idx.msk [tilespmem:v28+s3+$0x0], $0xffff  }
0x240: {  	v30 =	vor.u32 v42, v27;
	[tilespmem:v57+s14+$0x0] =	vst.idx.msk $0xffff, v35;
	v57 =	vld [tilespmem:$0x1F9E0]  }
0x241: {  	v26 =	vadd.s32 v60, v23  }
0x242: {  	v11 =	vmov v29;
	v29 =	vmov v22;
	v26 =	vand.u32 $0xFFFFFFF8, v26  }
0x243: {  	v22 =	vmovc v58;
	v58 =	vmovc v48;
	v48 =	vmov v43;
	v50 =	vadd.s32 v60, v25;
	v26 =	vor.u32 v19, v26  }
0x244: {  	v43 =	vmovc v39;
	v42 =	vsel vm0, v53, v51;
	v60 =	vmovc v31;
	v31 =	vmov v51;
	v51 =	vsel vm0, v62, v55  }
0x245: {  	v39 =	vmov v49;
	v49 =	vcombine.low v42, v51;
	[tilespmem:v30+s14+$0x0] =	vst.idx.msk $0xffff, v28;
	v42 =	vadd.s32 v57, v25  }
0x246: {  	v33 =	vand.u32 $0xFFFFFFF8, v50;
	v28 =	vadd.s32 v57, v23;
	v57 =	vsel vm0, v44, v8;
	v44 =	vmovc v7;
	v7 =	vmovc v0;
	v0 =	vld [tilespmem:$0x1F9F0]  }
0x247: {  	v33 =	vor.u32 v19, v33  }
0x248: {  	v30 =	vor.u32 v49, v27;
	v26 =	vld.idx.msk [tilespmem:v26+s3+$0x0], $0xffff;
	v28 =	vand.u32 $0xFFFFFFF8, v28  }
0x249: {  	v28 =	vor.u32 v20, v28  }
0x24a: {  	v14 =	vmov v5  }
0x24b: {  	v5 =	vmovc v55;
	v50 =	vmovc v9;
	v9 =	vmov v1;
	v55 =	vmov v53;
	v1 =	vld [tilespmem:$0x1FA00];
	v53 =	vsel vm0, v0, v46  }
0x24c: {  	v37 =	vor.u32 v49, v63;
	v33 =	vld.idx.msk [tilespmem:v33+s3+$0x0], $0xffff;
	v35 =	vand.u32 $0xFFFFFFF8, v42;
	v49 =	vcombine.low v57, v53  }
0x24d: {  	v10 =	vmov v2;
	v2 =	vld [tilespmem:$0x1FA20];
	[tilespmem:v30+s14+$0x0] =	vst.idx.msk $0xffff, v26;
	v35 =	vor.u32 v20, v35  }
0x24e: {  	v28 =	vld.idx.msk [tilespmem:v28+s3+$0x0], $0xffff;
	v30 =	vor.u32 v49, v27;
	_ =	sdelay $0x2  }
0x24f: {  	[tilespmem:v37+s14+$0x0] =	vst.idx.msk $0xffff, v33;
	v26 =	vadd.s32 v1, v23;
	v57 =	vadd.s32 v1, v25;
	v1 =	vld [tilespmem:$0x1FA10]  }
0x250: {  	v35 =	vld.idx.msk [tilespmem:v35+s3+$0x0], $0xffff;
	v37 =	vor.u32 v49, v63  }
0x251: {  	v33 =	vand.u32 $0xFFFFFFF8, v57;
	v57 =	vadd.s32 v2, v25;
	[tilespmem:v30+s14+$0x0] =	vst.idx.msk $0xffff, v28;
	v28 =	vadd.s32 v2, v23;
	v2 =	vld [tilespmem:$0x1FA70]  }
0x252: {  	v33 =	vor.u32 v21, v33  }
0x253: {  	v13 =	vmov v4;
	v4 =	vmov v24  }
0x254: {  	v42 =	vsel vm0, v47, v59;
	v47 =	vmovc v46;
	v26 =	vand.u32 $0xFFFFFFF8, v26;
	v46 =	vmovc v59;
	v59 =	vsel vm0, v1, v54  }
0x255: {  	v24 =	vmov v56;
	v26 =	vor.u32 v21, v26;
	v49 =	vcombine.low v42, v59;
	[tilespmem:v37+s14+$0x0] =	vst.idx.msk $0xffff, v35  }
0x256: {  	v35 =	vand.u32 $0xFFFFFFF8, v57;
	v57 =	vsel vm0, v52, v61;
	v42 =	vsel vm0, v2, v56;
	v56 =	vmovc v54;
	v54 =	vmovc v61;
	v61 =	vld [tilespmem:$0x1FA30]  }
0x257: {  	v33 =	vld.idx.msk [tilespmem:v33+s3+$0x0], $0xffff;
	v37 =	vor.u32 v49, v63;
	_ =	sdelay $0x2  }
0x258: {  	v35 =	vor.u32 v36, v35;
	v26 =	vld.idx.msk [tilespmem:v26+s3+$0x0], $0xffff;
	v30 =	vor.u32 v49, v27;
	v28 =	vand.u32 $0xFFFFFFF8, v28  }
0x259: {  	v28 =	vor.u32 v36, v28;
	v49 =	vcombine.low v57, v42;
	v42 =	vadd.s32 v61, v25  }
0x25a: {  	[tilespmem:v37+s14+$0x0] =	vst.idx.msk $0xffff, v33;
	v33 =	vand.u32 $0xFFFFFFF8, v42;
	v42 =	vld [tilespmem:$0x1FAA0];
	_ =	sdelay $0x2  }
0x25b: {  	[tilespmem:v30+s14+$0x0] =	vst.idx.msk $0xffff, v26;
	v35 =	vld.idx.msk [tilespmem:v35+s3+$0x0], $0xffff;
	v57 =	vor.u32 v49, v63;
	v26 =	vadd.s32 v61, v23  }
0x25c: {  	v28 =	vld.idx.msk [tilespmem:v28+s3+$0x0], $0xffff;
	v30 =	vor.u32 v49, v27;
	v26 =	vand.u32 $0xFFFFFFF8, v26  }
0x25d: {  	v26 =	vor.u32 v16, v26;
	v49 =	vsel vm0, v42, v62  }
0x25e: {  	v32 =	vcombine.low v32, v49;
	v49 =	vld [tilespmem:$0x1FAD0];
	_ =	sdelay $0x1  }
0x25f: {  	[tilespmem:v57+s14+$0x0] =	vst.idx.msk $0xffff, v35;
	v57 =	vld [tilespmem:$0x1FA40]  }
0x260: {  	[tilespmem:v30+s14+$0x0] =	vst.idx.msk $0xffff, v28  }
0x261: {  	v33 =	vor.u32 v16, v33;
	v26 =	vld.idx.msk [tilespmem:v26+s3+$0x0], $0xffff  }
0x262: {  	v42 =	vor.u32 v32, v63;
	v30 =	vor.u32 v32, v27;
	v32 =	vsel vm0, v49, v0;
	v0 =	vld [tilespmem:$0x1FA50];
	_ =	sdelay $0x1  }
0x263: {  	v28 =	vadd.s32 v57, v23  }
0x264: {  	v28 =	vand.u32 $0xFFFFFFF8, v28  }
0x265: {  	v33 =	vld.idx.msk [tilespmem:v33+s3+$0x0], $0xffff;
	v61 =	vadd.s32 v57, v25;
	v28 =	vor.u32 v17, v28  }
0x266: {  	[tilespmem:v30+s14+$0x0] =	vst.idx.msk $0xffff, v26;
	v57 =	vadd.s32 v0, v25;
	v26 =	vadd.s32 v0, v23;
	v0 =	vld [tilespmem:$0x1FB00];
	_ =	sdelay $0x2  }
0x267: {  	v35 =	vand.u32 $0xFFFFFFF8, v61;
	v32 =	vcombine.low v38, v32  }
0x268: {  	v35 =	vor.u32 v17, v35;
	v28 =	vld.idx.msk [tilespmem:v28+s3+$0x0], $0xffff  }
0x269: {  	[tilespmem:v42+s14+$0x0] =	vst.idx.msk $0xffff, v33;
	v30 =	vor.u32 v32, v27;
	v42 =	vsel vm0, v0, v1;
	v0 =	vld [tilespmem:$0x1FA60];
	_ =	sdelay $0x2  }
0x26a: {  	v26 =	vand.u32 $0xFFFFFFF8, v26  }
0x26b: {  	v35 =	vld.idx.msk [tilespmem:v35+s3+$0x0], $0xffff;
	v61 =	vor.u32 v32, v63;
	v26 =	vor.u32 v18, v26  }
0x26c: {  	[tilespmem:v30+s14+$0x0] =	vst.idx.msk $0xffff, v28;
	v49 =	vadd.s32 v0, v25;
	v28 =	vadd.s32 v0, v23;
	v0 =	vld [tilespmem:$0x1FA80];
	_ =	sdelay $0x2  }
0x26d: {  	v32 =	vcombine.low v41, v42  }
0x26e: {  	v26 =	vld.idx.msk [tilespmem:v26+s3+$0x0], $0xffff  }
0x26f: {  	[tilespmem:v61+s14+$0x0] =	vst.idx.msk $0xffff, v35;
	v30 =	vor.u32 v32, v27;
	v61 =	vcombine.low v34, v0;
	v0 =	vld [tilespmem:$0x1FA90]  }
0x270: {  	v33 =	vand.u32 $0xFFFFFFF8, v57  }
0x271: {  	v33 =	vor.u32 v18, v33  }
0x272: {  	v28 =	vand.u32 $0xFFFFFFF8, v28  }
0x273: {  	v28 =	vor.u32 v45, v28  }
0x274: {  	[tilespmem:v30+s14+$0x0] =	vst.idx.msk $0xffff, v26;
	v37 =	vadd.s32 v0, v25;
	v26 =	vadd.s32 v0, v23;
	v0 =	vld [tilespmem:$0x1FAB0];
	_ =	sdelay $0x1  }
0x275: {  	v33 =	vld.idx.msk [tilespmem:v33+s3+$0x0], $0xffff;
	v57 =	vor.u32 v32, v63;
	v35 =	vand.u32 $0xFFFFFFF8, v49  }
0x276: {  	v35 =	vor.u32 v45, v35  }
0x277: {  	v28 =	vld.idx.msk [tilespmem:v28+s3+$0x0], $0xffff  }
0x278: {  	v30 =	vor.u32 v61, v27;
	v42 =	vcombine.low v51, v0;
	v0 =	vld [tilespmem:$0x1FAC0];
	_ =	sdelay $0x1  }
0x279: {  	[tilespmem:v57+s14+$0x0] =	vst.idx.msk $0xffff, v33  }
0x27a: {  	v38 =	vld.idx.msk [tilespmem:v35+s3+$0x0], $0xffff;
	v41 =	vor.u32 v61, v63;
	v33 =	vand.u32 $0xFFFFFFF8, v37  }
0x27b: {  	v33 =	vor.u32 v19, v33  }
0x27c: {  	[tilespmem:v30+s14+$0x0] =	vst.idx.msk $0xffff, v28;
	v49 =	vadd.s32 v0, v25;
	v28 =	vadd.s32 v0, v23;
	v0 =	vld [tilespmem:$0x1FAE0]  }
0x27d: {  	v26 =	vand.u32 $0xFFFFFFF8, v26  }
0x27e: {  	v26 =	vor.u32 v19, v26  }
0x27f: {  	[tilespmem:v41+s14+$0x0] =	vst.idx.msk $0xffff, v38  }
0x280: {  	v33 =	vld.idx.msk [tilespmem:v33+s3+$0x0], $0xffff  }
0x281: {  	v51 =	vor.u32 v42, v63;
	v34 =	vand.u32 $0xFFFFFFF8, v49;
	v53 =	vcombine.low v53, v0;
	v0 =	vld [tilespmem:$0x1FAF0]  }
0x282: {  	v34 =	vor.u32 v20, v34  }
0x283: {  	v26 =	vld.idx.msk [tilespmem:v26+s3+$0x0], $0xffff;
	v30 =	vor.u32 v42, v27;
	v28 =	vand.u32 $0xFFFFFFF8, v28  }
0x284: {  	v28 =	vor.u32 v20, v28;
	_ =	sdelay $0x1  }
0x285: {  	[tilespmem:v51+s14+$0x0] =	vst.idx.msk $0xffff, v33;
	v25 =	vadd.s32 v0, v25;
	v23 =	vadd.s32 v0, v23;
	v0 =	vld [tilespmem:$0x1FB10]  }
0x286: {  	v33 =	vld.idx.msk [tilespmem:v34+s3+$0x0], $0xffff;
	v57 =	vor.u32 v53, v63;
	v25 =	vand.u32 $0xFFFFFFF8, v25  }
0x287: {  	[tilespmem:v30+s14+$0x0] =	vst.idx.msk $0xffff, v26;
	v25 =	vor.u32 v21, v25  }
0x288: {  	v26 =	vld.idx.msk [tilespmem:v28+s3+$0x0], $0xffff;
	v28 =	vor.u32 v53, v27;
	v23 =	vand.u32 $0xFFFFFFF8, v23  }
0x289: {  	v23 =	vor.u32 v21, v23  }
0x28a: {  	v30 =	vcombine.low v59, v0  }
0x28b: {  	[tilespmem:v57+s14+$0x0] =	vst.idx.msk $0xffff, v33  }
0x28c: {  	v25 =	vld.idx.msk [tilespmem:v25+s3+$0x0], $0xffff;
	v61 =	vor.u32 v30, v63  }
0x28d: {  	[tilespmem:v28+s14+$0x0] =	vst.idx.msk $0xffff, v26  }
0x28e: {  	v23 =	vld.idx.msk [tilespmem:v23+s3+$0x0], $0xffff;
	v26 =	vor.u32 v30, v27;
	_ =	sdelay $0x2  }
0x28f: {  	[tilespmem:v61+s14+$0x0] =	vst.idx.msk $0xffff, v25  }
0x290: {  	v25 =	vld [tilespmem:s18+$0x1F0]  }
0x291: {  	[tilespmem:v26+s14+$0x0] =	vst.idx.msk $0xffff, v23  }
0x292: {  	v26 =	vld [tilespmem:s18+$0x200];
	_ =	sdelay $0x2  }
0x293: {  	v28 =	vor.u32 $0xF80, v40;
	v23 =	vshll.u32 v25, $0x5  }
0x294: {  	v25 =	vadd.s32 v28, v23  }
0x295: {  	v30 =	vand.u32 $0xFFFFFFE8, v25;
	v25 =	vshll.u32 v26, $0x5  }
0x296: {  	v28 =	vadd.s32 v28, v25  }
0x297: {  	v26 =	vor.u32 v36, v30;
	v28 =	vand.u32 $0xFFFFFFE8, v28  }
0x298: {  	v28 =	vor.u32 v36, v28;
	_ =	sdelay $0x1  }
0x299: {  	v30 =	vadd.s32 $0xF81, v40  }
0x29a: {  	v37 =	vor.u32 $0x40, v40;
	v38 =	vadd.s32 v30, v23  }
0x29b: {  	v41 =	vor.u32 v37, v63;
	v30 =	vadd.s32 v30, v25;
	v33 =	vand.u32 $0xFFFFFFF8, v38;
	v26 =	vld.idx.msk [tilespmem:v26+s3+$0x0], $0xffff  }
0x29c: {  	v32 =	vor.u32 v37, v27;
	v30 =	vand.u32 $0xFFFFFFF8, v30;
	v33 =	vor.u32 v16, v33;
	v28 =	vld.idx.msk [tilespmem:v28+s3+$0x0], $0xffff  }
0x29d: {  	v30 =	vor.u32 v16, v30  }
0x29e: {  	v42 =	vadd.s32 $0xF82, v40  }
0x29f: {  	v49 =	vadd.s32 v42, v23  }
0x2a0: {  	v34 =	vand.u32 $0xFFFFFFF8, v49;
	[tilespmem:v41+s14+$0x0] =	vst.idx.msk $0xffff, v26;
	v26 =	vadd.s32 $0x41, v40  }
0x2a1: {  	v33 =	vld.idx.msk [tilespmem:v33+s3+$0x0], $0xffff;
	v51 =	vor.u32 v26, v63;
	[tilespmem:v32+s14+$0x0] =	vst.idx.msk $0xffff, v28;
	v28 =	vadd.s32 v42, v25  }
0x2a2: {  	v34 =	vor.u32 v17, v34;
	v26 =	vor.u32 v26, v27;
	v30 =	vld.idx.msk [tilespmem:v30+s3+$0x0], $0xffff;
	v28 =	vand.u32 $0xFFFFFFF8, v28  }
0x2a3: {  	v28 =	vor.u32 v17, v28;
	_ =	sdelay $0x1  }
0x2a4: {  	v53 =	vadd.s32 $0xF83, v40;
	v57 =	vadd.s32 $0x42, v40  }
0x2a5: {  	v61 =	vor.u32 v57, v63;
	v59 =	vadd.s32 v53, v23;
	[tilespmem:v51+s14+$0x0] =	vst.idx.msk $0xffff, v33  }
0x2a6: {  	v35 =	vand.u32 $0xFFFFFFF8, v59;
	v34 =	vld.idx.msk [tilespmem:v34+s3+$0x0], $0xffff;
	[tilespmem:v26+s14+$0x0] =	vst.idx.msk $0xffff, v30;
	v26 =	vadd.s32 v53, v25  }
0x2a7: {  	v35 =	vor.u32 v18, v35;
	v30 =	vor.u32 v57, v27;
	v28 =	vld.idx.msk [tilespmem:v28+s3+$0x0], $0xffff;
	v26 =	vand.u32 $0xFFFFFFF8, v26  }
0x2a8: {  	v26 =	vor.u32 v18, v26;
	_ =	sdelay $0x1  }
0x2a9: {  	v41 =	vadd.s32 $0xF84, v40;
	v42 =	vadd.s32 $0x43, v40  }
0x2aa: {  	v49 =	vadd.s32 v41, v23;
	v51 =	vor.u32 v42, v63;
	[tilespmem:v61+s14+$0x0] =	vst.idx.msk $0xffff, v34  }
0x2ab: {  	v34 =	vand.u32 $0xFFFFFFF8, v49;
	v35 =	vld.idx.msk [tilespmem:v35+s3+$0x0], $0xffff;
	[tilespmem:v30+s14+$0x0] =	vst.idx.msk $0xffff, v28;
	v28 =	vadd.s32 v41, v25  }
0x2ac: {  	v34 =	vor.u32 v45, v34;
	v30 =	vor.u32 v42, v27;
	v26 =	vld.idx.msk [tilespmem:v26+s3+$0x0], $0xffff;
	v28 =	vand.u32 $0xFFFFFFF8, v28  }
0x2ad: {  	v28 =	vor.u32 v45, v28;
	_ =	sdelay $0x1  }
0x2ae: {  	v53 =	vadd.s32 $0xF85, v40;
	v57 =	vadd.s32 $0x44, v40  }
0x2af: {  	v59 =	vadd.s32 v53, v23;
	v61 =	vor.u32 v57, v63;
	[tilespmem:v51+s14+$0x0] =	vst.idx.msk $0xffff, v35  }
0x2b0: {  	v35 =	vand.u32 $0xFFFFFFF8, v59;
	v34 =	vld.idx.msk [tilespmem:v34+s3+$0x0], $0xffff;
	[tilespmem:v30+s14+$0x0] =	vst.idx.msk $0xffff, v26;
	v26 =	vadd.s32 v53, v25  }
0x2b1: {  	v35 =	vor.u32 v19, v35;
	v30 =	vor.u32 v57, v27;
	v28 =	vld.idx.msk [tilespmem:v28+s3+$0x0], $0xffff;
	v26 =	vand.u32 $0xFFFFFFF8, v26  }
0x2b2: {  	v26 =	vor.u32 v19, v26;
	_ =	sdelay $0x1  }
0x2b3: {  	v41 =	vadd.s32 $0xF86, v40;
	v42 =	vadd.s32 $0x45, v40  }
0x2b4: {  	v49 =	vadd.s32 v41, v23;
	v51 =	vor.u32 v42, v63;
	[tilespmem:v61+s14+$0x0] =	vst.idx.msk $0xffff, v34  }
0x2b5: {  	v34 =	vand.u32 $0xFFFFFFF8, v49;
	v35 =	vld.idx.msk [tilespmem:v35+s3+$0x0], $0xffff;
	[tilespmem:v30+s14+$0x0] =	vst.idx.msk $0xffff, v28;
	v28 =	vadd.s32 v41, v25  }
0x2b6: {  	v34 =	vor.u32 v20, v34;
	v30 =	vor.u32 v42, v27;
	v26 =	vld.idx.msk [tilespmem:v26+s3+$0x0], $0xffff;
	v28 =	vand.u32 $0xFFFFFFF8, v28  }
0x2b7: {  	v28 =	vor.u32 v20, v28;
	_ =	sdelay $0x1  }
0x2b8: {  	v53 =	vadd.s32 $0xF87, v40;
	v57 =	vadd.s32 $0x46, v40  }
0x2b9: {  	v59 =	vadd.s32 v53, v23;
	v61 =	vor.u32 v57, v63;
	[tilespmem:v51+s14+$0x0] =	vst.idx.msk $0xffff, v35  }
0x2ba: {  	v35 =	vand.u32 $0xFFFFFFF8, v59;
	v34 =	vld.idx.msk [tilespmem:v34+s3+$0x0], $0xffff;
	[tilespmem:v30+s14+$0x0] =	vst.idx.msk $0xffff, v26;
	v26 =	vadd.s32 v53, v25  }
0x2bb: {  	v35 =	vor.u32 v21, v35;
	v30 =	vor.u32 v57, v27;
	v28 =	vld.idx.msk [tilespmem:v28+s3+$0x0], $0xffff;
	v26 =	vand.u32 $0xFFFFFFF8, v26  }
0x2bc: {  	v26 =	vor.u32 v21, v26;
	_ =	sdelay $0x1  }
0x2bd: {  	v41 =	vadd.s32 $0xF88, v40;
	v42 =	vadd.s32 $0x47, v40  }
0x2be: {  	v49 =	vadd.s32 v41, v23;
	v51 =	vor.u32 v42, v63;
	[tilespmem:v61+s14+$0x0] =	vst.idx.msk $0xffff, v34  }
0x2bf: {  	v34 =	vand.u32 $0xFFFFFFF8, v49;
	v35 =	vld.idx.msk [tilespmem:v35+s3+$0x0], $0xffff;
	[tilespmem:v30+s14+$0x0] =	vst.idx.msk $0xffff, v28;
	v28 =	vadd.s32 v41, v25  }
0x2c0: {  	v34 =	vor.u32 v36, v34;
	v30 =	vor.u32 v42, v27;
	v26 =	vld.idx.msk [tilespmem:v26+s3+$0x0], $0xffff;
	v28 =	vand.u32 $0xFFFFFFF8, v28  }
0x2c1: {  	v28 =	vor.u32 v36, v28;
	_ =	sdelay $0x1  }
0x2c2: {  	v53 =	vadd.s32 $0xF89, v40;
	v57 =	vadd.s32 $0x48, v40  }
0x2c3: {  	v59 =	vadd.s32 v53, v23;
	v61 =	vor.u32 v57, v63;
	[tilespmem:v51+s14+$0x0] =	vst.idx.msk $0xffff, v35  }
0x2c4: {  	v35 =	vand.u32 $0xFFFFFFF8, v59;
	v34 =	vld.idx.msk [tilespmem:v34+s3+$0x0], $0xffff;
	[tilespmem:v30+s14+$0x0] =	vst.idx.msk $0xffff, v26;
	v26 =	vadd.s32 v53, v25  }
0x2c5: {  	v35 =	vor.u32 v16, v35;
	v30 =	vor.u32 v57, v27;
	v28 =	vld.idx.msk [tilespmem:v28+s3+$0x0], $0xffff;
	v26 =	vand.u32 $0xFFFFFFF8, v26  }
0x2c6: {  	v26 =	vor.u32 v16, v26;
	_ =	sdelay $0x1  }
0x2c7: {  	v41 =	vadd.s32 $0xF8A, v40;
	v42 =	vadd.s32 $0x49, v40  }
0x2c8: {  	v49 =	vadd.s32 v41, v23;
	v51 =	vor.u32 v42, v63;
	[tilespmem:v61+s14+$0x0] =	vst.idx.msk $0xffff, v34  }
0x2c9: {  	v34 =	vand.u32 $0xFFFFFFF8, v49;
	v35 =	vld.idx.msk [tilespmem:v35+s3+$0x0], $0xffff;
	[tilespmem:v30+s14+$0x0] =	vst.idx.msk $0xffff, v28;
	v28 =	vadd.s32 v41, v25  }
0x2ca: {  	v34 =	vor.u32 v17, v34;
	v30 =	vor.u32 v42, v27;
	v26 =	vld.idx.msk [tilespmem:v26+s3+$0x0], $0xffff;
	v28 =	vand.u32 $0xFFFFFFF8, v28  }
0x2cb: {  	v28 =	vor.u32 v17, v28;
	_ =	sdelay $0x1  }
0x2cc: {  	v53 =	vadd.s32 $0xF8B, v40;
	v57 =	vadd.s32 $0x4A, v40  }
0x2cd: {  	v59 =	vadd.s32 v53, v23;
	v61 =	vor.u32 v57, v63;
	[tilespmem:v51+s14+$0x0] =	vst.idx.msk $0xffff, v35  }
0x2ce: {  	v35 =	vand.u32 $0xFFFFFFF8, v59;
	v34 =	vld.idx.msk [tilespmem:v34+s3+$0x0], $0xffff;
	[tilespmem:v30+s14+$0x0] =	vst.idx.msk $0xffff, v26;
	v26 =	vadd.s32 v53, v25  }
0x2cf: {  	v35 =	vor.u32 v18, v35;
	v30 =	vor.u32 v57, v27;
	v28 =	vld.idx.msk [tilespmem:v28+s3+$0x0], $0xffff;
	v26 =	vand.u32 $0xFFFFFFF8, v26  }
0x2d0: {  	v26 =	vor.u32 v18, v26;
	_ =	sdelay $0x1  }
0x2d1: {  	v41 =	vadd.s32 $0xF8C, v40;
	v42 =	vadd.s32 $0x4B, v40  }
0x2d2: {  	v49 =	vadd.s32 v41, v23;
	v51 =	vor.u32 v42, v63;
	[tilespmem:v61+s14+$0x0] =	vst.idx.msk $0xffff, v34  }
0x2d3: {  	v34 =	vand.u32 $0xFFFFFFF8, v49;
	v35 =	vld.idx.msk [tilespmem:v35+s3+$0x0], $0xffff;
	[tilespmem:v30+s14+$0x0] =	vst.idx.msk $0xffff, v28;
	v28 =	vadd.s32 v41, v25  }
0x2d4: {  	v34 =	vor.u32 v45, v34;
	v30 =	vor.u32 v42, v27;
	v26 =	vld.idx.msk [tilespmem:v26+s3+$0x0], $0xffff;
	v28 =	vand.u32 $0xFFFFFFF8, v28  }
0x2d5: {  	v28 =	vor.u32 v45, v28;
	_ =	sdelay $0x1  }
0x2d6: {  	v53 =	vadd.s32 $0xF8D, v40;
	v57 =	vadd.s32 $0x4C, v40  }
0x2d7: {  	v59 =	vadd.s32 v53, v23;
	v61 =	vor.u32 v57, v63;
	[tilespmem:v51+s14+$0x0] =	vst.idx.msk $0xffff, v35  }
0x2d8: {  	v35 =	vand.u32 $0xFFFFFFF8, v59;
	v34 =	vld.idx.msk [tilespmem:v34+s3+$0x0], $0xffff;
	[tilespmem:v30+s14+$0x0] =	vst.idx.msk $0xffff, v26;
	v26 =	vadd.s32 v53, v25  }
0x2d9: {  	v35 =	vor.u32 v19, v35;
	v30 =	vor.u32 v57, v27;
	v28 =	vld.idx.msk [tilespmem:v28+s3+$0x0], $0xffff;
	v26 =	vand.u32 $0xFFFFFFF8, v26  }
0x2da: {  	v26 =	vor.u32 v19, v26;
	_ =	sdelay $0x1  }
0x2db: {  	v41 =	vadd.s32 $0xF8E, v40;
	v42 =	vadd.s32 $0x4D, v40  }
0x2dc: {  	v49 =	vadd.s32 v41, v23;
	v51 =	vor.u32 v42, v63;
	[tilespmem:v61+s14+$0x0] =	vst.idx.msk $0xffff, v34  }
0x2dd: {  	v34 =	vand.u32 $0xFFFFFFF8, v49;
	v35 =	vld.idx.msk [tilespmem:v35+s3+$0x0], $0xffff;
	[tilespmem:v30+s14+$0x0] =	vst.idx.msk $0xffff, v28;
	v28 =	vadd.s32 v41, v25  }
0x2de: {  	v34 =	vor.u32 v20, v34;
	v30 =	vor.u32 v42, v27;
	v26 =	vld.idx.msk [tilespmem:v26+s3+$0x0], $0xffff;
	v28 =	vand.u32 $0xFFFFFFF8, v28  }
0x2df: {  	v28 =	vor.u32 v20, v28;
	_ =	sdelay $0x1  }
0x2e0: {  	v53 =	vadd.s32 $0xF8F, v40;
	v57 =	vadd.s32 $0x4E, v40  }
0x2e1: {  	v59 =	vadd.s32 v53, v23;
	v61 =	vor.u32 v57, v63;
	[tilespmem:v51+s14+$0x0] =	vst.idx.msk $0xffff, v35  }
0x2e2: {  	v35 =	vand.u32 $0xFFFFFFF8, v59;
	v34 =	vld.idx.msk [tilespmem:v34+s3+$0x0], $0xffff;
	[tilespmem:v30+s14+$0x0] =	vst.idx.msk $0xffff, v26;
	v26 =	vadd.s32 v53, v25  }
0x2e3: {  	v35 =	vor.u32 v21, v35;
	v30 =	vor.u32 v57, v27;
	v28 =	vld.idx.msk [tilespmem:v28+s3+$0x0], $0xffff;
	v26 =	vand.u32 $0xFFFFFFF8, v26  }
0x2e4: {  	v26 =	vor.u32 v21, v26;
	_ =	sdelay $0x2  }
0x2e5: {  	v0 =	vld [tilespmem:$0x1FB20];
	v42 =	vadd.s32 $0x4F, v40;
	[tilespmem:v61+s14+$0x0] =	vst.idx.msk $0xffff, v34  }
0x2e6: {  	v51 =	vor.u32 v42, v63;
	v35 =	vld.idx.msk [tilespmem:v35+s3+$0x0], $0xffff;
	[tilespmem:v30+s14+$0x0] =	vst.idx.msk $0xffff, v28  }
0x2e7: {  	v41 =	vor.u32 $0xF90, v40;
	v30 =	vor.u32 v42, v27;
	v26 =	vld.idx.msk [tilespmem:v26+s3+$0x0], $0xffff  }
0x2e8: {  	v49 =	vadd.s32 v41, v23  }
0x2e9: {  	v34 =	vand.u32 $0xFFFFFFF8, v49;
	v28 =	vadd.s32 v41, v25  }
0x2ea: {  	v1 =	vld [tilespmem:$0x1FB50];
	v34 =	vor.u32 v36, v34;
	v28 =	vand.u32 $0xFFFFFFF8, v28  }
0x2eb: {  	v28 =	vor.u32 v36, v28;
	[tilespmem:v51+s14+$0x0] =	vst.idx.msk $0xffff, v35;
	v51 =	vld [tilespmem:$0x1FB60]  }
0x2ec: {  	v57 =	vadd.s32 v0, v23;
	[tilespmem:v30+s14+$0x0] =	vst.idx.msk $0xffff, v26;
	v26 =	vadd.s32 v0, v25;
	v0 =	vld [tilespmem:$0x1FB40];
	_ =	sdelay $0x2  }
0x2ed: {  	v53 =	vor.u32 $0x50, v40;
	v34 =	vld.idx.msk [tilespmem:v34+s3+$0x0], $0xffff  }
0x2ee: {  	v59 =	vor.u32 v53, v63;
	v28 =	vld.idx.msk [tilespmem:v28+s3+$0x0], $0xffff;
	v32 =	vsel vm0, v51, v1  }
0x2ef: {  	v30 =	vor.u32 v53, v27;
	v61 =	vcombine.low v0, v32;
	v0 =	vld [tilespmem:$0x1FB70];
	_ =	sdelay $0x2  }
0x2f0: {  	v53 =	vld [tilespmem:$0x1FBA0];
	v26 =	vand.u32 $0xFFFFFFF8, v26  }
0x2f1: {  	v26 =	vor.u32 v16, v26;
	[tilespmem:v59+s14+$0x0] =	vst.idx.msk $0xffff, v34;
	v59 =	vld [tilespmem:$0x1FBB0]  }
0x2f2: {  	[tilespmem:v30+s14+$0x0] =	vst.idx.msk $0xffff, v28;
	v38 =	vadd.s32 v0, v23;
	v28 =	vadd.s32 v0, v25;
	v0 =	vld [tilespmem:$0x1FB90];
	_ =	sdelay $0x1  }
0x2f3: {  	v33 =	vand.u32 $0xFFFFFFF8, v57  }
0x2f4: {  	v33 =	vor.u32 v16, v33  }
0x2f5: {  	v26 =	vld.idx.msk [tilespmem:v26+s3+$0x0], $0xffff;
	v37 =	vsel vm0, v59, v53  }
0x2f6: {  	v30 =	vor.u32 v61, v27;
	v42 =	vcombine.low v0, v37;
	v0 =	vld [tilespmem:$0x1FBC0];
	_ =	sdelay $0x1  }
0x2f7: {  	v2 =	vld [tilespmem:$0x1FC00]  }
0x2f8: {  	v33 =	vld.idx.msk [tilespmem:v33+s3+$0x0], $0xffff;
	v28 =	vand.u32 $0xFFFFFFF8, v28  }
0x2f9: {  	v41 =	vor.u32 v61, v63;
	v61 =	vld [tilespmem:$0x1FBF0];
	v28 =	vor.u32 v17, v28  }
0x2fa: {  	[tilespmem:v30+s14+$0x0] =	vst.idx.msk $0xffff, v26;
	v49 =	vadd.s32 v0, v23;
	v26 =	vadd.s32 v0, v25;
	v0 =	vld [tilespmem:$0x1FBE0];
	_ =	sdelay $0x1  }
0x2fb: {  	v34 =	vand.u32 $0xFFFFFFF8, v38  }
0x2fc: {  	v34 =	vor.u32 v17, v34  }
0x2fd: {  	v38 =	vsel vm0, v2, v61;
	v28 =	vld.idx.msk [tilespmem:v28+s3+$0x0], $0xffff  }
0x2fe: {  	[tilespmem:v41+s14+$0x0] =	vst.idx.msk $0xffff, v33;
	v30 =	vor.u32 v42, v27;
	v41 =	vcombine.low v0, v38;
	v0 =	vld [tilespmem:$0x1FC10];
	_ =	sdelay $0x1  }
0x2ff: {  	v12 =	vmov v3;
	v3 =	vld [tilespmem:$0x1FC40]  }
0x300: {  	v34 =	vld.idx.msk [tilespmem:v34+s3+$0x0], $0xffff;
	v57 =	vor.u32 v42, v63;
	v26 =	vand.u32 $0xFFFFFFF8, v26  }
0x301: {  	v15 =	vmov v6;
	v6 =	vmov v8;
	v8 =	vld [tilespmem:$0x1FCB0];
	v26 =	vor.u32 v18, v26  }
0x302: {  	v33 =	vand.u32 $0xFFFFFFF8, v49;
	[tilespmem:v30+s14+$0x0] =	vst.idx.msk $0xffff, v28;
	v49 =	vadd.s32 v0, v23;
	v28 =	vadd.s32 v0, v25;
	v0 =	vld [tilespmem:$0x1FC30];
	_ =	sdelay $0x1  }
0x303: {  	v33 =	vor.u32 v18, v33  }
0x304: {  	[tilespmem:v57+s14+$0x0] =	vst.idx.msk $0xffff, v34  }
0x305: {  	v57 =	vor.u32 v41, v63;
	v26 =	vld.idx.msk [tilespmem:v26+s3+$0x0], $0xffff;
	v30 =	vor.u32 v41, v27;
	v41 =	vsel vm0, v8, v3  }
0x306: {  	v34 =	vand.u32 $0xFFFFFFF8, v49;
	v49 =	vcombine.low v0, v41;
	v0 =	vld [tilespmem:$0x1FC50];
	_ =	sdelay $0x1  }
0x307: {  	v33 =	vld.idx.msk [tilespmem:v33+s3+$0x0], $0xffff  }
0x308: {  	v28 =	vand.u32 $0xFFFFFFF8, v28;
	v34 =	vor.u32 v45, v34  }
0x309: {  	v28 =	vor.u32 v45, v28  }
0x30a: {  	[tilespmem:v30+s14+$0x0] =	vst.idx.msk $0xffff, v26;
	v42 =	vadd.s32 v0, v23;
	v26 =	vadd.s32 v0, v25;
	v0 =	vld [tilespmem:$0x1FB30];
	_ =	sdelay $0x1  }
0x30b: {  	[tilespmem:v57+s14+$0x0] =	vst.idx.msk $0xffff, v33  }
0x30c: {  	v34 =	vld.idx.msk [tilespmem:v34+s3+$0x0], $0xffff  }
0x30d: {  	v57 =	vor.u32 v49, v63;
	v28 =	vld.idx.msk [tilespmem:v28+s3+$0x0], $0xffff  }
0x30e: {  	v30 =	vor.u32 v49, v27;
	v33 =	vand.u32 $0xFFFFFFF8, v42;
	v42 =	vsel vm0, v1, v0;
	v0 =	vld [tilespmem:$0x1FC60];
	_ =	sdelay $0x1  }
0x30f: {  	v26 =	vand.u32 $0xFFFFFFF8, v26;
	v1 =	vld [tilespmem:$0x1FCC0]  }
0x310: {  	v26 =	vor.u32 v19, v26  }
0x311: {  	[tilespmem:v57+s14+$0x0] =	vst.idx.msk $0xffff, v34  }
0x312: {  	[tilespmem:v30+s14+$0x0] =	vst.idx.msk $0xffff, v28;
	v57 =	vadd.s32 v0, v23;
	v28 =	vadd.s32 v0, v25;
	v0 =	vld [tilespmem:$0x1FB80];
	_ =	sdelay $0x1  }
0x313: {  	v51 =	vsel vm0, v1, v51  }
0x314: {  	v26 =	vld.idx.msk [tilespmem:v26+s3+$0x0], $0xffff;
	v49 =	vcombine.low v42, v51  }
0x315: {  	v34 =	vand.u32 $0xFFFFFFF8, v57;
	v57 =	vld [tilespmem:$0x1FCD0]  }
0x316: {  	v30 =	vor.u32 v49, v27;
	v42 =	vsel vm0, v53, v0;
	v0 =	vld [tilespmem:$0x1FC70];
	_ =	sdelay $0x1  }
0x317: {  	v33 =	vor.u32 v19, v33  }
0x318: {  	v28 =	vand.u32 $0xFFFFFFF8, v28  }
0x319: {  	v28 =	vor.u32 v20, v28;
	v53 =	vsel vm0, v57, v59  }
0x31a: {  	[tilespmem:v30+s14+$0x0] =	vst.idx.msk $0xffff, v26;
	v59 =	vadd.s32 v0, v23;
	v26 =	vadd.s32 v0, v25;
	v0 =	vld [tilespmem:$0x1FBD0];
	_ =	sdelay $0x1  }
0x31b: {  	v33 =	vld.idx.msk [tilespmem:v33+s3+$0x0], $0xffff;
	v35 =	vor.u32 v49, v63;
	v49 =	vcombine.low v42, v53  }
0x31c: {  	v34 =	vor.u32 v20, v34;
	v42 =	vld [tilespmem:$0x1FCE0]  }
0x31d: {  	v28 =	vld.idx.msk [tilespmem:v28+s3+$0x0], $0xffff;
	v30 =	vor.u32 v49, v27  }
0x31e: {  	v61 =	vsel vm0, v61, v0;
	v0 =	vld [tilespmem:$0x1FC80];
	_ =	sdelay $0x1  }
0x31f: {  	[tilespmem:v35+s14+$0x0] =	vst.idx.msk $0xffff, v33  }
0x320: {  	v34 =	vld.idx.msk [tilespmem:v34+s3+$0x0], $0xffff  }
0x321: {  	v35 =	vor.u32 v49, v63;
	v33 =	vand.u32 $0xFFFFFFF8, v59;
	v59 =	vsel vm0, v42, v2;
	[tilespmem:v30+s14+$0x0] =	vst.idx.msk $0xffff, v28  }
0x322: {  	v49 =	vcombine.low v61, v59;
	v61 =	vadd.s32 v0, v23;
	v28 =	vadd.s32 v0, v25;
	v0 =	vld [tilespmem:$0x1FCF0];
	_ =	sdelay $0x2  }
0x323: {  	v26 =	vand.u32 $0xFFFFFFF8, v26;
	v33 =	vor.u32 v21, v33  }
0x324: {  	v26 =	vor.u32 v21, v26;
	[tilespmem:v35+s14+$0x0] =	vst.idx.msk $0xffff, v34  }
0x325: {  	v35 =	vor.u32 v49, v63;
	v30 =	vor.u32 v49, v27;
	v49 =	vsel vm0, v0, v8;
	v0 =	vld [tilespmem:$0x1FC20];
	_ =	sdelay $0x2  }
0x326: {  	v33 =	vld.idx.msk [tilespmem:v33+s3+$0x0], $0xffff  }
0x327: {  	v26 =	vld.idx.msk [tilespmem:v26+s3+$0x0], $0xffff  }
0x328: {  	v34 =	vand.u32 $0xFFFFFFF8, v61;
	v61 =	vsel vm0, v3, v0;
	v0 =	vld [tilespmem:$0x1FC90];
	_ =	sdelay $0x1  }
0x329: {  	v28 =	vand.u32 $0xFFFFFFF8, v28;
	v34 =	vor.u32 v36, v34  }
0x32a: {  	v28 =	vor.u32 v36, v28;
	[tilespmem:v35+s14+$0x0] =	vst.idx.msk $0xffff, v33  }
0x32b: {  	[tilespmem:v30+s14+$0x0] =	vst.idx.msk $0xffff, v26  }
0x32c: {  	v49 =	vcombine.low v61, v49;
	v33 =	vadd.s32 v0, v23;
	v26 =	vadd.s32 v0, v25;
	v0 =	vld [tilespmem:$0x1FD10];
	_ =	sdelay $0x1  }
0x32d: {  	v34 =	vld.idx.msk [tilespmem:v34+s3+$0x0], $0xffff;
	v35 =	vor.u32 v49, v63;
	v33 =	vand.u32 $0xFFFFFFF8, v33  }
0x32e: {  	v28 =	vld.idx.msk [tilespmem:v28+s3+$0x0], $0xffff;
	v30 =	vor.u32 v49, v27;
	v33 =	vor.u32 v16, v33  }
0x32f: {  	v26 =	vand.u32 $0xFFFFFFF8, v26  }
0x330: {  	v26 =	vor.u32 v16, v26;
	v49 =	vsel vm0, v0, v1;
	_ =	sdelay $0x1  }
0x331: {  	v57 =	vsel vm0, v4, v57;
	[tilespmem:v35+s14+$0x0] =	vst.idx.msk $0xffff, v34;
	v32 =	vcombine.low v32, v49  }
0x332: {  	[tilespmem:v30+s14+$0x0] =	vst.idx.msk $0xffff, v28;
	v33 =	vld.idx.msk [tilespmem:v33+s3+$0x0], $0xffff;
	v49 =	vmovc v39;
	v39 =	vmov v43;
	v43 =	vmov v48;
	v48 =	vmov v58  }
0x333: {  	v58 =	vmovc v22;
	v35 =	vor.u32 v32, v63;
	v30 =	vor.u32 v32, v27;
	v32 =	vcombine.low v37, v57;
	v37 =	vld [tilespmem:$0x1FF00]  }
0x334: {  	v26 =	vld.idx.msk [tilespmem:v26+s3+$0x0], $0xffff;
	v34 =	vadd.s32 v58, v23  }
0x335: {  	v28 =	vadd.s32 v58, v25;
	v34 =	vand.u32 $0xFFFFFFF8, v34  }
0x336: {  	v28 =	vand.u32 $0xFFFFFFF8, v28;
	v34 =	vor.u32 v17, v34  }
0x337: {  	v28 =	vor.u32 v17, v28  }
0x338: {  	v22 =	vmov v29;
	[tilespmem:v35+s14+$0x0] =	vst.idx.msk $0xffff, v33;
	v33 =	vadd.s32 v37, v23  }
0x339: {  	v0 =	vld [tilespmem:$0x1FD00];
	[tilespmem:v30+s14+$0x0] =	vst.idx.msk $0xffff, v26;
	v26 =	vadd.s32 v37, v25;
	v37 =	vsel vm0, v22, v42  }
0x33a: {  	v57 =	vor.u32 v32, v63;
	v30 =	vor.u32 v32, v27;
	v32 =	vcombine.low v38, v37;
	v38 =	vld [tilespmem:$0x1FF10]  }
0x33b: {  	v33 =	vand.u32 $0xFFFFFFF8, v33;
	v34 =	vld.idx.msk [tilespmem:v34+s3+$0x0], $0xffff  }
0x33c: {  	v26 =	vand.u32 $0xFFFFFFF8, v26;
	v33 =	vor.u32 v18, v33;
	v28 =	vld.idx.msk [tilespmem:v28+s3+$0x0], $0xffff  }
0x33d: {  	v26 =	vor.u32 v18, v26;
	_ =	sdelay $0x1  }
0x33e: {  	v37 =	vcombine.low v41, v0  }
0x33f: {  	v0 =	vld [tilespmem:$0x1FCA0];
	v42 =	vadd.s32 v38, v23;
	[tilespmem:v57+s14+$0x0] =	vst.idx.msk $0xffff, v34;
	v57 =	vor.u32 v32, v63  }
0x340: {  	v34 =	vand.u32 $0xFFFFFFF8, v42;
	[tilespmem:v30+s14+$0x0] =	vst.idx.msk $0xffff, v28;
	v30 =	vadd.s32 v38, v25;
	v33 =	vld.idx.msk [tilespmem:v33+s3+$0x0], $0xffff  }
0x341: {  	v32 =	vor.u32 v32, v27;
	v28 =	vor.u32 v45, v34;
	v26 =	vld.idx.msk [tilespmem:v26+s3+$0x0], $0xffff;
	v30 =	vand.u32 $0xFFFFFFF8, v30  }
0x342: {  	v30 =	vor.u32 v45, v30;
	_ =	sdelay $0x2  }
0x343: {  	v38 =	vadd.s32 v0, v23;
	[tilespmem:v57+s14+$0x0] =	vst.idx.msk $0xffff, v33;
	v57 =	vadd.s32 v0, v25;
	v0 =	vld [tilespmem:$0x1FD20]  }
0x344: {  	v42 =	vand.u32 $0xFFFFFFF8, v38;
	[tilespmem:v32+s14+$0x0] =	vst.idx.msk $0xffff, v26;
	v26 =	vor.u32 v37, v63;
	v28 =	vld.idx.msk [tilespmem:v28+s3+$0x0], $0xffff  }
0x345: {  	v32 =	vor.u32 v19, v42;
	v33 =	vor.u32 v37, v27;
	v30 =	vld.idx.msk [tilespmem:v30+s3+$0x0], $0xffff  }
0x346: {  	v34 =	vand.u32 $0xFFFFFFF8, v57  }
0x347: {  	v2 =	vmov v10;
	v10 =	vld [tilespmem:$0x1FFF0];
	v34 =	vor.u32 v19, v34  }
0x348: {  	v38 =	vld [tilespmem:$0x1FF30];
	v37 =	vcombine.low v51, v0  }
0x349: {  	v0 =	vld [tilespmem:$0x1FD30];
	[tilespmem:v26+s14+$0x0] =	vst.idx.msk $0xffff, v28  }
0x34a: {  	[tilespmem:v33+s14+$0x0] =	vst.idx.msk $0xffff, v30;
	v30 =	vadd.s32 v60, v23;
	v26 =	vld.idx.msk [tilespmem:v32+s3+$0x0], $0xffff;
	v28 =	vor.u32 v37, v63  }
0x34b: {  	v8 =	vmovc v6;
	v6 =	vmovc v15;
	v15 =	vld [tilespmem:$0x1FFA0];
	v30 =	vand.u32 $0xFFFFFFF8, v30;
	v33 =	vor.u32 v37, v27;
	v37 =	vadd.s32 v60, v25  }
0x34c: {  	v32 =	vld.idx.msk [tilespmem:v34+s3+$0x0], $0xffff;
	v30 =	vor.u32 v20, v30;
	v34 =	vand.u32 $0xFFFFFFF8, v37  }
0x34d: {  	v3 =	vmov v12;
	v12 =	vld [tilespmem:$0x1FFD0];
	v61 =	vmov v54;
	v34 =	vor.u32 v20, v34  }
0x34e: {  	v54 =	vmovc v56;
	v56 =	vmovc v24;
	v24 =	vmov v4;
	v4 =	vmov v13;
	v13 =	vld [tilespmem:$0x1FFC0];
	v1 =	vmov v9  }
0x34f: {  	v9 =	vmov v50;
	v50 =	vld [tilespmem:$0x1FF20];
	v23 =	vadd.s32 v38, v23;
	[tilespmem:v28+s14+$0x0] =	vst.idx.msk $0xffff, v26;
	v26 =	vcombine.low v53, v0  }
0x350: {  	v29 =	vmov v11;
	v11 =	vld [tilespmem:$0x1FFE0];
	v23 =	vand.u32 $0xFFFFFFF8, v23  }
0x351: {  	v25 =	vadd.s32 v38, v25;
	[tilespmem:v33+s14+$0x0] =	vst.idx.msk $0xffff, v32;
	v28 =	vld.idx.msk [tilespmem:v30+s3+$0x0], $0xffff;
	v30 =	vor.u32 v26, v63  }
0x352: {  	v23 =	vor.u32 v21, v23;
	v25 =	vand.u32 $0xFFFFFFF8, v25;
	v32 =	vld.idx.msk [tilespmem:v34+s3+$0x0], $0xffff;
	v26 =	vor.u32 v26, v27  }
0x353: {  	v41 =	vld [tilespmem:$0x1FEE0];
	v25 =	vor.u32 v21, v25  }
0x354: {  	v42 =	vld [tilespmem:$0x1FF40]  }
0x355: {  	v57 =	vld [tilespmem:$0x1FF90];
	v38 =	vcombine.low v59, v29  }
0x356: {  	v51 =	vmov v31;
	v31 =	vmov v60;
	v60 =	vld [tilespmem:$0x1FEF0];
	[tilespmem:v30+s14+$0x0] =	vst.idx.msk $0xffff, v28  }
0x357: {  	s17 =	sadd.s32 $0x2, s17;
	[tilespmem:v26+s14+$0x0] =	vst.idx.msk $0xffff, v32;
	v26 =	vor.u32 v38, v63;
	v23 =	vld.idx.msk [tilespmem:v23+s3+$0x0], $0xffff  }
0x358: {  	p0 =	slt.u32 s17, $0x1E;
	v27 =	vor.u32 v38, v27;
	v25 =	vld.idx.msk [tilespmem:v25+s3+$0x0], $0xffff  }
.Ltmp0:
0x359: {  	v59 =	vmov v46;
	v46 =	vmov v47;
	v47 =	vld [tilespmem:$0x1FF50];
	(pc) =	sbr.rel @p0 .LBB2_2-.Ltmp0, $4  }
0x35a: {  	v53 =	vmov v55;
	v55 =	vmov v5;
	v5 =	vmov v14;
	v14 =	vld [tilespmem:$0x1FFB0]  }
0x35b: {  	v0 =	vmov v7;
	v7 =	vmov v44;
	v44 =	vld [tilespmem:$0x1FF60]  }
0x35c: {  	v33 =	vld [tilespmem:$0x1FF70];
	[tilespmem:v26+s14+$0x0] =	vst.idx.msk $0xffff, v23  }
0x35d: {  	s19 =	sadd.s32 $0x20, s19;
	s18 =	sadd.s32 $0x20, s18;
	v34 =	vld [tilespmem:$0x1FF80];
	[tilespmem:v27+s14+$0x0] =	vst.idx.msk $0xffff, v25  }
0x35e: {  	s16 =	sadd.s32 $0x1, s16  }
0x35f: {  	p0 =	sne.s32 s16, s8  }
.Ltmp1:
0x360: {  	_ = 	snop;
	(pc) =	sbr.rel @p0 .LBB2_1-.Ltmp1, $4  }
0x361: {  	[hbm4b:s7+s3] =	stream.linear.scatter [tilespmem:s14], [sflag:$0x3], $0x10000, $0x38;
	[tilespmem:$0x11700] =	vst v63  }
0x362: {  	_ =	swait.ge [sflag:s15], $0x10000  }
0x363: {  	[sflag:s15] =	ssyncset.done $0x0  }
0x364: {  	[sflag:s15] =	ssyncadd.s32 $0xFFFF0000  }
0x365: {  	_ =	sfence.sel $0x180000  }
0x366: {  	[bflag:$0x0] =	sbarrier.arrive $0xFFFF  }
0x367: {  	p0 =	sne.s32 s2, $0x0;
	_ =	strace $0x90000047  }
0x368: {  	s0 =	sadd.s32 @!p0 $0x100000, s1;
	[bflag:$0x2] =	sbarrier.arrive $0xFFFF  }
0x369: {  	[sflag:s0] =	ssyncadd.tile.s32 @!p0 $0x1;
	_ =	shalt  }
.Lfunc_end2:
_tile_overlayer_lowered:
.L_overlay_start_2:
0x36a: {  	(tag) =	ssettag $0x2  }
0x36b: {  	s0 =	rddreg [dreg:$0x0];
	s2 =	stileid.u32  }
0x36c: {  	s1 =	rddreg [dreg:$0x1];
	p0 =	sne.s32 s2, $0x0  }
0x36d: {  	s3 =	rddreg [dreg:$0x2];
	[bflag:$0x3] =	sbarrier.arrive $0xFFFF;
	s2 =	simm.s32 @!p0 $0x1C04  }
0x36e: {  	[timem:s3], [sflag:s2] =	dma.local @!p0 [hbm:s0], s1  }
0x36f: {  	s0 =	simm.s32 @!p0 $0x4  }
0x370: {  	_ =	swait.ge @!p0 [sflag:s0], s1  }
0x371: {  	s1 =	ssub.s32 @!p0 $0x0, s1;
	[sflag:s0] =	ssyncset.done @!p0 $0x0  }
0x372: {  	[sflag:s0] =	ssyncadd.s32 @!p0 s1  }
0x373: {  	[bflag:$0x3] =	sbarrier.arrive $0xFFFF  }
0x374: {  	_ =	shalt  }

</sc_bundles>
